<compile_context>
chip_gen: v7x
topology: tpu7x:2x2x1
jax: 0.10.2.dev20260603
libtpu: 0.0.44.dev20260713+nightly
codegen_flags: <defaults>
</compile_context>

<pallas_src>
import jax
import jax.numpy as jnp
from jax import lax
from jax.experimental import pallas as pl
from jax.experimental.pallas import tpu as pltpu
from jax.experimental.pallas import tpu_sc as plsc

NUM_CORES = 2
NUM_SUBCORES = 16
NUM_WORKERS = NUM_CORES * NUM_SUBCORES

B = 1024
T = 200
D = 128
LANES = 16
CHUNK = 128
TOTAL = B * T
ROWS_PER_W = TOTAL // NUM_WORKERS
CHUNKS_PER_W = ROWS_PER_W // CHUNK
RING = 5
GROUPS = CHUNKS_PER_W // RING


def _embed_kernel(idx_hbm, table_hbm, te_hbm, out_hbm,
                  idx_v, bufs, te_v, table_sh, gsem, osem):
    wid = lax.axis_index("s") * NUM_CORES + lax.axis_index("c")
    row0 = wid * ROWS_PER_W

    sid = lax.axis_index("s")

    @pl.when(sid < NUM_SUBCORES - 1)
    def _():
        pltpu.sync_copy(table_hbm.at[pl.ds(sid * 64, 64)],
                        table_sh.at[pl.ds(sid * 64, 64)])

    @pl.when(sid == NUM_SUBCORES - 1)
    def _():
        pltpu.sync_copy(table_hbm.at[pl.ds(960, 40)],
                        table_sh.at[pl.ds(960, 40)])

    pltpu.sync_copy(te_hbm, te_v)
    pltpu.sync_copy(idx_hbm.at[wid], idx_v)
    plsc.subcore_barrier()

    def gather_copy(c, b):
        return pltpu.make_async_copy(
            table_sh.at[idx_v.at[c]], bufs.at[b], gsem.at[b])

    def out_copy(c, b):
        return pltpu.make_async_copy(
            bufs.at[b], out_hbm.at[pl.ds(row0 + c * CHUNK, CHUNK)],
            osem.at[b])

    def add_te(c, b):
        phase = lax.rem(c * CHUNK, T)

        @plsc.parallel_loop(0, CHUNK, unroll=4)
        def _(i):
            s = phase + i
            r = s - lax.select(s >= T, T, 0)
            for j in range(D // LANES):
                sl = pl.ds(j * LANES, LANES)
                plsc.addupdate(bufs.at[b, i, sl], te_v[r, sl])

    gather_copy(0, 0).start()
    gather_copy(1, 1).start()

    def group(g, carry):
        for u in range(RING):
            c = g * RING + u
            ob = (u + RING - 2) % RING
            if u >= 2:
                out_copy(c - 2, ob).wait()
            else:
                @pl.when(g >= 1)
                def _():
                    out_copy(c - 2, ob).wait()
            nb = (u + 2) % RING
            if u < RING - 2:
                gather_copy(c + 2, nb).start()
            else:
                @pl.when(g < GROUPS - 1)
                def _():
                    gather_copy(c + 2, nb).start()
            gather_copy(c, u).wait()
            add_te(c, u)
            out_copy(c, u).start()
        return carry

    lax.fori_loop(0, GROUPS, group, 0)

    out_copy(CHUNKS_PER_W - 2, (CHUNKS_PER_W - 2) % RING).wait()
    out_copy(CHUNKS_PER_W - 1, (CHUNKS_PER_W - 1) % RING).wait()


def kernel(actions, embedding_table, time_embed):
    idx = actions.reshape(NUM_WORKERS, CHUNKS_PER_W, CHUNK).astype(jnp.int32)
    te = time_embed.reshape(T, D)

    mesh = plsc.VectorSubcoreMesh(
        core_axis_name="c", subcore_axis_name="s",
        num_cores=NUM_CORES, num_subcores=NUM_SUBCORES,
    )
    out = pl.kernel(
        _embed_kernel,
        out_type=jax.ShapeDtypeStruct((TOTAL, D), jnp.float32),
        mesh=mesh,
        scratch_types=[
            pltpu.VMEM((CHUNKS_PER_W, CHUNK), jnp.int32),
            pltpu.VMEM((RING, CHUNK, D), jnp.float32),
            pltpu.VMEM((T, D), jnp.float32),
            pltpu.VMEM_SHARED((1000, D), jnp.float32),
            pltpu.SemaphoreType.DMA((RING,)),
            pltpu.SemaphoreType.DMA((RING,)),
        ],
    )(idx, embedding_table, te)
    return out.reshape(B, T, D)

# --- scband reference (transcript-rebuilt; emitter-appended) ---
"""Pipeline reference for scband-action-embedder-4939212390561 (READ-ONLY COPY).

The authoritative reference and input builder live on the scoring server;
editing this copy changes nothing except your own understanding.
"""

import jax, jax.numpy as jnp
import numpy as np


def get_1d_sincos_pos_embed_from_grid(embed_dim, pos):
    assert embed_dim % 2 == 0
    omega = np.arange(embed_dim // 2, dtype=np.float64)
    omega /= embed_dim / 2.0
    omega = 1.0 / 10000 ** omega
    pos = pos.reshape(-1)
    out = np.einsum('m,d->md', pos, omega)
    emb_sin = np.sin(out)
    emb_cos = np.cos(out)
    emb = np.concatenate([emb_sin, emb_cos], axis=1)
    return emb


NUM_ACTIONS = 1000
NUM_COND_STEPS = 200
HIDDEN_SIZE = 128
BATCH = 1024


def setup_inputs(seed: int = 0) -> dict:
    key = jax.random.key(seed)
    k1, k2 = jax.random.split(key)
    actions = jax.random.randint(k1, (BATCH, NUM_COND_STEPS), 0, NUM_ACTIONS, dtype=jnp.int64 if jax.config.jax_enable_x64 else jnp.int32)
    # nn.Embedding default init: N(0, 1)
    embedding_table = jax.random.normal(k2, (NUM_ACTIONS, HIDDEN_SIZE), dtype=jnp.float32)
    time_embed_np = get_1d_sincos_pos_embed_from_grid(HIDDEN_SIZE, np.arange(NUM_COND_STEPS, dtype=np.float32))
    time_embed = jnp.asarray(time_embed_np, dtype=jnp.float32)[None, :, :]  # (1, T, D)
    return {"actions": actions, "embedding_table": embedding_table, "time_embed": time_embed}


def reference(actions, embedding_table, time_embed):
    # embedding lookup (gather) + broadcast add of fixed sincos time embedding
    embeddings = jnp.take(embedding_table, actions, axis=0)  # (B, T, D)
    embeddings = embeddings + time_embed
    return embeddings

if __name__ == "__main__":
    import jax
    _d = setup_inputs()
    print(jax.jit(kernel)(*tuple(_d.values())))

</pallas_src>

<mosaic_0001>
#map = affine_map<(d0, d1) -> (0, 0, 0)>
#map1 = affine_map<(d0, d1) -> (0, 0)>
module attributes {stable_mosaic.version = 14 : i64} {
  func.func @_embed_kernel(%arg0: i32, %arg1: i32, %arg2: memref<32x50x128xi32, #tpu.memory_space<hbm>>, %arg3: memref<1000x128xf32, #tpu.memory_space<hbm>>, %arg4: memref<200x128xf32, #tpu.memory_space<hbm>>, %arg5: memref<204800x128xf32, #tpu.memory_space<hbm>>, %arg6: memref<50x128xi32, #tpu.memory_space<vmem>>, %arg7: memref<5x128x128xf32, #tpu.memory_space<vmem>>, %arg8: memref<200x128xf32, #tpu.memory_space<vmem>>, %arg9: memref<1000x128xf32, #tpu.memory_space<vmem_shared>>, %arg10: memref<5x!tpu.dma_semaphore, #tpu.memory_space<semaphore_mem>>, %arg11: memref<5x!tpu.dma_semaphore, #tpu.memory_space<semaphore_mem>>) attributes {dimension_semantics = [#tpu.dimension_semantics<core_parallel>, #tpu.dimension_semantics<subcore_parallel>], iteration_bounds = array<i64: 2, 16>, scalar_prefetch = 0 : i64, scratch_operands = 6 : i64, tpu.core_type = #tpu.core_type<sc_vector_subcore>, window_params = [{transform_indices = #map}, {transform_indices = #map1}, {transform_indices = #map1}, {transform_indices = #map1}]} {
    %mul3A = arith.constant 2 : i32
    %mul3A_0 = arith.muli %arg1, %mul3A : i32
    %add3A = arith.addi %mul3A_0, %arg0 : i32
    %mul3A_1 = arith.constant 6400 : i32
    %mul3A_2 = arith.muli %add3A, %mul3A_1 : i32
    %lt3A = arith.constant 15 : i32
    %lt3A_3 = arith.cmpi slt, %arg1, %lt3A : i32
    %convert_element_type3A = arith.extui %lt3A_3 : i1 to i32
    %cond3A = arith.constant 0 : i32
    %cond3A_4 = arith.cmpi ne, %convert_element_type3A, %cond3A : i32
    scf.if %cond3A_4 {
      %mul3A_78 = arith.constant 64 : i32
      %mul3A_79 = arith.muli %arg1, %mul3A_78 : i32
      %mul3A_80 = arith.constant 64 : i32
      %mul3A_81 = arith.muli %arg1, %mul3A_80 : i32
      "tpu.region"() ({
        %run_scoped3A = tpu.sem_alloc : memref<!tpu.dma_semaphore, #tpu.memory_space<semaphore_mem>>
        %dma_start3A_82 = arith.constant 0 : i32
        %dma_start3A_83 = tpu.memref_slice %arg9[%mul3A_81, %dma_start3A_82] : memref<1000x128xf32, #tpu.memory_space<vmem_shared>> -> memref<64x128xf32, #tpu.memory_space<vmem_shared>>
        %dma_start3A_84 = arith.constant 0 : i32
        %dma_start3A_85 = tpu.memref_slice %arg3[%mul3A_79, %dma_start3A_84] : memref<1000x128xf32, #tpu.memory_space<hbm>> -> memref<64x128xf32, #tpu.memory_space<hbm>>
        tpu.enqueue_dma source(%dma_start3A_85 : memref<64x128xf32, #tpu.memory_space<hbm>>) target(%dma_start3A_83 : memref<64x128xf32, #tpu.memory_space<vmem_shared>>) target_semaphore(%run_scoped3A : memref<!tpu.dma_semaphore, #tpu.memory_space<semaphore_mem>>)
        %dma_wait3A_86 = arith.constant 0 : i32
        %dma_wait3A_87 = tpu.memref_slice %arg9[%mul3A_81, %dma_wait3A_86] : memref<1000x128xf32, #tpu.memory_space<vmem_shared>> -> memref<64x128xf32, #tpu.memory_space<vmem_shared>>
        %dma_wait3A_88 = arith.constant 0 : i32
        %dma_wait3A_89 = tpu.memref_slice %arg3[%mul3A_79, %dma_wait3A_88] : memref<1000x128xf32, #tpu.memory_space<hbm>> -> memref<64x128xf32, #tpu.memory_space<hbm>>
        tpu.wait_dma2 semaphore(%run_scoped3A : memref<!tpu.dma_semaphore, #tpu.memory_space<semaphore_mem>>) src(%dma_wait3A_89 : memref<64x128xf32, #tpu.memory_space<hbm>>) dst(%dma_wait3A_87 : memref<64x128xf32, #tpu.memory_space<vmem_shared>>)
        tpu.yield
      }) : () -> ()
    } else {
    }
    %eq3A = arith.constant 15 : i32
    %eq3A_5 = arith.cmpi eq, %arg1, %eq3A : i32
    %convert_element_type3A_6 = arith.extui %eq3A_5 : i1 to i32
    %cond3A_7 = arith.constant 0 : i32
    %cond3A_8 = arith.cmpi ne, %convert_element_type3A_6, %cond3A_7 : i32
    scf.if %cond3A_8 {
      "tpu.region"() ({
        %run_scoped3A = tpu.sem_alloc : memref<!tpu.dma_semaphore, #tpu.memory_space<semaphore_mem>>
        %dma_start3A_78 = arith.constant 960 : i32
        %dma_start3A_79 = arith.constant 0 : i32
        %dma_start3A_80 = tpu.memref_slice %arg9[%dma_start3A_78, %dma_start3A_79] : memref<1000x128xf32, #tpu.memory_space<vmem_shared>> -> memref<40x128xf32, #tpu.memory_space<vmem_shared>>
        %dma_start3A_81 = arith.constant 960 : i32
        %dma_start3A_82 = arith.constant 0 : i32
        %dma_start3A_83 = tpu.memref_slice %arg3[%dma_start3A_81, %dma_start3A_82] : memref<1000x128xf32, #tpu.memory_space<hbm>> -> memref<40x128xf32, #tpu.memory_space<hbm>>
        tpu.enqueue_dma source(%dma_start3A_83 : memref<40x128xf32, #tpu.memory_space<hbm>>) target(%dma_start3A_80 : memref<40x128xf32, #tpu.memory_space<vmem_shared>>) target_semaphore(%run_scoped3A : memref<!tpu.dma_semaphore, #tpu.memory_space<semaphore_mem>>)
        %dma_wait3A_84 = arith.constant 960 : i32
        %dma_wait3A_85 = arith.constant 0 : i32
        %dma_wait3A_86 = tpu.memref_slice %arg9[%dma_wait3A_84, %dma_wait3A_85] : memref<1000x128xf32, #tpu.memory_space<vmem_shared>> -> memref<40x128xf32, #tpu.memory_space<vmem_shared>>
        %dma_wait3A_87 = arith.constant 960 : i32
        %dma_wait3A_88 = arith.constant 0 : i32
        %dma_wait3A_89 = tpu.memref_slice %arg3[%dma_wait3A_87, %dma_wait3A_88] : memref<1000x128xf32, #tpu.memory_space<hbm>> -> memref<40x128xf32, #tpu.memory_space<hbm>>
        tpu.wait_dma2 semaphore(%run_scoped3A : memref<!tpu.dma_semaphore, #tpu.memory_space<semaphore_mem>>) src(%dma_wait3A_89 : memref<40x128xf32, #tpu.memory_space<hbm>>) dst(%dma_wait3A_86 : memref<40x128xf32, #tpu.memory_space<vmem_shared>>)
        tpu.yield
      }) : () -> ()
    } else {
    }
    "tpu.region"() ({
      %run_scoped3A = tpu.sem_alloc : memref<!tpu.dma_semaphore, #tpu.memory_space<semaphore_mem>>
      tpu.enqueue_dma source(%arg4 : memref<200x128xf32, #tpu.memory_space<hbm>>) target(%arg8 : memref<200x128xf32, #tpu.memory_space<vmem>>) target_semaphore(%run_scoped3A : memref<!tpu.dma_semaphore, #tpu.memory_space<semaphore_mem>>)
      tpu.wait_dma2 semaphore(%run_scoped3A : memref<!tpu.dma_semaphore, #tpu.memory_space<semaphore_mem>>) src(%arg4 : memref<200x128xf32, #tpu.memory_space<hbm>>) dst(%arg8 : memref<200x128xf32, #tpu.memory_space<vmem>>)
      tpu.yield
    }) : () -> ()
    "tpu.region"() ({
      %run_scoped3A = tpu.sem_alloc : memref<!tpu.dma_semaphore, #tpu.memory_space<semaphore_mem>>
      %dma_start3A_78 = arith.constant 0 : i32
      %dma_start3A_79 = arith.constant 0 : i32
      %dma_start3A_80 = tpu.memref_slice %arg2[%add3A, %dma_start3A_78, %dma_start3A_79] : memref<32x50x128xi32, #tpu.memory_space<hbm>> -> memref<1x50x128xi32, #tpu.memory_space<hbm>>
      %dma_start3A_81 = tpu.memref_squeeze %dma_start3A_80 : memref<1x50x128xi32, #tpu.memory_space<hbm>> -> memref<50x128xi32, #tpu.memory_space<hbm>>
      %dma_start3A_82 = arith.constant 0 : i32
      %dma_start3A_83 = arith.constant 0 : i32
      %dma_start3A_84 = tpu.memref_slice %arg2[%add3A, %dma_start3A_82, %dma_start3A_83] : memref<32x50x128xi32, #tpu.memory_space<hbm>> -> memref<1x50x128xi32, #tpu.memory_space<hbm>>
      %dma_start3A_85 = tpu.memref_squeeze %dma_start3A_84 : memref<1x50x128xi32, #tpu.memory_space<hbm>> -> memref<50x128xi32, #tpu.memory_space<hbm>>
      tpu.enqueue_dma source(%dma_start3A_85 : memref<50x128xi32, #tpu.memory_space<hbm>>) target(%arg6 : memref<50x128xi32, #tpu.memory_space<vmem>>) target_semaphore(%run_scoped3A : memref<!tpu.dma_semaphore, #tpu.memory_space<semaphore_mem>>)
      %dma_wait3A_86 = arith.constant 0 : i32
      %dma_wait3A_87 = arith.constant 0 : i32
      %dma_wait3A_88 = tpu.memref_slice %arg2[%add3A, %dma_wait3A_86, %dma_wait3A_87] : memref<32x50x128xi32, #tpu.memory_space<hbm>> -> memref<1x50x128xi32, #tpu.memory_space<hbm>>
      %dma_wait3A_89 = tpu.memref_squeeze %dma_wait3A_88 : memref<1x50x128xi32, #tpu.memory_space<hbm>> -> memref<50x128xi32, #tpu.memory_space<hbm>>
      %dma_wait3A_90 = arith.constant 0 : i32
      %dma_wait3A_91 = arith.constant 0 : i32
      %dma_wait3A_92 = tpu.memref_slice %arg2[%add3A, %dma_wait3A_90, %dma_wait3A_91] : memref<32x50x128xi32, #tpu.memory_space<hbm>> -> memref<1x50x128xi32, #tpu.memory_space<hbm>>
      %dma_wait3A_93 = tpu.memref_squeeze %dma_wait3A_92 : memref<1x50x128xi32, #tpu.memory_space<hbm>> -> memref<50x128xi32, #tpu.memory_space<hbm>>
      tpu.wait_dma2 semaphore(%run_scoped3A : memref<!tpu.dma_semaphore, #tpu.memory_space<semaphore_mem>>) src(%dma_wait3A_93 : memref<50x128xi32, #tpu.memory_space<hbm>>) dst(%arg6 : memref<50x128xi32, #tpu.memory_space<vmem>>)
      tpu.yield
    }) : () -> ()
    %barrier3A = arith.constant 0 : index
    tpu.barrier barrier_id(%barrier3A)
    %dma_start3A = arith.constant 0 : i32
    %dma_start3A_9 = arith.constant 0 : i32
    %dma_start3A_10 = arith.constant 0 : i32
    %dma_start3A_11 = arith.constant 0 : i32
    %dma_start3A_12 = arith.constant 0 : i32
    %dma_start3A_13 = tpu.memref_slice %arg7[%dma_start3A_9, %dma_start3A_11, %dma_start3A_12] : memref<5x128x128xf32, #tpu.memory_space<vmem>> -> memref<1x128x128xf32, #tpu.memory_space<vmem>>
    %dma_start3A_14 = tpu.memref_squeeze %dma_start3A_13 : memref<1x128x128xf32, #tpu.memory_space<vmem>> -> memref<128x128xf32, #tpu.memory_space<vmem>>
    %dma_start3A_15 = arith.constant 0 : i32
    %dma_start3A_16 = tpu.memref_slice %arg6[%dma_start3A, %dma_start3A_15] : memref<50x128xi32, #tpu.memory_space<vmem>> -> memref<1x128xi32, #tpu.memory_space<vmem>>
    %dma_start3A_17 = tpu.memref_squeeze %dma_start3A_16 : memref<1x128xi32, #tpu.memory_space<vmem>> -> memref<128xi32, #tpu.memory_space<vmem>>
    %dma_start3A_18 = arith.constant 0 : i32
    %dma_start3A_19 = arith.constant 0 : i32
    %dma_start3A_20 = tpu.memref_slice %arg9[%dma_start3A_18, %dma_start3A_19] : memref<1000x128xf32, #tpu.memory_space<vmem_shared>> -> memref<1000x128xf32, #tpu.memory_space<vmem_shared>>
    %dma_start3A_21 = tpu.memref_slice %arg10[%dma_start3A_10] : memref<5x!tpu.dma_semaphore, #tpu.memory_space<semaphore_mem>> -> memref<1x!tpu.dma_semaphore, #tpu.memory_space<semaphore_mem>>
    %dma_start3A_22 = tpu.memref_squeeze %dma_start3A_21 : memref<1x!tpu.dma_semaphore, #tpu.memory_space<semaphore_mem>> -> memref<!tpu.dma_semaphore, #tpu.memory_space<semaphore_mem>>
    tpu.enqueue_indirect_dma source(%dma_start3A_20 : memref<1000x128xf32, #tpu.memory_space<vmem_shared>>) target(%dma_start3A_14 : memref<128x128xf32, #tpu.memory_space<vmem>>) offsets(%dma_start3A_17 : memref<128xi32, #tpu.memory_space<vmem>>) semaphore(%dma_start3A_22 : memref<!tpu.dma_semaphore, #tpu.memory_space<semaphore_mem>>)
    %dma_start3A_23 = arith.constant 1 : i32
    %dma_start3A_24 = arith.constant 1 : i32
    %dma_start3A_25 = arith.constant 1 : i32
    %dma_start3A_26 = arith.constant 0 : i32
    %dma_start3A_27 = arith.constant 0 : i32
    %dma_start3A_28 = tpu.memref_slice %arg7[%dma_start3A_24, %dma_start3A_26, %dma_start3A_27] : memref<5x128x128xf32, #tpu.memory_space<vmem>> -> memref<1x128x128xf32, #tpu.memory_space<vmem>>
    %dma_start3A_29 = tpu.memref_squeeze %dma_start3A_28 : memref<1x128x128xf32, #tpu.memory_space<vmem>> -> memref<128x128xf32, #tpu.memory_space<vmem>>
    %dma_start3A_30 = arith.constant 0 : i32
    %dma_start3A_31 = tpu.memref_slice %arg6[%dma_start3A_23, %dma_start3A_30] : memref<50x128xi32, #tpu.memory_space<vmem>> -> memref<1x128xi32, #tpu.memory_space<vmem>>
    %dma_start3A_32 = tpu.memref_squeeze %dma_start3A_31 : memref<1x128xi32, #tpu.memory_space<vmem>> -> memref<128xi32, #tpu.memory_space<vmem>>
    %dma_start3A_33 = arith.constant 0 : i32
    %dma_start3A_34 = arith.constant 0 : i32
    %dma_start3A_35 = tpu.memref_slice %arg9[%dma_start3A_33, %dma_start3A_34] : memref<1000x128xf32, #tpu.memory_space<vmem_shared>> -> memref<1000x128xf32, #tpu.memory_space<vmem_shared>>
    %dma_start3A_36 = tpu.memref_slice %arg10[%dma_start3A_25] : memref<5x!tpu.dma_semaphore, #tpu.memory_space<semaphore_mem>> -> memref<1x!tpu.dma_semaphore, #tpu.memory_space<semaphore_mem>>
    %dma_start3A_37 = tpu.memref_squeeze %dma_start3A_36 : memref<1x!tpu.dma_semaphore, #tpu.memory_space<semaphore_mem>> -> memref<!tpu.dma_semaphore, #tpu.memory_space<semaphore_mem>>
    tpu.enqueue_indirect_dma source(%dma_start3A_35 : memref<1000x128xf32, #tpu.memory_space<vmem_shared>>) target(%dma_start3A_29 : memref<128x128xf32, #tpu.memory_space<vmem>>) offsets(%dma_start3A_32 : memref<128xi32, #tpu.memory_space<vmem>>) semaphore(%dma_start3A_37 : memref<!tpu.dma_semaphore, #tpu.memory_space<semaphore_mem>>)
    %scan3A = arith.constant 0 : i32
    %scan3A_38 = arith.constant 0 : i32
    %scan3A_39 = arith.constant 10 : i32
    %scan3A_40 = arith.addi %scan3A_38, %scan3A_39 : i32
    %scan3A_41 = arith.constant 1 : i32
    scf.for %scan3A_78 = %scan3A_38 to %scan3A_40 step %scan3A_41  : i32 {
      %mul3A_79 = arith.constant 5 : i32
      %mul3A_80 = arith.muli %scan3A_78, %mul3A_79 : i32
      %add3A_81 = arith.constant 0 : i32
      %add3A_82 = arith.addi %mul3A_80, %add3A_81 : i32
      %ge3A = arith.constant 1 : i32
      %ge3A_83 = arith.cmpi sge, %scan3A_78, %ge3A : i32
      %convert_element_type3A_84 = arith.extui %ge3A_83 : i1 to i32
      %cond3A_85 = arith.constant 0 : i32
      %cond3A_86 = arith.cmpi ne, %convert_element_type3A_84, %cond3A_85 : i32
      scf.if %cond3A_86 {
        %sub3A_426 = arith.constant 2 : i32
        %sub3A_427 = arith.subi %add3A_82, %sub3A_426 : i32
        %mul3A_428 = arith.constant 128 : i32
        %mul3A_429 = arith.muli %sub3A_427, %mul3A_428 : i32
        %add3A_430 = arith.addi %mul3A_2, %mul3A_429 : i32
        %dma_wait3A_431 = arith.constant 3 : i32
        %dma_wait3A_432 = arith.constant 3 : i32
        %dma_wait3A_433 = arith.constant 0 : i32
        %dma_wait3A_434 = arith.constant 0 : i32
        %dma_wait3A_435 = tpu.memref_slice %arg7[%dma_wait3A_431, %dma_wait3A_433, %dma_wait3A_434] : memref<5x128x128xf32, #tpu.memory_space<vmem>> -> memref<1x128x128xf32, #tpu.memory_space<vmem>>
        %dma_wait3A_436 = tpu.memref_squeeze %dma_wait3A_435 : memref<1x128x128xf32, #tpu.memory_space<vmem>> -> memref<128x128xf32, #tpu.memory_space<vmem>>
        %dma_wait3A_437 = arith.constant 0 : i32
        %dma_wait3A_438 = tpu.memref_slice %arg5[%add3A_430, %dma_wait3A_437] : memref<204800x128xf32, #tpu.memory_space<hbm>> -> memref<128x128xf32, #tpu.memory_space<hbm>>
        %dma_wait3A_439 = tpu.memref_slice %arg11[%dma_wait3A_432] : memref<5x!tpu.dma_semaphore, #tpu.memory_space<semaphore_mem>> -> memref<1x!tpu.dma_semaphore, #tpu.memory_space<semaphore_mem>>
        %dma_wait3A_440 = tpu.memref_squeeze %dma_wait3A_439 : memref<1x!tpu.dma_semaphore, #tpu.memory_space<semaphore_mem>> -> memref<!tpu.dma_semaphore, #tpu.memory_space<semaphore_mem>>
        %dma_wait3A_441 = arith.constant 0 : i32
        %dma_wait3A_442 = tpu.memref_slice %arg5[%add3A_430, %dma_wait3A_441] : memref<204800x128xf32, #tpu.memory_space<hbm>> -> memref<128x128xf32, #tpu.memory_space<hbm>>
        %dma_wait3A_443 = arith.constant 0 : i32
        %dma_wait3A_444 = arith.constant 0 : i32
        %dma_wait3A_445 = tpu.memref_slice %arg7[%dma_wait3A_431, %dma_wait3A_443, %dma_wait3A_444] : memref<5x128x128xf32, #tpu.memory_space<vmem>> -> memref<1x128x128xf32, #tpu.memory_space<vmem>>
        %dma_wait3A_446 = tpu.memref_squeeze %dma_wait3A_445 : memref<1x128x128xf32, #tpu.memory_space<vmem>> -> memref<128x128xf32, #tpu.memory_space<vmem>>
        tpu.wait_dma2 semaphore(%dma_wait3A_440 : memref<!tpu.dma_semaphore, #tpu.memory_space<semaphore_mem>>) src(%dma_wait3A_446 : memref<128x128xf32, #tpu.memory_space<vmem>>) dst(%dma_wait3A_442 : memref<128x128xf32, #tpu.memory_space<hbm>>)
      } else {
      }
      %add3A_87 = arith.constant 2 : i32
      %add3A_88 = arith.addi %add3A_82, %add3A_87 : i32
      %dma_start3A_89 = arith.constant 2 : i32
      %dma_start3A_90 = arith.constant 2 : i32
      %dma_start3A_91 = arith.constant 0 : i32
      %dma_start3A_92 = arith.constant 0 : i32
      %dma_start3A_93 = tpu.memref_slice %arg7[%dma_start3A_89, %dma_start3A_91, %dma_start3A_92] : memref<5x128x128xf32, #tpu.memory_space<vmem>> -> memref<1x128x128xf32, #tpu.memory_space<vmem>>
      %dma_start3A_94 = tpu.memref_squeeze %dma_start3A_93 : memref<1x128x128xf32, #tpu.memory_space<vmem>> -> memref<128x128xf32, #tpu.memory_space<vmem>>
      %dma_start3A_95 = arith.constant 0 : i32
      %dma_start3A_96 = tpu.memref_slice %arg6[%add3A_88, %dma_start3A_95] : memref<50x128xi32, #tpu.memory_space<vmem>> -> memref<1x128xi32, #tpu.memory_space<vmem>>
      %dma_start3A_97 = tpu.memref_squeeze %dma_start3A_96 : memref<1x128xi32, #tpu.memory_space<vmem>> -> memref<128xi32, #tpu.memory_space<vmem>>
      %dma_start3A_98 = arith.constant 0 : i32
      %dma_start3A_99 = arith.constant 0 : i32
      %dma_start3A_100 = tpu.memref_slice %arg9[%dma_start3A_98, %dma_start3A_99] : memref<1000x128xf32, #tpu.memory_space<vmem_shared>> -> memref<1000x128xf32, #tpu.memory_space<vmem_shared>>
      %dma_start3A_101 = tpu.memref_slice %arg10[%dma_start3A_90] : memref<5x!tpu.dma_semaphore, #tpu.memory_space<semaphore_mem>> -> memref<1x!tpu.dma_semaphore, #tpu.memory_space<semaphore_mem>>
      %dma_start3A_102 = tpu.memref_squeeze %dma_start3A_101 : memref<1x!tpu.dma_semaphore, #tpu.memory_space<semaphore_mem>> -> memref<!tpu.dma_semaphore, #tpu.memory_space<semaphore_mem>>
      tpu.enqueue_indirect_dma source(%dma_start3A_100 : memref<1000x128xf32, #tpu.memory_space<vmem_shared>>) target(%dma_start3A_94 : memref<128x128xf32, #tpu.memory_space<vmem>>) offsets(%dma_start3A_97 : memref<128xi32, #tpu.memory_space<vmem>>) semaphore(%dma_start3A_102 : memref<!tpu.dma_semaphore, #tpu.memory_space<semaphore_mem>>)
      %dma_wait3A_103 = arith.constant 0 : i32
      %dma_wait3A_104 = arith.constant 0 : i32
      %dma_wait3A_105 = arith.constant 0 : i32
      %dma_wait3A_106 = arith.constant 0 : i32
      %dma_wait3A_107 = tpu.memref_slice %arg7[%dma_wait3A_103, %dma_wait3A_105, %dma_wait3A_106] : memref<5x128x128xf32, #tpu.memory_space<vmem>> -> memref<1x128x128xf32, #tpu.memory_space<vmem>>
      %dma_wait3A_108 = tpu.memref_squeeze %dma_wait3A_107 : memref<1x128x128xf32, #tpu.memory_space<vmem>> -> memref<128x128xf32, #tpu.memory_space<vmem>>
      %dma_wait3A_109 = arith.constant 0 : i32
      %dma_wait3A_110 = tpu.memref_slice %arg6[%add3A_82, %dma_wait3A_109] : memref<50x128xi32, #tpu.memory_space<vmem>> -> memref<1x128xi32, #tpu.memory_space<vmem>>
      %dma_wait3A_111 = tpu.memref_squeeze %dma_wait3A_110 : memref<1x128xi32, #tpu.memory_space<vmem>> -> memref<128xi32, #tpu.memory_space<vmem>>
      %dma_wait3A_112 = arith.constant 0 : i32
      %dma_wait3A_113 = arith.constant 0 : i32
      %dma_wait3A_114 = tpu.memref_slice %arg9[%dma_wait3A_112, %dma_wait3A_113] : memref<1000x128xf32, #tpu.memory_space<vmem_shared>> -> memref<1000x128xf32, #tpu.memory_space<vmem_shared>>
      %dma_wait3A_115 = tpu.memref_slice %arg10[%dma_wait3A_104] : memref<5x!tpu.dma_semaphore, #tpu.memory_space<semaphore_mem>> -> memref<1x!tpu.dma_semaphore, #tpu.memory_space<semaphore_mem>>
      %dma_wait3A_116 = tpu.memref_squeeze %dma_wait3A_115 : memref<1x!tpu.dma_semaphore, #tpu.memory_space<semaphore_mem>> -> memref<!tpu.dma_semaphore, #tpu.memory_space<semaphore_mem>>
      tpu.wait_indirect_dma semaphore(%dma_wait3A_116 : memref<!tpu.dma_semaphore, #tpu.memory_space<semaphore_mem>>) src(%dma_wait3A_114 : memref<1000x128xf32, #tpu.memory_space<vmem_shared>>) dst(%dma_wait3A_108 : memref<128x128xf32, #tpu.memory_space<vmem>>)
      %mul3A_117 = arith.constant 128 : i32
      %mul3A_118 = arith.muli %add3A_82, %mul3A_117 : i32
      %rem3A = arith.constant 200 : i32
      %rem3A_119 = arith.remsi %mul3A_118, %rem3A : i32
      %parallel_loop3A = arith.constant 0 : i32
      %parallel_loop3A_120 = arith.constant 128 : i32
      %parallel_loop3A_121 = arith.constant 1 : i32
      scf.for %parallel_loop3A_426 = %parallel_loop3A to %parallel_loop3A_120 step %parallel_loop3A_121  : i32 {
        %parallel_loop3A_427 = arith.addi %rem3A_119, %parallel_loop3A_426 : i32
        %parallel_loop3A_428 = arith.constant 200 : i32
        %parallel_loop3A_429 = arith.cmpi sge, %parallel_loop3A_427, %parallel_loop3A_428 : i32
        %parallel_loop3A_430 = arith.constant 0 : i32
        %parallel_loop3A_431 = arith.constant 200 : i32
        %parallel_loop3A_432 = arith.select %parallel_loop3A_429, %parallel_loop3A_431, %parallel_loop3A_430 : i32
        %parallel_loop3A_433 = arith.subi %parallel_loop3A_427, %parallel_loop3A_432 : i32
        %parallel_loop3A_434 = arith.index_cast %parallel_loop3A_433 : i32 to index
        %parallel_loop3A_435 = arith.constant 0 : index
        %parallel_loop3A_436 = tpu.vector_load %arg8[%parallel_loop3A_434, %parallel_loop3A_435] {strides = array<i32>} : memref<200x128xf32, #tpu.memory_space<vmem>>, vector<1x16xf32>,
        %parallel_loop3A_437 = vector.shape_cast %parallel_loop3A_436 : vector<1x16xf32> to vector<16xf32>
        %parallel_loop3A_438 = arith.constant 0 : i32
        %parallel_loop3A_439 = arith.index_cast %parallel_loop3A_438 : i32 to index
        %parallel_loop3A_440 = arith.index_cast %parallel_loop3A_426 : i32 to index
        %parallel_loop3A_441 = arith.constant 0 : index
        %parallel_loop3A_442 = tpu.vector_load %arg7[%parallel_loop3A_439, %parallel_loop3A_440, %parallel_loop3A_441] {strides = array<i32>} : memref<5x128x128xf32, #tpu.memory_space<vmem>>, vector<1x1x16xf32>,
        %parallel_loop3A_443 = vector.shape_cast %parallel_loop3A_442 : vector<1x1x16xf32> to vector<16xf32>
        %parallel_loop3A_444 = vector.shape_cast %parallel_loop3A_437 : vector<16xf32> to vector<1x1x16xf32>
        tpu.vector_store %arg7[%parallel_loop3A_439, %parallel_loop3A_440, %parallel_loop3A_441], %parallel_loop3A_444 {add = true, strides = array<i32>} : memref<5x128x128xf32, #tpu.memory_space<vmem>>, vector<1x1x16xf32>,
        %parallel_loop3A_445 = arith.index_cast %parallel_loop3A_433 : i32 to index
        %parallel_loop3A_446 = arith.constant 16 : index
        %parallel_loop3A_447 = tpu.vector_load %arg8[%parallel_loop3A_445, %parallel_loop3A_446] {strides = array<i32>} : memref<200x128xf32, #tpu.memory_space<vmem>>, vector<1x16xf32>,
        %parallel_loop3A_448 = vector.shape_cast %parallel_loop3A_447 : vector<1x16xf32> to vector<16xf32>
        %parallel_loop3A_449 = arith.constant 0 : i32
        %parallel_loop3A_450 = arith.index_cast %parallel_loop3A_449 : i32 to index
        %parallel_loop3A_451 = arith.index_cast %parallel_loop3A_426 : i32 to index
        %parallel_loop3A_452 = arith.constant 16 : index
        %parallel_loop3A_453 = tpu.vector_load %arg7[%parallel_loop3A_450, %parallel_loop3A_451, %parallel_loop3A_452] {strides = array<i32>} : memref<5x128x128xf32, #tpu.memory_space<vmem>>, vector<1x1x16xf32>,
        %parallel_loop3A_454 = vector.shape_cast %parallel_loop3A_453 : vector<1x1x16xf32> to vector<16xf32>
        %parallel_loop3A_455 = vector.shape_cast %parallel_loop3A_448 : vector<16xf32> to vector<1x1x16xf32>
        tpu.vector_store %arg7[%parallel_loop3A_450, %parallel_loop3A_451, %parallel_loop3A_452], %parallel_loop3A_455 {add = true, strides = array<i32>} : memref<5x128x128xf32, #tpu.memory_space<vmem>>, vector<1x1x16xf32>,
        %parallel_loop3A_456 = arith.index_cast %parallel_loop3A_433 : i32 to index
        %parallel_loop3A_457 = arith.constant 32 : index
        %parallel_loop3A_458 = tpu.vector_load %arg8[%parallel_loop3A_456, %parallel_loop3A_457] {strides = array<i32>} : memref<200x128xf32, #tpu.memory_space<vmem>>, vector<1x16xf32>,
        %parallel_loop3A_459 = vector.shape_cast %parallel_loop3A_458 : vector<1x16xf32> to vector<16xf32>
        %parallel_loop3A_460 = arith.constant 0 : i32
        %parallel_loop3A_461 = arith.index_cast %parallel_loop3A_460 : i32 to index
        %parallel_loop3A_462 = arith.index_cast %parallel_loop3A_426 : i32 to index
        %parallel_loop3A_463 = arith.constant 32 : index
        %parallel_loop3A_464 = tpu.vector_load %arg7[%parallel_loop3A_461, %parallel_loop3A_462, %parallel_loop3A_463] {strides = array<i32>} : memref<5x128x128xf32, #tpu.memory_space<vmem>>, vector<1x1x16xf32>,
        %parallel_loop3A_465 = vector.shape_cast %parallel_loop3A_464 : vector<1x1x16xf32> to vector<16xf32>
        %parallel_loop3A_466 = vector.shape_cast %parallel_loop3A_459 : vector<16xf32> to vector<1x1x16xf32>
        tpu.vector_store %arg7[%parallel_loop3A_461, %parallel_loop3A_462, %parallel_loop3A_463], %parallel_loop3A_466 {add = true, strides = array<i32>} : memref<5x128x128xf32, #tpu.memory_space<vmem>>, vector<1x1x16xf32>,
        %parallel_loop3A_467 = arith.index_cast %parallel_loop3A_433 : i32 to index
        %parallel_loop3A_468 = arith.constant 48 : index
        %parallel_loop3A_469 = tpu.vector_load %arg8[%parallel_loop3A_467, %parallel_loop3A_468] {strides = array<i32>} : memref<200x128xf32, #tpu.memory_space<vmem>>, vector<1x16xf32>,
        %parallel_loop3A_470 = vector.shape_cast %parallel_loop3A_469 : vector<1x16xf32> to vector<16xf32>
        %parallel_loop3A_471 = arith.constant 0 : i32
        %parallel_loop3A_472 = arith.index_cast %parallel_loop3A_471 : i32 to index
        %parallel_loop3A_473 = arith.index_cast %parallel_loop3A_426 : i32 to index
        %parallel_loop3A_474 = arith.constant 48 : index
        %parallel_loop3A_475 = tpu.vector_load %arg7[%parallel_loop3A_472, %parallel_loop3A_473, %parallel_loop3A_474] {strides = array<i32>} : memref<5x128x128xf32, #tpu.memory_space<vmem>>, vector<1x1x16xf32>,
        %parallel_loop3A_476 = vector.shape_cast %parallel_loop3A_475 : vector<1x1x16xf32> to vector<16xf32>
        %parallel_loop3A_477 = vector.shape_cast %parallel_loop3A_470 : vector<16xf32> to vector<1x1x16xf32>
        tpu.vector_store %arg7[%parallel_loop3A_472, %parallel_loop3A_473, %parallel_loop3A_474], %parallel_loop3A_477 {add = true, strides = array<i32>} : memref<5x128x128xf32, #tpu.memory_space<vmem>>, vector<1x1x16xf32>,
        %parallel_loop3A_478 = arith.index_cast %parallel_loop3A_433 : i32 to index
        %parallel_loop3A_479 = arith.constant 64 : index
        %parallel_loop3A_480 = tpu.vector_load %arg8[%parallel_loop3A_478, %parallel_loop3A_479] {strides = array<i32>} : memref<200x128xf32, #tpu.memory_space<vmem>>, vector<1x16xf32>,
        %parallel_loop3A_481 = vector.shape_cast %parallel_loop3A_480 : vector<1x16xf32> to vector<16xf32>
        %parallel_loop3A_482 = arith.constant 0 : i32
        %parallel_loop3A_483 = arith.index_cast %parallel_loop3A_482 : i32 to index
        %parallel_loop3A_484 = arith.index_cast %parallel_loop3A_426 : i32 to index
        %parallel_loop3A_485 = arith.constant 64 : index
        %parallel_loop3A_486 = tpu.vector_load %arg7[%parallel_loop3A_483, %parallel_loop3A_484, %parallel_loop3A_485] {strides = array<i32>} : memref<5x128x128xf32, #tpu.memory_space<vmem>>, vector<1x1x16xf32>,
        %parallel_loop3A_487 = vector.shape_cast %parallel_loop3A_486 : vector<1x1x16xf32> to vector<16xf32>
        %parallel_loop3A_488 = vector.shape_cast %parallel_loop3A_481 : vector<16xf32> to vector<1x1x16xf32>
        tpu.vector_store %arg7[%parallel_loop3A_483, %parallel_loop3A_484, %parallel_loop3A_485], %parallel_loop3A_488 {add = true, strides = array<i32>} : memref<5x128x128xf32, #tpu.memory_space<vmem>>, vector<1x1x16xf32>,
        %parallel_loop3A_489 = arith.index_cast %parallel_loop3A_433 : i32 to index
        %parallel_loop3A_490 = arith.constant 80 : index
        %parallel_loop3A_491 = tpu.vector_load %arg8[%parallel_loop3A_489, %parallel_loop3A_490] {strides = array<i32>} : memref<200x128xf32, #tpu.memory_space<vmem>>, vector<1x16xf32>,
        %parallel_loop3A_492 = vector.shape_cast %parallel_loop3A_491 : vector<1x16xf32> to vector<16xf32>
        %parallel_loop3A_493 = arith.constant 0 : i32
        %parallel_loop3A_494 = arith.index_cast %parallel_loop3A_493 : i32 to index
        %parallel_loop3A_495 = arith.index_cast %parallel_loop3A_426 : i32 to index
        %parallel_loop3A_496 = arith.constant 80 : index
        %parallel_loop3A_497 = tpu.vector_load %arg7[%parallel_loop3A_494, %parallel_loop3A_495, %parallel_loop3A_496] {strides = array<i32>} : memref<5x128x128xf32, #tpu.memory_space<vmem>>, vector<1x1x16xf32>,
        %parallel_loop3A_498 = vector.shape_cast %parallel_loop3A_497 : vector<1x1x16xf32> to vector<16xf32>
        %parallel_loop3A_499 = vector.shape_cast %parallel_loop3A_492 : vector<16xf32> to vector<1x1x16xf32>
        tpu.vector_store %arg7[%parallel_loop3A_494, %parallel_loop3A_495, %parallel_loop3A_496], %parallel_loop3A_499 {add = true, strides = array<i32>} : memref<5x128x128xf32, #tpu.memory_space<vmem>>, vector<1x1x16xf32>,
        %parallel_loop3A_500 = arith.index_cast %parallel_loop3A_433 : i32 to index
        %parallel_loop3A_501 = arith.constant 96 : index
        %parallel_loop3A_502 = tpu.vector_load %arg8[%parallel_loop3A_500, %parallel_loop3A_501] {strides = array<i32>} : memref<200x128xf32, #tpu.memory_space<vmem>>, vector<1x16xf32>,
        %parallel_loop3A_503 = vector.shape_cast %parallel_loop3A_502 : vector<1x16xf32> to vector<16xf32>
        %parallel_loop3A_504 = arith.constant 0 : i32
        %parallel_loop3A_505 = arith.index_cast %parallel_loop3A_504 : i32 to index
        %parallel_loop3A_506 = arith.index_cast %parallel_loop3A_426 : i32 to index
        %parallel_loop3A_507 = arith.constant 96 : index
        %parallel_loop3A_508 = tpu.vector_load %arg7[%parallel_loop3A_505, %parallel_loop3A_506, %parallel_loop3A_507] {strides = array<i32>} : memref<5x128x128xf32, #tpu.memory_space<vmem>>, vector<1x1x16xf32>,
        %parallel_loop3A_509 = vector.shape_cast %parallel_loop3A_508 : vector<1x1x16xf32> to vector<16xf32>
        %parallel_loop3A_510 = vector.shape_cast %parallel_loop3A_503 : vector<16xf32> to vector<1x1x16xf32>
        tpu.vector_store %arg7[%parallel_loop3A_505, %parallel_loop3A_506, %parallel_loop3A_507], %parallel_loop3A_510 {add = true, strides = array<i32>} : memref<5x128x128xf32, #tpu.memory_space<vmem>>, vector<1x1x16xf32>,
        %parallel_loop3A_511 = arith.index_cast %parallel_loop3A_433 : i32 to index
        %parallel_loop3A_512 = arith.constant 112 : index
        %parallel_loop3A_513 = tpu.vector_load %arg8[%parallel_loop3A_511, %parallel_loop3A_512] {strides = array<i32>} : memref<200x128xf32, #tpu.memory_space<vmem>>, vector<1x16xf32>,
        %parallel_loop3A_514 = vector.shape_cast %parallel_loop3A_513 : vector<1x16xf32> to vector<16xf32>
        %parallel_loop3A_515 = arith.constant 0 : i32
        %parallel_loop3A_516 = arith.index_cast %parallel_loop3A_515 : i32 to index
        %parallel_loop3A_517 = arith.index_cast %parallel_loop3A_426 : i32 to index
        %parallel_loop3A_518 = arith.constant 112 : index
        %parallel_loop3A_519 = tpu.vector_load %arg7[%parallel_loop3A_516, %parallel_loop3A_517, %parallel_loop3A_518] {strides = array<i32>} : memref<5x128x128xf32, #tpu.memory_space<vmem>>, vector<1x1x16xf32>,
        %parallel_loop3A_520 = vector.shape_cast %parallel_loop3A_519 : vector<1x1x16xf32> to vector<16xf32>
        %parallel_loop3A_521 = vector.shape_cast %parallel_loop3A_514 : vector<16xf32> to vector<1x1x16xf32>
        tpu.vector_store %arg7[%parallel_loop3A_516, %parallel_loop3A_517, %parallel_loop3A_518], %parallel_loop3A_521 {add = true, strides = array<i32>} : memref<5x128x128xf32, #tpu.memory_space<vmem>>, vector<1x1x16xf32>,
      } {sc.loop_unroll_factor = 4 : i64, sc.parallel_access}
      %mul3A_122 = arith.constant 128 : i32
      %mul3A_123 = arith.muli %add3A_82, %mul3A_122 : i32
      %add3A_124 = arith.addi %mul3A_2, %mul3A_123 : i32
      %dma_start3A_125 = arith.constant 0 : i32
      %dma_start3A_126 = arith.constant 0 : i32
      %dma_start3A_127 = arith.constant 0 : i32
      %dma_start3A_128 = arith.constant 0 : i32
      %dma_start3A_129 = tpu.memref_slice %arg7[%dma_start3A_125, %dma_start3A_127, %dma_start3A_128] : memref<5x128x128xf32, #tpu.memory_space<vmem>> -> memref<1x128x128xf32, #tpu.memory_space<vmem>>
      %dma_start3A_130 = tpu.memref_squeeze %dma_start3A_129 : memref<1x128x128xf32, #tpu.memory_space<vmem>> -> memref<128x128xf32, #tpu.memory_space<vmem>>
      %dma_start3A_131 = arith.constant 0 : i32
      %dma_start3A_132 = tpu.memref_slice %arg5[%add3A_124, %dma_start3A_131] : memref<204800x128xf32, #tpu.memory_space<hbm>> -> memref<128x128xf32, #tpu.memory_space<hbm>>
      %dma_start3A_133 = tpu.memref_slice %arg11[%dma_start3A_126] : memref<5x!tpu.dma_semaphore, #tpu.memory_space<semaphore_mem>> -> memref<1x!tpu.dma_semaphore, #tpu.memory_space<semaphore_mem>>
      %dma_start3A_134 = tpu.memref_squeeze %dma_start3A_133 : memref<1x!tpu.dma_semaphore, #tpu.memory_space<semaphore_mem>> -> memref<!tpu.dma_semaphore, #tpu.memory_space<semaphore_mem>>
      %dma_start3A_135 = arith.constant 0 : i32
      %dma_start3A_136 = tpu.memref_slice %arg5[%add3A_124, %dma_start3A_135] : memref<204800x128xf32, #tpu.memory_space<hbm>> -> memref<128x128xf32, #tpu.memory_space<hbm>>
      %dma_start3A_137 = arith.constant 0 : i32
      %dma_start3A_138 = arith.constant 0 : i32
      %dma_start3A_139 = tpu.memref_slice %arg7[%dma_start3A_125, %dma_start3A_137, %dma_start3A_138] : memref<5x128x128xf32, #tpu.memory_space<vmem>> -> memref<1x128x128xf32, #tpu.memory_space<vmem>>
      %dma_start3A_140 = tpu.memref_squeeze %dma_start3A_139 : memref<1x128x128xf32, #tpu.memory_space<vmem>> -> memref<128x128xf32, #tpu.memory_space<vmem>>
      tpu.enqueue_dma source(%dma_start3A_140 : memref<128x128xf32, #tpu.memory_space<vmem>>) target(%dma_start3A_136 : memref<128x128xf32, #tpu.memory_space<hbm>>) target_semaphore(%dma_start3A_134 : memref<!tpu.dma_semaphore, #tpu.memory_space<semaphore_mem>>)
      %mul3A_141 = arith.constant 5 : i32
      %mul3A_142 = arith.muli %scan3A_78, %mul3A_141 : i32
      %add3A_143 = arith.constant 1 : i32
      %add3A_144 = arith.addi %mul3A_142, %add3A_143 : i32
      %ge3A_145 = arith.constant 1 : i32
      %ge3A_146 = arith.cmpi sge, %scan3A_78, %ge3A_145 : i32
      %convert_element_type3A_147 = arith.extui %ge3A_146 : i1 to i32
      %cond3A_148 = arith.constant 0 : i32
      %cond3A_149 = arith.cmpi ne, %convert_element_type3A_147, %cond3A_148 : i32
      scf.if %cond3A_149 {
        %sub3A_426 = arith.constant 2 : i32
        %sub3A_427 = arith.subi %add3A_144, %sub3A_426 : i32
        %mul3A_428 = arith.constant 128 : i32
        %mul3A_429 = arith.muli %sub3A_427, %mul3A_428 : i32
        %add3A_430 = arith.addi %mul3A_2, %mul3A_429 : i32
        %dma_wait3A_431 = arith.constant 4 : i32
        %dma_wait3A_432 = arith.constant 4 : i32
        %dma_wait3A_433 = arith.constant 0 : i32
        %dma_wait3A_434 = arith.constant 0 : i32
        %dma_wait3A_435 = tpu.memref_slice %arg7[%dma_wait3A_431, %dma_wait3A_433, %dma_wait3A_434] : memref<5x128x128xf32, #tpu.memory_space<vmem>> -> memref<1x128x128xf32, #tpu.memory_space<vmem>>
        %dma_wait3A_436 = tpu.memref_squeeze %dma_wait3A_435 : memref<1x128x128xf32, #tpu.memory_space<vmem>> -> memref<128x128xf32, #tpu.memory_space<vmem>>
        %dma_wait3A_437 = arith.constant 0 : i32
        %dma_wait3A_438 = tpu.memref_slice %arg5[%add3A_430, %dma_wait3A_437] : memref<204800x128xf32, #tpu.memory_space<hbm>> -> memref<128x128xf32, #tpu.memory_space<hbm>>
        %dma_wait3A_439 = tpu.memref_slice %arg11[%dma_wait3A_432] : memref<5x!tpu.dma_semaphore, #tpu.memory_space<semaphore_mem>> -> memref<1x!tpu.dma_semaphore, #tpu.memory_space<semaphore_mem>>
        %dma_wait3A_440 = tpu.memref_squeeze %dma_wait3A_439 : memref<1x!tpu.dma_semaphore, #tpu.memory_space<semaphore_mem>> -> memref<!tpu.dma_semaphore, #tpu.memory_space<semaphore_mem>>
        %dma_wait3A_441 = arith.constant 0 : i32
        %dma_wait3A_442 = tpu.memref_slice %arg5[%add3A_430, %dma_wait3A_441] : memref<204800x128xf32, #tpu.memory_space<hbm>> -> memref<128x128xf32, #tpu.memory_space<hbm>>
        %dma_wait3A_443 = arith.constant 0 : i32
        %dma_wait3A_444 = arith.constant 0 : i32
        %dma_wait3A_445 = tpu.memref_slice %arg7[%dma_wait3A_431, %dma_wait3A_443, %dma_wait3A_444] : memref<5x128x128xf32, #tpu.memory_space<vmem>> -> memref<1x128x128xf32, #tpu.memory_space<vmem>>
        %dma_wait3A_446 = tpu.memref_squeeze %dma_wait3A_445 : memref<1x128x128xf32, #tpu.memory_space<vmem>> -> memref<128x128xf32, #tpu.memory_space<vmem>>
        tpu.wait_dma2 semaphore(%dma_wait3A_440 : memref<!tpu.dma_semaphore, #tpu.memory_space<semaphore_mem>>) src(%dma_wait3A_446 : memref<128x128xf32, #tpu.memory_space<vmem>>) dst(%dma_wait3A_442 : memref<128x128xf32, #tpu.memory_space<hbm>>)
      } else {
      }
      %add3A_150 = arith.constant 2 : i32
      %add3A_151 = arith.addi %add3A_144, %add3A_150 : i32
      %dma_start3A_152 = arith.constant 3 : i32
      %dma_start3A_153 = arith.constant 3 : i32
      %dma_start3A_154 = arith.constant 0 : i32
      %dma_start3A_155 = arith.constant 0 : i32
      %dma_start3A_156 = tpu.memref_slice %arg7[%dma_start3A_152, %dma_start3A_154, %dma_start3A_155] : memref<5x128x128xf32, #tpu.memory_space<vmem>> -> memref<1x128x128xf32, #tpu.memory_space<vmem>>
      %dma_start3A_157 = tpu.memref_squeeze %dma_start3A_156 : memref<1x128x128xf32, #tpu.memory_space<vmem>> -> memref<128x128xf32, #tpu.memory_space<vmem>>
      %dma_start3A_158 = arith.constant 0 : i32
      %dma_start3A_159 = tpu.memref_slice %arg6[%add3A_151, %dma_start3A_158] : memref<50x128xi32, #tpu.memory_space<vmem>> -> memref<1x128xi32, #tpu.memory_space<vmem>>
      %dma_start3A_160 = tpu.memref_squeeze %dma_start3A_159 : memref<1x128xi32, #tpu.memory_space<vmem>> -> memref<128xi32, #tpu.memory_space<vmem>>
      %dma_start3A_161 = arith.constant 0 : i32
      %dma_start3A_162 = arith.constant 0 : i32
      %dma_start3A_163 = tpu.memref_slice %arg9[%dma_start3A_161, %dma_start3A_162] : memref<1000x128xf32, #tpu.memory_space<vmem_shared>> -> memref<1000x128xf32, #tpu.memory_space<vmem_shared>>
      %dma_start3A_164 = tpu.memref_slice %arg10[%dma_start3A_153] : memref<5x!tpu.dma_semaphore, #tpu.memory_space<semaphore_mem>> -> memref<1x!tpu.dma_semaphore, #tpu.memory_space<semaphore_mem>>
      %dma_start3A_165 = tpu.memref_squeeze %dma_start3A_164 : memref<1x!tpu.dma_semaphore, #tpu.memory_space<semaphore_mem>> -> memref<!tpu.dma_semaphore, #tpu.memory_space<semaphore_mem>>
      tpu.enqueue_indirect_dma source(%dma_start3A_163 : memref<1000x128xf32, #tpu.memory_space<vmem_shared>>) target(%dma_start3A_157 : memref<128x128xf32, #tpu.memory_space<vmem>>) offsets(%dma_start3A_160 : memref<128xi32, #tpu.memory_space<vmem>>) semaphore(%dma_start3A_165 : memref<!tpu.dma_semaphore, #tpu.memory_space<semaphore_mem>>)
      %dma_wait3A_166 = arith.constant 1 : i32
      %dma_wait3A_167 = arith.constant 1 : i32
      %dma_wait3A_168 = arith.constant 0 : i32
      %dma_wait3A_169 = arith.constant 0 : i32
      %dma_wait3A_170 = tpu.memref_slice %arg7[%dma_wait3A_166, %dma_wait3A_168, %dma_wait3A_169] : memref<5x128x128xf32, #tpu.memory_space<vmem>> -> memref<1x128x128xf32, #tpu.memory_space<vmem>>
      %dma_wait3A_171 = tpu.memref_squeeze %dma_wait3A_170 : memref<1x128x128xf32, #tpu.memory_space<vmem>> -> memref<128x128xf32, #tpu.memory_space<vmem>>
      %dma_wait3A_172 = arith.constant 0 : i32
      %dma_wait3A_173 = tpu.memref_slice %arg6[%add3A_144, %dma_wait3A_172] : memref<50x128xi32, #tpu.memory_space<vmem>> -> memref<1x128xi32, #tpu.memory_space<vmem>>
      %dma_wait3A_174 = tpu.memref_squeeze %dma_wait3A_173 : memref<1x128xi32, #tpu.memory_space<vmem>> -> memref<128xi32, #tpu.memory_space<vmem>>
      %dma_wait3A_175 = arith.constant 0 : i32
      %dma_wait3A_176 = arith.constant 0 : i32
      %dma_wait3A_177 = tpu.memref_slice %arg9[%dma_wait3A_175, %dma_wait3A_176] : memref<1000x128xf32, #tpu.memory_space<vmem_shared>> -> memref<1000x128xf32, #tpu.memory_space<vmem_shared>>
      %dma_wait3A_178 = tpu.memref_slice %arg10[%dma_wait3A_167] : memref<5x!tpu.dma_semaphore, #tpu.memory_space<semaphore_mem>> -> memref<1x!tpu.dma_semaphore, #tpu.memory_space<semaphore_mem>>
      %dma_wait3A_179 = tpu.memref_squeeze %dma_wait3A_178 : memref<1x!tpu.dma_semaphore, #tpu.memory_space<semaphore_mem>> -> memref<!tpu.dma_semaphore, #tpu.memory_space<semaphore_mem>>
      tpu.wait_indirect_dma semaphore(%dma_wait3A_179 : memref<!tpu.dma_semaphore, #tpu.memory_space<semaphore_mem>>) src(%dma_wait3A_177 : memref<1000x128xf32, #tpu.memory_space<vmem_shared>>) dst(%dma_wait3A_171 : memref<128x128xf32, #tpu.memory_space<vmem>>)
      %mul3A_180 = arith.constant 128 : i32
      %mul3A_181 = arith.muli %add3A_144, %mul3A_180 : i32
      %rem3A_182 = arith.constant 200 : i32
      %rem3A_183 = arith.remsi %mul3A_181, %rem3A_182 : i32
      %parallel_loop3A_184 = arith.constant 0 : i32
      %parallel_loop3A_185 = arith.constant 128 : i32
      %parallel_loop3A_186 = arith.constant 1 : i32
      scf.for %parallel_loop3A_426 = %parallel_loop3A_184 to %parallel_loop3A_185 step %parallel_loop3A_186  : i32 {
        %parallel_loop3A_427 = arith.addi %rem3A_183, %parallel_loop3A_426 : i32
        %parallel_loop3A_428 = arith.constant 200 : i32
        %parallel_loop3A_429 = arith.cmpi sge, %parallel_loop3A_427, %parallel_loop3A_428 : i32
        %parallel_loop3A_430 = arith.constant 0 : i32
        %parallel_loop3A_431 = arith.constant 200 : i32
        %parallel_loop3A_432 = arith.select %parallel_loop3A_429, %parallel_loop3A_431, %parallel_loop3A_430 : i32
        %parallel_loop3A_433 = arith.subi %parallel_loop3A_427, %parallel_loop3A_432 : i32
        %parallel_loop3A_434 = arith.index_cast %parallel_loop3A_433 : i32 to index
        %parallel_loop3A_435 = arith.constant 0 : index
        %parallel_loop3A_436 = tpu.vector_load %arg8[%parallel_loop3A_434, %parallel_loop3A_435] {strides = array<i32>} : memref<200x128xf32, #tpu.memory_space<vmem>>, vector<1x16xf32>,
        %parallel_loop3A_437 = vector.shape_cast %parallel_loop3A_436 : vector<1x16xf32> to vector<16xf32>
        %parallel_loop3A_438 = arith.constant 1 : i32
        %parallel_loop3A_439 = arith.index_cast %parallel_loop3A_438 : i32 to index
        %parallel_loop3A_440 = arith.index_cast %parallel_loop3A_426 : i32 to index
        %parallel_loop3A_441 = arith.constant 0 : index
        %parallel_loop3A_442 = tpu.vector_load %arg7[%parallel_loop3A_439, %parallel_loop3A_440, %parallel_loop3A_441] {strides = array<i32>} : memref<5x128x128xf32, #tpu.memory_space<vmem>>, vector<1x1x16xf32>,
        %parallel_loop3A_443 = vector.shape_cast %parallel_loop3A_442 : vector<1x1x16xf32> to vector<16xf32>
        %parallel_loop3A_444 = vector.shape_cast %parallel_loop3A_437 : vector<16xf32> to vector<1x1x16xf32>
        tpu.vector_store %arg7[%parallel_loop3A_439, %parallel_loop3A_440, %parallel_loop3A_441], %parallel_loop3A_444 {add = true, strides = array<i32>} : memref<5x128x128xf32, #tpu.memory_space<vmem>>, vector<1x1x16xf32>,
        %parallel_loop3A_445 = arith.index_cast %parallel_loop3A_433 : i32 to index
        %parallel_loop3A_446 = arith.constant 16 : index
        %parallel_loop3A_447 = tpu.vector_load %arg8[%parallel_loop3A_445, %parallel_loop3A_446] {strides = array<i32>} : memref<200x128xf32, #tpu.memory_space<vmem>>, vector<1x16xf32>,
        %parallel_loop3A_448 = vector.shape_cast %parallel_loop3A_447 : vector<1x16xf32> to vector<16xf32>
        %parallel_loop3A_449 = arith.constant 1 : i32
        %parallel_loop3A_450 = arith.index_cast %parallel_loop3A_449 : i32 to index
        %parallel_loop3A_451 = arith.index_cast %parallel_loop3A_426 : i32 to index
        %parallel_loop3A_452 = arith.constant 16 : index
        %parallel_loop3A_453 = tpu.vector_load %arg7[%parallel_loop3A_450, %parallel_loop3A_451, %parallel_loop3A_452] {strides = array<i32>} : memref<5x128x128xf32, #tpu.memory_space<vmem>>, vector<1x1x16xf32>,
        %parallel_loop3A_454 = vector.shape_cast %parallel_loop3A_453 : vector<1x1x16xf32> to vector<16xf32>
        %parallel_loop3A_455 = vector.shape_cast %parallel_loop3A_448 : vector<16xf32> to vector<1x1x16xf32>
        tpu.vector_store %arg7[%parallel_loop3A_450, %parallel_loop3A_451, %parallel_loop3A_452], %parallel_loop3A_455 {add = true, strides = array<i32>} : memref<5x128x128xf32, #tpu.memory_space<vmem>>, vector<1x1x16xf32>,
        %parallel_loop3A_456 = arith.index_cast %parallel_loop3A_433 : i32 to index
        %parallel_loop3A_457 = arith.constant 32 : index
        %parallel_loop3A_458 = tpu.vector_load %arg8[%parallel_loop3A_456, %parallel_loop3A_457] {strides = array<i32>} : memref<200x128xf32, #tpu.memory_space<vmem>>, vector<1x16xf32>,
        %parallel_loop3A_459 = vector.shape_cast %parallel_loop3A_458 : vector<1x16xf32> to vector<16xf32>
        %parallel_loop3A_460 = arith.constant 1 : i32
        %parallel_loop3A_461 = arith.index_cast %parallel_loop3A_460 : i32 to index
        %parallel_loop3A_462 = arith.index_cast %parallel_loop3A_426 : i32 to index
        %parallel_loop3A_463 = arith.constant 32 : index
        %parallel_loop3A_464 = tpu.vector_load %arg7[%parallel_loop3A_461, %parallel_loop3A_462, %parallel_loop3A_463] {strides = array<i32>} : memref<5x128x128xf32, #tpu.memory_space<vmem>>, vector<1x1x16xf32>,
        %parallel_loop3A_465 = vector.shape_cast %parallel_loop3A_464 : vector<1x1x16xf32> to vector<16xf32>
        %parallel_loop3A_466 = vector.shape_cast %parallel_loop3A_459 : vector<16xf32> to vector<1x1x16xf32>
        tpu.vector_store %arg7[%parallel_loop3A_461, %parallel_loop3A_462, %parallel_loop3A_463], %parallel_loop3A_466 {add = true, strides = array<i32>} : memref<5x128x128xf32, #tpu.memory_space<vmem>>, vector<1x1x16xf32>,
        %parallel_loop3A_467 = arith.index_cast %parallel_loop3A_433 : i32 to index
        %parallel_loop3A_468 = arith.constant 48 : index
        %parallel_loop3A_469 = tpu.vector_load %arg8[%parallel_loop3A_467, %parallel_loop3A_468] {strides = array<i32>} : memref<200x128xf32, #tpu.memory_space<vmem>>, vector<1x16xf32>,
        %parallel_loop3A_470 = vector.shape_cast %parallel_loop3A_469 : vector<1x16xf32> to vector<16xf32>
        %parallel_loop3A_471 = arith.constant 1 : i32
        %parallel_loop3A_472 = arith.index_cast %parallel_loop3A_471 : i32 to index
        %parallel_loop3A_473 = arith.index_cast %parallel_loop3A_426 : i32 to index
        %parallel_loop3A_474 = arith.constant 48 : index
        %parallel_loop3A_475 = tpu.vector_load %arg7[%parallel_loop3A_472, %parallel_loop3A_473, %parallel_loop3A_474] {strides = array<i32>} : memref<5x128x128xf32, #tpu.memory_space<vmem>>, vector<1x1x16xf32>,
        %parallel_loop3A_476 = vector.shape_cast %parallel_loop3A_475 : vector<1x1x16xf32> to vector<16xf32>
        %parallel_loop3A_477 = vector.shape_cast %parallel_loop3A_470 : vector<16xf32> to vector<1x1x16xf32>
        tpu.vector_store %arg7[%parallel_loop3A_472, %parallel_loop3A_473, %parallel_loop3A_474], %parallel_loop3A_477 {add = true, strides = array<i32>} : memref<5x128x128xf32, #tpu.memory_space<vmem>>, vector<1x1x16xf32>,
        %parallel_loop3A_478 = arith.index_cast %parallel_loop3A_433 : i32 to index
        %parallel_loop3A_479 = arith.constant 64 : index
        %parallel_loop3A_480 = tpu.vector_load %arg8[%parallel_loop3A_478, %parallel_loop3A_479] {strides = array<i32>} : memref<200x128xf32, #tpu.memory_space<vmem>>, vector<1x16xf32>,
        %parallel_loop3A_481 = vector.shape_cast %parallel_loop3A_480 : vector<1x16xf32> to vector<16xf32>
        %parallel_loop3A_482 = arith.constant 1 : i32
        %parallel_loop3A_483 = arith.index_cast %parallel_loop3A_482 : i32 to index
        %parallel_loop3A_484 = arith.index_cast %parallel_loop3A_426 : i32 to index
        %parallel_loop3A_485 = arith.constant 64 : index
        %parallel_loop3A_486 = tpu.vector_load %arg7[%parallel_loop3A_483, %parallel_loop3A_484, %parallel_loop3A_485] {strides = array<i32>} : memref<5x128x128xf32, #tpu.memory_space<vmem>>, vector<1x1x16xf32>,
        %parallel_loop3A_487 = vector.shape_cast %parallel_loop3A_486 : vector<1x1x16xf32> to vector<16xf32>
        %parallel_loop3A_488 = vector.shape_cast %parallel_loop3A_481 : vector<16xf32> to vector<1x1x16xf32>
        tpu.vector_store %arg7[%parallel_loop3A_483, %parallel_loop3A_484, %parallel_loop3A_485], %parallel_loop3A_488 {add = true, strides = array<i32>} : memref<5x128x128xf32, #tpu.memory_space<vmem>>, vector<1x1x16xf32>,
        %parallel_loop3A_489 = arith.index_cast %parallel_loop3A_433 : i32 to index
        %parallel_loop3A_490 = arith.constant 80 : index
        %parallel_loop3A_491 = tpu.vector_load %arg8[%parallel_loop3A_489, %parallel_loop3A_490] {strides = array<i32>} : memref<200x128xf32, #tpu.memory_space<vmem>>, vector<1x16xf32>,
        %parallel_loop3A_492 = vector.shape_cast %parallel_loop3A_491 : vector<1x16xf32> to vector<16xf32>
        %parallel_loop3A_493 = arith.constant 1 : i32
        %parallel_loop3A_494 = arith.index_cast %parallel_loop3A_493 : i32 to index
        %parallel_loop3A_495 = arith.index_cast %parallel_loop3A_426 : i32 to index
        %parallel_loop3A_496 = arith.constant 80 : index
        %parallel_loop3A_497 = tpu.vector_load %arg7[%parallel_loop3A_494, %parallel_loop3A_495, %parallel_loop3A_496] {strides = array<i32>} : memref<5x128x128xf32, #tpu.memory_space<vmem>>, vector<1x1x16xf32>,
        %parallel_loop3A_498 = vector.shape_cast %parallel_loop3A_497 : vector<1x1x16xf32> to vector<16xf32>
        %parallel_loop3A_499 = vector.shape_cast %parallel_loop3A_492 : vector<16xf32> to vector<1x1x16xf32>
        tpu.vector_store %arg7[%parallel_loop3A_494, %parallel_loop3A_495, %parallel_loop3A_496], %parallel_loop3A_499 {add = true, strides = array<i32>} : memref<5x128x128xf32, #tpu.memory_space<vmem>>, vector<1x1x16xf32>,
        %parallel_loop3A_500 = arith.index_cast %parallel_loop3A_433 : i32 to index
        %parallel_loop3A_501 = arith.constant 96 : index
        %parallel_loop3A_502 = tpu.vector_load %arg8[%parallel_loop3A_500, %parallel_loop3A_501] {strides = array<i32>} : memref<200x128xf32, #tpu.memory_space<vmem>>, vector<1x16xf32>,
        %parallel_loop3A_503 = vector.shape_cast %parallel_loop3A_502 : vector<1x16xf32> to vector<16xf32>
        %parallel_loop3A_504 = arith.constant 1 : i32
        %parallel_loop3A_505 = arith.index_cast %parallel_loop3A_504 : i32 to index
        %parallel_loop3A_506 = arith.index_cast %parallel_loop3A_426 : i32 to index
        %parallel_loop3A_507 = arith.constant 96 : index
        %parallel_loop3A_508 = tpu.vector_load %arg7[%parallel_loop3A_505, %parallel_loop3A_506, %parallel_loop3A_507] {strides = array<i32>} : memref<5x128x128xf32, #tpu.memory_space<vmem>>, vector<1x1x16xf32>,
        %parallel_loop3A_509 = vector.shape_cast %parallel_loop3A_508 : vector<1x1x16xf32> to vector<16xf32>
        %parallel_loop3A_510 = vector.shape_cast %parallel_loop3A_503 : vector<16xf32> to vector<1x1x16xf32>
        tpu.vector_store %arg7[%parallel_loop3A_505, %parallel_loop3A_506, %parallel_loop3A_507], %parallel_loop3A_510 {add = true, strides = array<i32>} : memref<5x128x128xf32, #tpu.memory_space<vmem>>, vector<1x1x16xf32>,
        %parallel_loop3A_511 = arith.index_cast %parallel_loop3A_433 : i32 to index
        %parallel_loop3A_512 = arith.constant 112 : index
        %parallel_loop3A_513 = tpu.vector_load %arg8[%parallel_loop3A_511, %parallel_loop3A_512] {strides = array<i32>} : memref<200x128xf32, #tpu.memory_space<vmem>>, vector<1x16xf32>,
        %parallel_loop3A_514 = vector.shape_cast %parallel_loop3A_513 : vector<1x16xf32> to vector<16xf32>
        %parallel_loop3A_515 = arith.constant 1 : i32
        %parallel_loop3A_516 = arith.index_cast %parallel_loop3A_515 : i32 to index
        %parallel_loop3A_517 = arith.index_cast %parallel_loop3A_426 : i32 to index
        %parallel_loop3A_518 = arith.constant 112 : index
        %parallel_loop3A_519 = tpu.vector_load %arg7[%parallel_loop3A_516, %parallel_loop3A_517, %parallel_loop3A_518] {strides = array<i32>} : memref<5x128x128xf32, #tpu.memory_space<vmem>>, vector<1x1x16xf32>,
        %parallel_loop3A_520 = vector.shape_cast %parallel_loop3A_519 : vector<1x1x16xf32> to vector<16xf32>
        %parallel_loop3A_521 = vector.shape_cast %parallel_loop3A_514 : vector<16xf32> to vector<1x1x16xf32>
        tpu.vector_store %arg7[%parallel_loop3A_516, %parallel_loop3A_517, %parallel_loop3A_518], %parallel_loop3A_521 {add = true, strides = array<i32>} : memref<5x128x128xf32, #tpu.memory_space<vmem>>, vector<1x1x16xf32>,
      } {sc.loop_unroll_factor = 4 : i64, sc.parallel_access}
      %mul3A_187 = arith.constant 128 : i32
      %mul3A_188 = arith.muli %add3A_144, %mul3A_187 : i32
      %add3A_189 = arith.addi %mul3A_2, %mul3A_188 : i32
      %dma_start3A_190 = arith.constant 1 : i32
      %dma_start3A_191 = arith.constant 1 : i32
      %dma_start3A_192 = arith.constant 0 : i32
      %dma_start3A_193 = arith.constant 0 : i32
      %dma_start3A_194 = tpu.memref_slice %arg7[%dma_start3A_190, %dma_start3A_192, %dma_start3A_193] : memref<5x128x128xf32, #tpu.memory_space<vmem>> -> memref<1x128x128xf32, #tpu.memory_space<vmem>>
      %dma_start3A_195 = tpu.memref_squeeze %dma_start3A_194 : memref<1x128x128xf32, #tpu.memory_space<vmem>> -> memref<128x128xf32, #tpu.memory_space<vmem>>
      %dma_start3A_196 = arith.constant 0 : i32
      %dma_start3A_197 = tpu.memref_slice %arg5[%add3A_189, %dma_start3A_196] : memref<204800x128xf32, #tpu.memory_space<hbm>> -> memref<128x128xf32, #tpu.memory_space<hbm>>
      %dma_start3A_198 = tpu.memref_slice %arg11[%dma_start3A_191] : memref<5x!tpu.dma_semaphore, #tpu.memory_space<semaphore_mem>> -> memref<1x!tpu.dma_semaphore, #tpu.memory_space<semaphore_mem>>
      %dma_start3A_199 = tpu.memref_squeeze %dma_start3A_198 : memref<1x!tpu.dma_semaphore, #tpu.memory_space<semaphore_mem>> -> memref<!tpu.dma_semaphore, #tpu.memory_space<semaphore_mem>>
      %dma_start3A_200 = arith.constant 0 : i32
      %dma_start3A_201 = tpu.memref_slice %arg5[%add3A_189, %dma_start3A_200] : memref<204800x128xf32, #tpu.memory_space<hbm>> -> memref<128x128xf32, #tpu.memory_space<hbm>>
      %dma_start3A_202 = arith.constant 0 : i32
      %dma_start3A_203 = arith.constant 0 : i32
      %dma_start3A_204 = tpu.memref_slice %arg7[%dma_start3A_190, %dma_start3A_202, %dma_start3A_203] : memref<5x128x128xf32, #tpu.memory_space<vmem>> -> memref<1x128x128xf32, #tpu.memory_space<vmem>>
      %dma_start3A_205 = tpu.memref_squeeze %dma_start3A_204 : memref<1x128x128xf32, #tpu.memory_space<vmem>> -> memref<128x128xf32, #tpu.memory_space<vmem>>
      tpu.enqueue_dma source(%dma_start3A_205 : memref<128x128xf32, #tpu.memory_space<vmem>>) target(%dma_start3A_201 : memref<128x128xf32, #tpu.memory_space<hbm>>) target_semaphore(%dma_start3A_199 : memref<!tpu.dma_semaphore, #tpu.memory_space<semaphore_mem>>)
      %mul3A_206 = arith.constant 5 : i32
      %mul3A_207 = arith.muli %scan3A_78, %mul3A_206 : i32
      %add3A_208 = arith.constant 2 : i32
      %add3A_209 = arith.addi %mul3A_207, %add3A_208 : i32
      %sub3A = arith.constant 2 : i32
      %sub3A_210 = arith.subi %add3A_209, %sub3A : i32
      %mul3A_211 = arith.constant 128 : i32
      %mul3A_212 = arith.muli %sub3A_210, %mul3A_211 : i32
      %add3A_213 = arith.addi %mul3A_2, %mul3A_212 : i32
      %dma_wait3A_214 = arith.constant 0 : i32
      %dma_wait3A_215 = arith.constant 0 : i32
      %dma_wait3A_216 = arith.constant 0 : i32
      %dma_wait3A_217 = arith.constant 0 : i32
      %dma_wait3A_218 = tpu.memref_slice %arg7[%dma_wait3A_214, %dma_wait3A_216, %dma_wait3A_217] : memref<5x128x128xf32, #tpu.memory_space<vmem>> -> memref<1x128x128xf32, #tpu.memory_space<vmem>>
      %dma_wait3A_219 = tpu.memref_squeeze %dma_wait3A_218 : memref<1x128x128xf32, #tpu.memory_space<vmem>> -> memref<128x128xf32, #tpu.memory_space<vmem>>
      %dma_wait3A_220 = arith.constant 0 : i32
      %dma_wait3A_221 = tpu.memref_slice %arg5[%add3A_213, %dma_wait3A_220] : memref<204800x128xf32, #tpu.memory_space<hbm>> -> memref<128x128xf32, #tpu.memory_space<hbm>>
      %dma_wait3A_222 = tpu.memref_slice %arg11[%dma_wait3A_215] : memref<5x!tpu.dma_semaphore, #tpu.memory_space<semaphore_mem>> -> memref<1x!tpu.dma_semaphore, #tpu.memory_space<semaphore_mem>>
      %dma_wait3A_223 = tpu.memref_squeeze %dma_wait3A_222 : memref<1x!tpu.dma_semaphore, #tpu.memory_space<semaphore_mem>> -> memref<!tpu.dma_semaphore, #tpu.memory_space<semaphore_mem>>
      %dma_wait3A_224 = arith.constant 0 : i32
      %dma_wait3A_225 = tpu.memref_slice %arg5[%add3A_213, %dma_wait3A_224] : memref<204800x128xf32, #tpu.memory_space<hbm>> -> memref<128x128xf32, #tpu.memory_space<hbm>>
      %dma_wait3A_226 = arith.constant 0 : i32
      %dma_wait3A_227 = arith.constant 0 : i32
      %dma_wait3A_228 = tpu.memref_slice %arg7[%dma_wait3A_214, %dma_wait3A_226, %dma_wait3A_227] : memref<5x128x128xf32, #tpu.memory_space<vmem>> -> memref<1x128x128xf32, #tpu.memory_space<vmem>>
      %dma_wait3A_229 = tpu.memref_squeeze %dma_wait3A_228 : memref<1x128x128xf32, #tpu.memory_space<vmem>> -> memref<128x128xf32, #tpu.memory_space<vmem>>
      tpu.wait_dma2 semaphore(%dma_wait3A_223 : memref<!tpu.dma_semaphore, #tpu.memory_space<semaphore_mem>>) src(%dma_wait3A_229 : memref<128x128xf32, #tpu.memory_space<vmem>>) dst(%dma_wait3A_225 : memref<128x128xf32, #tpu.memory_space<hbm>>)
      %add3A_230 = arith.constant 2 : i32
      %add3A_231 = arith.addi %add3A_209, %add3A_230 : i32
      %dma_start3A_232 = arith.constant 4 : i32
      %dma_start3A_233 = arith.constant 4 : i32
      %dma_start3A_234 = arith.constant 0 : i32
      %dma_start3A_235 = arith.constant 0 : i32
      %dma_start3A_236 = tpu.memref_slice %arg7[%dma_start3A_232, %dma_start3A_234, %dma_start3A_235] : memref<5x128x128xf32, #tpu.memory_space<vmem>> -> memref<1x128x128xf32, #tpu.memory_space<vmem>>
      %dma_start3A_237 = tpu.memref_squeeze %dma_start3A_236 : memref<1x128x128xf32, #tpu.memory_space<vmem>> -> memref<128x128xf32, #tpu.memory_space<vmem>>
      %dma_start3A_238 = arith.constant 0 : i32
      %dma_start3A_239 = tpu.memref_slice %arg6[%add3A_231, %dma_start3A_238] : memref<50x128xi32, #tpu.memory_space<vmem>> -> memref<1x128xi32, #tpu.memory_space<vmem>>
      %dma_start3A_240 = tpu.memref_squeeze %dma_start3A_239 : memref<1x128xi32, #tpu.memory_space<vmem>> -> memref<128xi32, #tpu.memory_space<vmem>>
      %dma_start3A_241 = arith.constant 0 : i32
      %dma_start3A_242 = arith.constant 0 : i32
      %dma_start3A_243 = tpu.memref_slice %arg9[%dma_start3A_241, %dma_start3A_242] : memref<1000x128xf32, #tpu.memory_space<vmem_shared>> -> memref<1000x128xf32, #tpu.memory_space<vmem_shared>>
      %dma_start3A_244 = tpu.memref_slice %arg10[%dma_start3A_233] : memref<5x!tpu.dma_semaphore, #tpu.memory_space<semaphore_mem>> -> memref<1x!tpu.dma_semaphore, #tpu.memory_space<semaphore_mem>>
      %dma_start3A_245 = tpu.memref_squeeze %dma_start3A_244 : memref<1x!tpu.dma_semaphore, #tpu.memory_space<semaphore_mem>> -> memref<!tpu.dma_semaphore, #tpu.memory_space<semaphore_mem>>
      tpu.enqueue_indirect_dma source(%dma_start3A_243 : memref<1000x128xf32, #tpu.memory_space<vmem_shared>>) target(%dma_start3A_237 : memref<128x128xf32, #tpu.memory_space<vmem>>) offsets(%dma_start3A_240 : memref<128xi32, #tpu.memory_space<vmem>>) semaphore(%dma_start3A_245 : memref<!tpu.dma_semaphore, #tpu.memory_space<semaphore_mem>>)
      %dma_wait3A_246 = arith.constant 2 : i32
      %dma_wait3A_247 = arith.constant 2 : i32
      %dma_wait3A_248 = arith.constant 0 : i32
      %dma_wait3A_249 = arith.constant 0 : i32
      %dma_wait3A_250 = tpu.memref_slice %arg7[%dma_wait3A_246, %dma_wait3A_248, %dma_wait3A_249] : memref<5x128x128xf32, #tpu.memory_space<vmem>> -> memref<1x128x128xf32, #tpu.memory_space<vmem>>
      %dma_wait3A_251 = tpu.memref_squeeze %dma_wait3A_250 : memref<1x128x128xf32, #tpu.memory_space<vmem>> -> memref<128x128xf32, #tpu.memory_space<vmem>>
      %dma_wait3A_252 = arith.constant 0 : i32
      %dma_wait3A_253 = tpu.memref_slice %arg6[%add3A_209, %dma_wait3A_252] : memref<50x128xi32, #tpu.memory_space<vmem>> -> memref<1x128xi32, #tpu.memory_space<vmem>>
      %dma_wait3A_254 = tpu.memref_squeeze %dma_wait3A_253 : memref<1x128xi32, #tpu.memory_space<vmem>> -> memref<128xi32, #tpu.memory_space<vmem>>
      %dma_wait3A_255 = arith.constant 0 : i32
      %dma_wait3A_256 = arith.constant 0 : i32
      %dma_wait3A_257 = tpu.memref_slice %arg9[%dma_wait3A_255, %dma_wait3A_256] : memref<1000x128xf32, #tpu.memory_space<vmem_shared>> -> memref<1000x128xf32, #tpu.memory_space<vmem_shared>>
      %dma_wait3A_258 = tpu.memref_slice %arg10[%dma_wait3A_247] : memref<5x!tpu.dma_semaphore, #tpu.memory_space<semaphore_mem>> -> memref<1x!tpu.dma_semaphore, #tpu.memory_space<semaphore_mem>>
      %dma_wait3A_259 = tpu.memref_squeeze %dma_wait3A_258 : memref<1x!tpu.dma_semaphore, #tpu.memory_space<semaphore_mem>> -> memref<!tpu.dma_semaphore, #tpu.memory_space<semaphore_mem>>
      tpu.wait_indirect_dma semaphore(%dma_wait3A_259 : memref<!tpu.dma_semaphore, #tpu.memory_space<semaphore_mem>>) src(%dma_wait3A_257 : memref<1000x128xf32, #tpu.memory_space<vmem_shared>>) dst(%dma_wait3A_251 : memref<128x128xf32, #tpu.memory_space<vmem>>)
      %mul3A_260 = arith.constant 128 : i32
      %mul3A_261 = arith.muli %add3A_209, %mul3A_260 : i32
      %rem3A_262 = arith.constant 200 : i32
      %rem3A_263 = arith.remsi %mul3A_261, %rem3A_262 : i32
      %parallel_loop3A_264 = arith.constant 0 : i32
      %parallel_loop3A_265 = arith.constant 128 : i32
      %parallel_loop3A_266 = arith.constant 1 : i32
      scf.for %parallel_loop3A_426 = %parallel_loop3A_264 to %parallel_loop3A_265 step %parallel_loop3A_266  : i32 {
        %parallel_loop3A_427 = arith.addi %rem3A_263, %parallel_loop3A_426 : i32
        %parallel_loop3A_428 = arith.constant 200 : i32
        %parallel_loop3A_429 = arith.cmpi sge, %parallel_loop3A_427, %parallel_loop3A_428 : i32
        %parallel_loop3A_430 = arith.constant 0 : i32
        %parallel_loop3A_431 = arith.constant 200 : i32
        %parallel_loop3A_432 = arith.select %parallel_loop3A_429, %parallel_loop3A_431, %parallel_loop3A_430 : i32
        %parallel_loop3A_433 = arith.subi %parallel_loop3A_427, %parallel_loop3A_432 : i32
        %parallel_loop3A_434 = arith.index_cast %parallel_loop3A_433 : i32 to index
        %parallel_loop3A_435 = arith.constant 0 : index
        %parallel_loop3A_436 = tpu.vector_load %arg8[%parallel_loop3A_434, %parallel_loop3A_435] {strides = array<i32>} : memref<200x128xf32, #tpu.memory_space<vmem>>, vector<1x16xf32>,
        %parallel_loop3A_437 = vector.shape_cast %parallel_loop3A_436 : vector<1x16xf32> to vector<16xf32>
        %parallel_loop3A_438 = arith.constant 2 : i32
        %parallel_loop3A_439 = arith.index_cast %parallel_loop3A_438 : i32 to index
        %parallel_loop3A_440 = arith.index_cast %parallel_loop3A_426 : i32 to index
        %parallel_loop3A_441 = arith.constant 0 : index
        %parallel_loop3A_442 = tpu.vector_load %arg7[%parallel_loop3A_439, %parallel_loop3A_440, %parallel_loop3A_441] {strides = array<i32>} : memref<5x128x128xf32, #tpu.memory_space<vmem>>, vector<1x1x16xf32>,
        %parallel_loop3A_443 = vector.shape_cast %parallel_loop3A_442 : vector<1x1x16xf32> to vector<16xf32>
        %parallel_loop3A_444 = vector.shape_cast %parallel_loop3A_437 : vector<16xf32> to vector<1x1x16xf32>
        tpu.vector_store %arg7[%parallel_loop3A_439, %parallel_loop3A_440, %parallel_loop3A_441], %parallel_loop3A_444 {add = true, strides = array<i32>} : memref<5x128x128xf32, #tpu.memory_space<vmem>>, vector<1x1x16xf32>,
        %parallel_loop3A_445 = arith.index_cast %parallel_loop3A_433 : i32 to index
        %parallel_loop3A_446 = arith.constant 16 : index
        %parallel_loop3A_447 = tpu.vector_load %arg8[%parallel_loop3A_445, %parallel_loop3A_446] {strides = array<i32>} : memref<200x128xf32, #tpu.memory_space<vmem>>, vector<1x16xf32>,
        %parallel_loop3A_448 = vector.shape_cast %parallel_loop3A_447 : vector<1x16xf32> to vector<16xf32>
        %parallel_loop3A_449 = arith.constant 2 : i32
        %parallel_loop3A_450 = arith.index_cast %parallel_loop3A_449 : i32 to index
        %parallel_loop3A_451 = arith.index_cast %parallel_loop3A_426 : i32 to index
        %parallel_loop3A_452 = arith.constant 16 : index
        %parallel_loop3A_453 = tpu.vector_load %arg7[%parallel_loop3A_450, %parallel_loop3A_451, %parallel_loop3A_452] {strides = array<i32>} : memref<5x128x128xf32, #tpu.memory_space<vmem>>, vector<1x1x16xf32>,
        %parallel_loop3A_454 = vector.shape_cast %parallel_loop3A_453 : vector<1x1x16xf32> to vector<16xf32>
        %parallel_loop3A_455 = vector.shape_cast %parallel_loop3A_448 : vector<16xf32> to vector<1x1x16xf32>
        tpu.vector_store %arg7[%parallel_loop3A_450, %parallel_loop3A_451, %parallel_loop3A_452], %parallel_loop3A_455 {add = true, strides = array<i32>} : memref<5x128x128xf32, #tpu.memory_space<vmem>>, vector<1x1x16xf32>,
        %parallel_loop3A_456 = arith.index_cast %parallel_loop3A_433 : i32 to index
        %parallel_loop3A_457 = arith.constant 32 : index
        %parallel_loop3A_458 = tpu.vector_load %arg8[%parallel_loop3A_456, %parallel_loop3A_457] {strides = array<i32>} : memref<200x128xf32, #tpu.memory_space<vmem>>, vector<1x16xf32>,
        %parallel_loop3A_459 = vector.shape_cast %parallel_loop3A_458 : vector<1x16xf32> to vector<16xf32>
        %parallel_loop3A_460 = arith.constant 2 : i32
        %parallel_loop3A_461 = arith.index_cast %parallel_loop3A_460 : i32 to index
        %parallel_loop3A_462 = arith.index_cast %parallel_loop3A_426 : i32 to index
        %parallel_loop3A_463 = arith.constant 32 : index
        %parallel_loop3A_464 = tpu.vector_load %arg7[%parallel_loop3A_461, %parallel_loop3A_462, %parallel_loop3A_463] {strides = array<i32>} : memref<5x128x128xf32, #tpu.memory_space<vmem>>, vector<1x1x16xf32>,
        %parallel_loop3A_465 = vector.shape_cast %parallel_loop3A_464 : vector<1x1x16xf32> to vector<16xf32>
        %parallel_loop3A_466 = vector.shape_cast %parallel_loop3A_459 : vector<16xf32> to vector<1x1x16xf32>
        tpu.vector_store %arg7[%parallel_loop3A_461, %parallel_loop3A_462, %parallel_loop3A_463], %parallel_loop3A_466 {add = true, strides = array<i32>} : memref<5x128x128xf32, #tpu.memory_space<vmem>>, vector<1x1x16xf32>,
        %parallel_loop3A_467 = arith.index_cast %parallel_loop3A_433 : i32 to index
        %parallel_loop3A_468 = arith.constant 48 : index
        %parallel_loop3A_469 = tpu.vector_load %arg8[%parallel_loop3A_467, %parallel_loop3A_468] {strides = array<i32>} : memref<200x128xf32, #tpu.memory_space<vmem>>, vector<1x16xf32>,
        %parallel_loop3A_470 = vector.shape_cast %parallel_loop3A_469 : vector<1x16xf32> to vector<16xf32>
        %parallel_loop3A_471 = arith.constant 2 : i32
        %parallel_loop3A_472 = arith.index_cast %parallel_loop3A_471 : i32 to index
        %parallel_loop3A_473 = arith.index_cast %parallel_loop3A_426 : i32 to index
        %parallel_loop3A_474 = arith.constant 48 : index
        %parallel_loop3A_475 = tpu.vector_load %arg7[%parallel_loop3A_472, %parallel_loop3A_473, %parallel_loop3A_474] {strides = array<i32>} : memref<5x128x128xf32, #tpu.memory_space<vmem>>, vector<1x1x16xf32>,
        %parallel_loop3A_476 = vector.shape_cast %parallel_loop3A_475 : vector<1x1x16xf32> to vector<16xf32>
        %parallel_loop3A_477 = vector.shape_cast %parallel_loop3A_470 : vector<16xf32> to vector<1x1x16xf32>
        tpu.vector_store %arg7[%parallel_loop3A_472, %parallel_loop3A_473, %parallel_loop3A_474], %parallel_loop3A_477 {add = true, strides = array<i32>} : memref<5x128x128xf32, #tpu.memory_space<vmem>>, vector<1x1x16xf32>,
        %parallel_loop3A_478 = arith.index_cast %parallel_loop3A_433 : i32 to index
        %parallel_loop3A_479 = arith.constant 64 : index
        %parallel_loop3A_480 = tpu.vector_load %arg8[%parallel_loop3A_478, %parallel_loop3A_479] {strides = array<i32>} : memref<200x128xf32, #tpu.memory_space<vmem>>, vector<1x16xf32>,
        %parallel_loop3A_481 = vector.shape_cast %parallel_loop3A_480 : vector<1x16xf32> to vector<16xf32>
        %parallel_loop3A_482 = arith.constant 2 : i32
        %parallel_loop3A_483 = arith.index_cast %parallel_loop3A_482 : i32 to index
        %parallel_loop3A_484 = arith.index_cast %parallel_loop3A_426 : i32 to index
        %parallel_loop3A_485 = arith.constant 64 : index
        %parallel_loop3A_486 = tpu.vector_load %arg7[%parallel_loop3A_483, %parallel_loop3A_484, %parallel_loop3A_485] {strides = array<i32>} : memref<5x128x128xf32, #tpu.memory_space<vmem>>, vector<1x1x16xf32>,
        %parallel_loop3A_487 = vector.shape_cast %parallel_loop3A_486 : vector<1x1x16xf32> to vector<16xf32>
        %parallel_loop3A_488 = vector.shape_cast %parallel_loop3A_481 : vector<16xf32> to vector<1x1x16xf32>
        tpu.vector_store %arg7[%parallel_loop3A_483, %parallel_loop3A_484, %parallel_loop3A_485], %parallel_loop3A_488 {add = true, strides = array<i32>} : memref<5x128x128xf32, #tpu.memory_space<vmem>>, vector<1x1x16xf32>,
        %parallel_loop3A_489 = arith.index_cast %parallel_loop3A_433 : i32 to index
        %parallel_loop3A_490 = arith.constant 80 : index
        %parallel_loop3A_491 = tpu.vector_load %arg8[%parallel_loop3A_489, %parallel_loop3A_490] {strides = array<i32>} : memref<200x128xf32, #tpu.memory_space<vmem>>, vector<1x16xf32>,
        %parallel_loop3A_492 = vector.shape_cast %parallel_loop3A_491 : vector<1x16xf32> to vector<16xf32>
        %parallel_loop3A_493 = arith.constant 2 : i32
        %parallel_loop3A_494 = arith.index_cast %parallel_loop3A_493 : i32 to index
        %parallel_loop3A_495 = arith.index_cast %parallel_loop3A_426 : i32 to index
        %parallel_loop3A_496 = arith.constant 80 : index
        %parallel_loop3A_497 = tpu.vector_load %arg7[%parallel_loop3A_494, %parallel_loop3A_495, %parallel_loop3A_496] {strides = array<i32>} : memref<5x128x128xf32, #tpu.memory_space<vmem>>, vector<1x1x16xf32>,
        %parallel_loop3A_498 = vector.shape_cast %parallel_loop3A_497 : vector<1x1x16xf32> to vector<16xf32>
        %parallel_loop3A_499 = vector.shape_cast %parallel_loop3A_492 : vector<16xf32> to vector<1x1x16xf32>
        tpu.vector_store %arg7[%parallel_loop3A_494, %parallel_loop3A_495, %parallel_loop3A_496], %parallel_loop3A_499 {add = true, strides = array<i32>} : memref<5x128x128xf32, #tpu.memory_space<vmem>>, vector<1x1x16xf32>,
        %parallel_loop3A_500 = arith.index_cast %parallel_loop3A_433 : i32 to index
        %parallel_loop3A_501 = arith.constant 96 : index
        %parallel_loop3A_502 = tpu.vector_load %arg8[%parallel_loop3A_500, %parallel_loop3A_501] {strides = array<i32>} : memref<200x128xf32, #tpu.memory_space<vmem>>, vector<1x16xf32>,
        %parallel_loop3A_503 = vector.shape_cast %parallel_loop3A_502 : vector<1x16xf32> to vector<16xf32>
        %parallel_loop3A_504 = arith.constant 2 : i32
        %parallel_loop3A_505 = arith.index_cast %parallel_loop3A_504 : i32 to index
        %parallel_loop3A_506 = arith.index_cast %parallel_loop3A_426 : i32 to index
        %parallel_loop3A_507 = arith.constant 96 : index
        %parallel_loop3A_508 = tpu.vector_load %arg7[%parallel_loop3A_505, %parallel_loop3A_506, %parallel_loop3A_507] {strides = array<i32>} : memref<5x128x128xf32, #tpu.memory_space<vmem>>, vector<1x1x16xf32>,
        %parallel_loop3A_509 = vector.shape_cast %parallel_loop3A_508 : vector<1x1x16xf32> to vector<16xf32>
        %parallel_loop3A_510 = vector.shape_cast %parallel_loop3A_503 : vector<16xf32> to vector<1x1x16xf32>
        tpu.vector_store %arg7[%parallel_loop3A_505, %parallel_loop3A_506, %parallel_loop3A_507], %parallel_loop3A_510 {add = true, strides = array<i32>} : memref<5x128x128xf32, #tpu.memory_space<vmem>>, vector<1x1x16xf32>,
        %parallel_loop3A_511 = arith.index_cast %parallel_loop3A_433 : i32 to index
        %parallel_loop3A_512 = arith.constant 112 : index
        %parallel_loop3A_513 = tpu.vector_load %arg8[%parallel_loop3A_511, %parallel_loop3A_512] {strides = array<i32>} : memref<200x128xf32, #tpu.memory_space<vmem>>, vector<1x16xf32>,
        %parallel_loop3A_514 = vector.shape_cast %parallel_loop3A_513 : vector<1x16xf32> to vector<16xf32>
        %parallel_loop3A_515 = arith.constant 2 : i32
        %parallel_loop3A_516 = arith.index_cast %parallel_loop3A_515 : i32 to index
        %parallel_loop3A_517 = arith.index_cast %parallel_loop3A_426 : i32 to index
        %parallel_loop3A_518 = arith.constant 112 : index
        %parallel_loop3A_519 = tpu.vector_load %arg7[%parallel_loop3A_516, %parallel_loop3A_517, %parallel_loop3A_518] {strides = array<i32>} : memref<5x128x128xf32, #tpu.memory_space<vmem>>, vector<1x1x16xf32>,
        %parallel_loop3A_520 = vector.shape_cast %parallel_loop3A_519 : vector<1x1x16xf32> to vector<16xf32>
        %parallel_loop3A_521 = vector.shape_cast %parallel_loop3A_514 : vector<16xf32> to vector<1x1x16xf32>
        tpu.vector_store %arg7[%parallel_loop3A_516, %parallel_loop3A_517, %parallel_loop3A_518], %parallel_loop3A_521 {add = true, strides = array<i32>} : memref<5x128x128xf32, #tpu.memory_space<vmem>>, vector<1x1x16xf32>,
      } {sc.loop_unroll_factor = 4 : i64, sc.parallel_access}
      %mul3A_267 = arith.constant 128 : i32
      %mul3A_268 = arith.muli %add3A_209, %mul3A_267 : i32
      %add3A_269 = arith.addi %mul3A_2, %mul3A_268 : i32
      %dma_start3A_270 = arith.constant 2 : i32
      %dma_start3A_271 = arith.constant 2 : i32
      %dma_start3A_272 = arith.constant 0 : i32
      %dma_start3A_273 = arith.constant 0 : i32
      %dma_start3A_274 = tpu.memref_slice %arg7[%dma_start3A_270, %dma_start3A_272, %dma_start3A_273] : memref<5x128x128xf32, #tpu.memory_space<vmem>> -> memref<1x128x128xf32, #tpu.memory_space<vmem>>
      %dma_start3A_275 = tpu.memref_squeeze %dma_start3A_274 : memref<1x128x128xf32, #tpu.memory_space<vmem>> -> memref<128x128xf32, #tpu.memory_space<vmem>>
      %dma_start3A_276 = arith.constant 0 : i32
      %dma_start3A_277 = tpu.memref_slice %arg5[%add3A_269, %dma_start3A_276] : memref<204800x128xf32, #tpu.memory_space<hbm>> -> memref<128x128xf32, #tpu.memory_space<hbm>>
      %dma_start3A_278 = tpu.memref_slice %arg11[%dma_start3A_271] : memref<5x!tpu.dma_semaphore, #tpu.memory_space<semaphore_mem>> -> memref<1x!tpu.dma_semaphore, #tpu.memory_space<semaphore_mem>>
      %dma_start3A_279 = tpu.memref_squeeze %dma_start3A_278 : memref<1x!tpu.dma_semaphore, #tpu.memory_space<semaphore_mem>> -> memref<!tpu.dma_semaphore, #tpu.memory_space<semaphore_mem>>
      %dma_start3A_280 = arith.constant 0 : i32
      %dma_start3A_281 = tpu.memref_slice %arg5[%add3A_269, %dma_start3A_280] : memref<204800x128xf32, #tpu.memory_space<hbm>> -> memref<128x128xf32, #tpu.memory_space<hbm>>
      %dma_start3A_282 = arith.constant 0 : i32
      %dma_start3A_283 = arith.constant 0 : i32
      %dma_start3A_284 = tpu.memref_slice %arg7[%dma_start3A_270, %dma_start3A_282, %dma_start3A_283] : memref<5x128x128xf32, #tpu.memory_space<vmem>> -> memref<1x128x128xf32, #tpu.memory_space<vmem>>
      %dma_start3A_285 = tpu.memref_squeeze %dma_start3A_284 : memref<1x128x128xf32, #tpu.memory_space<vmem>> -> memref<128x128xf32, #tpu.memory_space<vmem>>
      tpu.enqueue_dma source(%dma_start3A_285 : memref<128x128xf32, #tpu.memory_space<vmem>>) target(%dma_start3A_281 : memref<128x128xf32, #tpu.memory_space<hbm>>) target_semaphore(%dma_start3A_279 : memref<!tpu.dma_semaphore, #tpu.memory_space<semaphore_mem>>)
      %mul3A_286 = arith.constant 5 : i32
      %mul3A_287 = arith.muli %scan3A_78, %mul3A_286 : i32
      %add3A_288 = arith.constant 3 : i32
      %add3A_289 = arith.addi %mul3A_287, %add3A_288 : i32
      %sub3A_290 = arith.constant 2 : i32
      %sub3A_291 = arith.subi %add3A_289, %sub3A_290 : i32
      %mul3A_292 = arith.constant 128 : i32
      %mul3A_293 = arith.muli %sub3A_291, %mul3A_292 : i32
      %add3A_294 = arith.addi %mul3A_2, %mul3A_293 : i32
      %dma_wait3A_295 = arith.constant 1 : i32
      %dma_wait3A_296 = arith.constant 1 : i32
      %dma_wait3A_297 = arith.constant 0 : i32
      %dma_wait3A_298 = arith.constant 0 : i32
      %dma_wait3A_299 = tpu.memref_slice %arg7[%dma_wait3A_295, %dma_wait3A_297, %dma_wait3A_298] : memref<5x128x128xf32, #tpu.memory_space<vmem>> -> memref<1x128x128xf32, #tpu.memory_space<vmem>>
      %dma_wait3A_300 = tpu.memref_squeeze %dma_wait3A_299 : memref<1x128x128xf32, #tpu.memory_space<vmem>> -> memref<128x128xf32, #tpu.memory_space<vmem>>
      %dma_wait3A_301 = arith.constant 0 : i32
      %dma_wait3A_302 = tpu.memref_slice %arg5[%add3A_294, %dma_wait3A_301] : memref<204800x128xf32, #tpu.memory_space<hbm>> -> memref<128x128xf32, #tpu.memory_space<hbm>>
      %dma_wait3A_303 = tpu.memref_slice %arg11[%dma_wait3A_296] : memref<5x!tpu.dma_semaphore, #tpu.memory_space<semaphore_mem>> -> memref<1x!tpu.dma_semaphore, #tpu.memory_space<semaphore_mem>>
      %dma_wait3A_304 = tpu.memref_squeeze %dma_wait3A_303 : memref<1x!tpu.dma_semaphore, #tpu.memory_space<semaphore_mem>> -> memref<!tpu.dma_semaphore, #tpu.memory_space<semaphore_mem>>
      %dma_wait3A_305 = arith.constant 0 : i32
      %dma_wait3A_306 = tpu.memref_slice %arg5[%add3A_294, %dma_wait3A_305] : memref<204800x128xf32, #tpu.memory_space<hbm>> -> memref<128x128xf32, #tpu.memory_space<hbm>>
      %dma_wait3A_307 = arith.constant 0 : i32
      %dma_wait3A_308 = arith.constant 0 : i32
      %dma_wait3A_309 = tpu.memref_slice %arg7[%dma_wait3A_295, %dma_wait3A_307, %dma_wait3A_308] : memref<5x128x128xf32, #tpu.memory_space<vmem>> -> memref<1x128x128xf32, #tpu.memory_space<vmem>>
      %dma_wait3A_310 = tpu.memref_squeeze %dma_wait3A_309 : memref<1x128x128xf32, #tpu.memory_space<vmem>> -> memref<128x128xf32, #tpu.memory_space<vmem>>
      tpu.wait_dma2 semaphore(%dma_wait3A_304 : memref<!tpu.dma_semaphore, #tpu.memory_space<semaphore_mem>>) src(%dma_wait3A_310 : memref<128x128xf32, #tpu.memory_space<vmem>>) dst(%dma_wait3A_306 : memref<128x128xf32, #tpu.memory_space<hbm>>)
      %lt3A_311 = arith.constant 9 : i32
      %lt3A_312 = arith.cmpi slt, %scan3A_78, %lt3A_311 : i32
      %convert_element_type3A_313 = arith.extui %lt3A_312 : i1 to i32
      %cond3A_314 = arith.constant 0 : i32
      %cond3A_315 = arith.cmpi ne, %convert_element_type3A_313, %cond3A_314 : i32
      scf.if %cond3A_315 {
        %add3A_426 = arith.constant 2 : i32
        %add3A_427 = arith.addi %add3A_289, %add3A_426 : i32
        %dma_start3A_428 = arith.constant 0 : i32
        %dma_start3A_429 = arith.constant 0 : i32
        %dma_start3A_430 = arith.constant 0 : i32
        %dma_start3A_431 = arith.constant 0 : i32
        %dma_start3A_432 = tpu.memref_slice %arg7[%dma_start3A_428, %dma_start3A_430, %dma_start3A_431] : memref<5x128x128xf32, #tpu.memory_space<vmem>> -> memref<1x128x128xf32, #tpu.memory_space<vmem>>
        %dma_start3A_433 = tpu.memref_squeeze %dma_start3A_432 : memref<1x128x128xf32, #tpu.memory_space<vmem>> -> memref<128x128xf32, #tpu.memory_space<vmem>>
        %dma_start3A_434 = arith.constant 0 : i32
        %dma_start3A_435 = tpu.memref_slice %arg6[%add3A_427, %dma_start3A_434] : memref<50x128xi32, #tpu.memory_space<vmem>> -> memref<1x128xi32, #tpu.memory_space<vmem>>
        %dma_start3A_436 = tpu.memref_squeeze %dma_start3A_435 : memref<1x128xi32, #tpu.memory_space<vmem>> -> memref<128xi32, #tpu.memory_space<vmem>>
        %dma_start3A_437 = arith.constant 0 : i32
        %dma_start3A_438 = arith.constant 0 : i32
        %dma_start3A_439 = tpu.memref_slice %arg9[%dma_start3A_437, %dma_start3A_438] : memref<1000x128xf32, #tpu.memory_space<vmem_shared>> -> memref<1000x128xf32, #tpu.memory_space<vmem_shared>>
        %dma_start3A_440 = tpu.memref_slice %arg10[%dma_start3A_429] : memref<5x!tpu.dma_semaphore, #tpu.memory_space<semaphore_mem>> -> memref<1x!tpu.dma_semaphore, #tpu.memory_space<semaphore_mem>>
        %dma_start3A_441 = tpu.memref_squeeze %dma_start3A_440 : memref<1x!tpu.dma_semaphore, #tpu.memory_space<semaphore_mem>> -> memref<!tpu.dma_semaphore, #tpu.memory_space<semaphore_mem>>
        tpu.enqueue_indirect_dma source(%dma_start3A_439 : memref<1000x128xf32, #tpu.memory_space<vmem_shared>>) target(%dma_start3A_433 : memref<128x128xf32, #tpu.memory_space<vmem>>) offsets(%dma_start3A_436 : memref<128xi32, #tpu.memory_space<vmem>>) semaphore(%dma_start3A_441 : memref<!tpu.dma_semaphore, #tpu.memory_space<semaphore_mem>>)
      } else {
      }
      %dma_wait3A_316 = arith.constant 3 : i32
      %dma_wait3A_317 = arith.constant 3 : i32
      %dma_wait3A_318 = arith.constant 0 : i32
      %dma_wait3A_319 = arith.constant 0 : i32
      %dma_wait3A_320 = tpu.memref_slice %arg7[%dma_wait3A_316, %dma_wait3A_318, %dma_wait3A_319] : memref<5x128x128xf32, #tpu.memory_space<vmem>> -> memref<1x128x128xf32, #tpu.memory_space<vmem>>
      %dma_wait3A_321 = tpu.memref_squeeze %dma_wait3A_320 : memref<1x128x128xf32, #tpu.memory_space<vmem>> -> memref<128x128xf32, #tpu.memory_space<vmem>>
      %dma_wait3A_322 = arith.constant 0 : i32
      %dma_wait3A_323 = tpu.memref_slice %arg6[%add3A_289, %dma_wait3A_322] : memref<50x128xi32, #tpu.memory_space<vmem>> -> memref<1x128xi32, #tpu.memory_space<vmem>>
      %dma_wait3A_324 = tpu.memref_squeeze %dma_wait3A_323 : memref<1x128xi32, #tpu.memory_space<vmem>> -> memref<128xi32, #tpu.memory_space<vmem>>
      %dma_wait3A_325 = arith.constant 0 : i32
      %dma_wait3A_326 = arith.constant 0 : i32
      %dma_wait3A_327 = tpu.memref_slice %arg9[%dma_wait3A_325, %dma_wait3A_326] : memref<1000x128xf32, #tpu.memory_space<vmem_shared>> -> memref<1000x128xf32, #tpu.memory_space<vmem_shared>>
      %dma_wait3A_328 = tpu.memref_slice %arg10[%dma_wait3A_317] : memref<5x!tpu.dma_semaphore, #tpu.memory_space<semaphore_mem>> -> memref<1x!tpu.dma_semaphore, #tpu.memory_space<semaphore_mem>>
      %dma_wait3A_329 = tpu.memref_squeeze %dma_wait3A_328 : memref<1x!tpu.dma_semaphore, #tpu.memory_space<semaphore_mem>> -> memref<!tpu.dma_semaphore, #tpu.memory_space<semaphore_mem>>
      tpu.wait_indirect_dma semaphore(%dma_wait3A_329 : memref<!tpu.dma_semaphore, #tpu.memory_space<semaphore_mem>>) src(%dma_wait3A_327 : memref<1000x128xf32, #tpu.memory_space<vmem_shared>>) dst(%dma_wait3A_321 : memref<128x128xf32, #tpu.memory_space<vmem>>)
      %mul3A_330 = arith.constant 128 : i32
      %mul3A_331 = arith.muli %add3A_289, %mul3A_330 : i32
      %rem3A_332 = arith.constant 200 : i32
      %rem3A_333 = arith.remsi %mul3A_331, %rem3A_332 : i32
      %parallel_loop3A_334 = arith.constant 0 : i32
      %parallel_loop3A_335 = arith.constant 128 : i32
      %parallel_loop3A_336 = arith.constant 1 : i32
      scf.for %parallel_loop3A_426 = %parallel_loop3A_334 to %parallel_loop3A_335 step %parallel_loop3A_336  : i32 {
        %parallel_loop3A_427 = arith.addi %rem3A_333, %parallel_loop3A_426 : i32
        %parallel_loop3A_428 = arith.constant 200 : i32
        %parallel_loop3A_429 = arith.cmpi sge, %parallel_loop3A_427, %parallel_loop3A_428 : i32
        %parallel_loop3A_430 = arith.constant 0 : i32
        %parallel_loop3A_431 = arith.constant 200 : i32
        %parallel_loop3A_432 = arith.select %parallel_loop3A_429, %parallel_loop3A_431, %parallel_loop3A_430 : i32
        %parallel_loop3A_433 = arith.subi %parallel_loop3A_427, %parallel_loop3A_432 : i32
        %parallel_loop3A_434 = arith.index_cast %parallel_loop3A_433 : i32 to index
        %parallel_loop3A_435 = arith.constant 0 : index
        %parallel_loop3A_436 = tpu.vector_load %arg8[%parallel_loop3A_434, %parallel_loop3A_435] {strides = array<i32>} : memref<200x128xf32, #tpu.memory_space<vmem>>, vector<1x16xf32>,
        %parallel_loop3A_437 = vector.shape_cast %parallel_loop3A_436 : vector<1x16xf32> to vector<16xf32>
        %parallel_loop3A_438 = arith.constant 3 : i32
        %parallel_loop3A_439 = arith.index_cast %parallel_loop3A_438 : i32 to index
        %parallel_loop3A_440 = arith.index_cast %parallel_loop3A_426 : i32 to index
        %parallel_loop3A_441 = arith.constant 0 : index
        %parallel_loop3A_442 = tpu.vector_load %arg7[%parallel_loop3A_439, %parallel_loop3A_440, %parallel_loop3A_441] {strides = array<i32>} : memref<5x128x128xf32, #tpu.memory_space<vmem>>, vector<1x1x16xf32>,
        %parallel_loop3A_443 = vector.shape_cast %parallel_loop3A_442 : vector<1x1x16xf32> to vector<16xf32>
        %parallel_loop3A_444 = vector.shape_cast %parallel_loop3A_437 : vector<16xf32> to vector<1x1x16xf32>
        tpu.vector_store %arg7[%parallel_loop3A_439, %parallel_loop3A_440, %parallel_loop3A_441], %parallel_loop3A_444 {add = true, strides = array<i32>} : memref<5x128x128xf32, #tpu.memory_space<vmem>>, vector<1x1x16xf32>,
        %parallel_loop3A_445 = arith.index_cast %parallel_loop3A_433 : i32 to index
        %parallel_loop3A_446 = arith.constant 16 : index
        %parallel_loop3A_447 = tpu.vector_load %arg8[%parallel_loop3A_445, %parallel_loop3A_446] {strides = array<i32>} : memref<200x128xf32, #tpu.memory_space<vmem>>, vector<1x16xf32>,
        %parallel_loop3A_448 = vector.shape_cast %parallel_loop3A_447 : vector<1x16xf32> to vector<16xf32>
        %parallel_loop3A_449 = arith.constant 3 : i32
        %parallel_loop3A_450 = arith.index_cast %parallel_loop3A_449 : i32 to index
        %parallel_loop3A_451 = arith.index_cast %parallel_loop3A_426 : i32 to index
        %parallel_loop3A_452 = arith.constant 16 : index
        %parallel_loop3A_453 = tpu.vector_load %arg7[%parallel_loop3A_450, %parallel_loop3A_451, %parallel_loop3A_452] {strides = array<i32>} : memref<5x128x128xf32, #tpu.memory_space<vmem>>, vector<1x1x16xf32>,
        %parallel_loop3A_454 = vector.shape_cast %parallel_loop3A_453 : vector<1x1x16xf32> to vector<16xf32>
        %parallel_loop3A_455 = vector.shape_cast %parallel_loop3A_448 : vector<16xf32> to vector<1x1x16xf32>
        tpu.vector_store %arg7[%parallel_loop3A_450, %parallel_loop3A_451, %parallel_loop3A_452], %parallel_loop3A_455 {add = true, strides = array<i32>} : memref<5x128x128xf32, #tpu.memory_space<vmem>>, vector<1x1x16xf32>,
        %parallel_loop3A_456 = arith.index_cast %parallel_loop3A_433 : i32 to index
        %parallel_loop3A_457 = arith.constant 32 : index
        %parallel_loop3A_458 = tpu.vector_load %arg8[%parallel_loop3A_456, %parallel_loop3A_457] {strides = array<i32>} : memref<200x128xf32, #tpu.memory_space<vmem>>, vector<1x16xf32>,
        %parallel_loop3A_459 = vector.shape_cast %parallel_loop3A_458 : vector<1x16xf32> to vector<16xf32>
        %parallel_loop3A_460 = arith.constant 3 : i32
        %parallel_loop3A_461 = arith.index_cast %parallel_loop3A_460 : i32 to index
        %parallel_loop3A_462 = arith.index_cast %parallel_loop3A_426 : i32 to index
        %parallel_loop3A_463 = arith.constant 32 : index
        %parallel_loop3A_464 = tpu.vector_load %arg7[%parallel_loop3A_461, %parallel_loop3A_462, %parallel_loop3A_463] {strides = array<i32>} : memref<5x128x128xf32, #tpu.memory_space<vmem>>, vector<1x1x16xf32>,
        %parallel_loop3A_465 = vector.shape_cast %parallel_loop3A_464 : vector<1x1x16xf32> to vector<16xf32>
        %parallel_loop3A_466 = vector.shape_cast %parallel_loop3A_459 : vector<16xf32> to vector<1x1x16xf32>
        tpu.vector_store %arg7[%parallel_loop3A_461, %parallel_loop3A_462, %parallel_loop3A_463], %parallel_loop3A_466 {add = true, strides = array<i32>} : memref<5x128x128xf32, #tpu.memory_space<vmem>>, vector<1x1x16xf32>,
        %parallel_loop3A_467 = arith.index_cast %parallel_loop3A_433 : i32 to index
        %parallel_loop3A_468 = arith.constant 48 : index
        %parallel_loop3A_469 = tpu.vector_load %arg8[%parallel_loop3A_467, %parallel_loop3A_468] {strides = array<i32>} : memref<200x128xf32, #tpu.memory_space<vmem>>, vector<1x16xf32>,
        %parallel_loop3A_470 = vector.shape_cast %parallel_loop3A_469 : vector<1x16xf32> to vector<16xf32>
        %parallel_loop3A_471 = arith.constant 3 : i32
        %parallel_loop3A_472 = arith.index_cast %parallel_loop3A_471 : i32 to index
        %parallel_loop3A_473 = arith.index_cast %parallel_loop3A_426 : i32 to index
        %parallel_loop3A_474 = arith.constant 48 : index
        %parallel_loop3A_475 = tpu.vector_load %arg7[%parallel_loop3A_472, %parallel_loop3A_473, %parallel_loop3A_474] {strides = array<i32>} : memref<5x128x128xf32, #tpu.memory_space<vmem>>, vector<1x1x16xf32>,
        %parallel_loop3A_476 = vector.shape_cast %parallel_loop3A_475 : vector<1x1x16xf32> to vector<16xf32>
        %parallel_loop3A_477 = vector.shape_cast %parallel_loop3A_470 : vector<16xf32> to vector<1x1x16xf32>
        tpu.vector_store %arg7[%parallel_loop3A_472, %parallel_loop3A_473, %parallel_loop3A_474], %parallel_loop3A_477 {add = true, strides = array<i32>} : memref<5x128x128xf32, #tpu.memory_space<vmem>>, vector<1x1x16xf32>,
        %parallel_loop3A_478 = arith.index_cast %parallel_loop3A_433 : i32 to index
        %parallel_loop3A_479 = arith.constant 64 : index
        %parallel_loop3A_480 = tpu.vector_load %arg8[%parallel_loop3A_478, %parallel_loop3A_479] {strides = array<i32>} : memref<200x128xf32, #tpu.memory_space<vmem>>, vector<1x16xf32>,
        %parallel_loop3A_481 = vector.shape_cast %parallel_loop3A_480 : vector<1x16xf32> to vector<16xf32>
        %parallel_loop3A_482 = arith.constant 3 : i32
        %parallel_loop3A_483 = arith.index_cast %parallel_loop3A_482 : i32 to index
        %parallel_loop3A_484 = arith.index_cast %parallel_loop3A_426 : i32 to index
        %parallel_loop3A_485 = arith.constant 64 : index
        %parallel_loop3A_486 = tpu.vector_load %arg7[%parallel_loop3A_483, %parallel_loop3A_484, %parallel_loop3A_485] {strides = array<i32>} : memref<5x128x128xf32, #tpu.memory_space<vmem>>, vector<1x1x16xf32>,
        %parallel_loop3A_487 = vector.shape_cast %parallel_loop3A_486 : vector<1x1x16xf32> to vector<16xf32>
        %parallel_loop3A_488 = vector.shape_cast %parallel_loop3A_481 : vector<16xf32> to vector<1x1x16xf32>
        tpu.vector_store %arg7[%parallel_loop3A_483, %parallel_loop3A_484, %parallel_loop3A_485], %parallel_loop3A_488 {add = true, strides = array<i32>} : memref<5x128x128xf32, #tpu.memory_space<vmem>>, vector<1x1x16xf32>,
        %parallel_loop3A_489 = arith.index_cast %parallel_loop3A_433 : i32 to index
        %parallel_loop3A_490 = arith.constant 80 : index
        %parallel_loop3A_491 = tpu.vector_load %arg8[%parallel_loop3A_489, %parallel_loop3A_490] {strides = array<i32>} : memref<200x128xf32, #tpu.memory_space<vmem>>, vector<1x16xf32>,
        %parallel_loop3A_492 = vector.shape_cast %parallel_loop3A_491 : vector<1x16xf32> to vector<16xf32>
        %parallel_loop3A_493 = arith.constant 3 : i32
        %parallel_loop3A_494 = arith.index_cast %parallel_loop3A_493 : i32 to index
        %parallel_loop3A_495 = arith.index_cast %parallel_loop3A_426 : i32 to index
        %parallel_loop3A_496 = arith.constant 80 : index
        %parallel_loop3A_497 = tpu.vector_load %arg7[%parallel_loop3A_494, %parallel_loop3A_495, %parallel_loop3A_496] {strides = array<i32>} : memref<5x128x128xf32, #tpu.memory_space<vmem>>, vector<1x1x16xf32>,
        %parallel_loop3A_498 = vector.shape_cast %parallel_loop3A_497 : vector<1x1x16xf32> to vector<16xf32>
        %parallel_loop3A_499 = vector.shape_cast %parallel_loop3A_492 : vector<16xf32> to vector<1x1x16xf32>
        tpu.vector_store %arg7[%parallel_loop3A_494, %parallel_loop3A_495, %parallel_loop3A_496], %parallel_loop3A_499 {add = true, strides = array<i32>} : memref<5x128x128xf32, #tpu.memory_space<vmem>>, vector<1x1x16xf32>,
        %parallel_loop3A_500 = arith.index_cast %parallel_loop3A_433 : i32 to index
        %parallel_loop3A_501 = arith.constant 96 : index
        %parallel_loop3A_502 = tpu.vector_load %arg8[%parallel_loop3A_500, %parallel_loop3A_501] {strides = array<i32>} : memref<200x128xf32, #tpu.memory_space<vmem>>, vector<1x16xf32>,
        %parallel_loop3A_503 = vector.shape_cast %parallel_loop3A_502 : vector<1x16xf32> to vector<16xf32>
        %parallel_loop3A_504 = arith.constant 3 : i32
        %parallel_loop3A_505 = arith.index_cast %parallel_loop3A_504 : i32 to index
        %parallel_loop3A_506 = arith.index_cast %parallel_loop3A_426 : i32 to index
        %parallel_loop3A_507 = arith.constant 96 : index
        %parallel_loop3A_508 = tpu.vector_load %arg7[%parallel_loop3A_505, %parallel_loop3A_506, %parallel_loop3A_507] {strides = array<i32>} : memref<5x128x128xf32, #tpu.memory_space<vmem>>, vector<1x1x16xf32>,
        %parallel_loop3A_509 = vector.shape_cast %parallel_loop3A_508 : vector<1x1x16xf32> to vector<16xf32>
        %parallel_loop3A_510 = vector.shape_cast %parallel_loop3A_503 : vector<16xf32> to vector<1x1x16xf32>
        tpu.vector_store %arg7[%parallel_loop3A_505, %parallel_loop3A_506, %parallel_loop3A_507], %parallel_loop3A_510 {add = true, strides = array<i32>} : memref<5x128x128xf32, #tpu.memory_space<vmem>>, vector<1x1x16xf32>,
        %parallel_loop3A_511 = arith.index_cast %parallel_loop3A_433 : i32 to index
        %parallel_loop3A_512 = arith.constant 112 : index
        %parallel_loop3A_513 = tpu.vector_load %arg8[%parallel_loop3A_511, %parallel_loop3A_512] {strides = array<i32>} : memref<200x128xf32, #tpu.memory_space<vmem>>, vector<1x16xf32>,
        %parallel_loop3A_514 = vector.shape_cast %parallel_loop3A_513 : vector<1x16xf32> to vector<16xf32>
        %parallel_loop3A_515 = arith.constant 3 : i32
        %parallel_loop3A_516 = arith.index_cast %parallel_loop3A_515 : i32 to index
        %parallel_loop3A_517 = arith.index_cast %parallel_loop3A_426 : i32 to index
        %parallel_loop3A_518 = arith.constant 112 : index
        %parallel_loop3A_519 = tpu.vector_load %arg7[%parallel_loop3A_516, %parallel_loop3A_517, %parallel_loop3A_518] {strides = array<i32>} : memref<5x128x128xf32, #tpu.memory_space<vmem>>, vector<1x1x16xf32>,
        %parallel_loop3A_520 = vector.shape_cast %parallel_loop3A_519 : vector<1x1x16xf32> to vector<16xf32>
        %parallel_loop3A_521 = vector.shape_cast %parallel_loop3A_514 : vector<16xf32> to vector<1x1x16xf32>
        tpu.vector_store %arg7[%parallel_loop3A_516, %parallel_loop3A_517, %parallel_loop3A_518], %parallel_loop3A_521 {add = true, strides = array<i32>} : memref<5x128x128xf32, #tpu.memory_space<vmem>>, vector<1x1x16xf32>,
      } {sc.loop_unroll_factor = 4 : i64, sc.parallel_access}
      %mul3A_337 = arith.constant 128 : i32
      %mul3A_338 = arith.muli %add3A_289, %mul3A_337 : i32
      %add3A_339 = arith.addi %mul3A_2, %mul3A_338 : i32
      %dma_start3A_340 = arith.constant 3 : i32
      %dma_start3A_341 = arith.constant 3 : i32
      %dma_start3A_342 = arith.constant 0 : i32
      %dma_start3A_343 = arith.constant 0 : i32
      %dma_start3A_344 = tpu.memref_slice %arg7[%dma_start3A_340, %dma_start3A_342, %dma_start3A_343] : memref<5x128x128xf32, #tpu.memory_space<vmem>> -> memref<1x128x128xf32, #tpu.memory_space<vmem>>
      %dma_start3A_345 = tpu.memref_squeeze %dma_start3A_344 : memref<1x128x128xf32, #tpu.memory_space<vmem>> -> memref<128x128xf32, #tpu.memory_space<vmem>>
      %dma_start3A_346 = arith.constant 0 : i32
      %dma_start3A_347 = tpu.memref_slice %arg5[%add3A_339, %dma_start3A_346] : memref<204800x128xf32, #tpu.memory_space<hbm>> -> memref<128x128xf32, #tpu.memory_space<hbm>>
      %dma_start3A_348 = tpu.memref_slice %arg11[%dma_start3A_341] : memref<5x!tpu.dma_semaphore, #tpu.memory_space<semaphore_mem>> -> memref<1x!tpu.dma_semaphore, #tpu.memory_space<semaphore_mem>>
      %dma_start3A_349 = tpu.memref_squeeze %dma_start3A_348 : memref<1x!tpu.dma_semaphore, #tpu.memory_space<semaphore_mem>> -> memref<!tpu.dma_semaphore, #tpu.memory_space<semaphore_mem>>
      %dma_start3A_350 = arith.constant 0 : i32
      %dma_start3A_351 = tpu.memref_slice %arg5[%add3A_339, %dma_start3A_350] : memref<204800x128xf32, #tpu.memory_space<hbm>> -> memref<128x128xf32, #tpu.memory_space<hbm>>
      %dma_start3A_352 = arith.constant 0 : i32
      %dma_start3A_353 = arith.constant 0 : i32
      %dma_start3A_354 = tpu.memref_slice %arg7[%dma_start3A_340, %dma_start3A_352, %dma_start3A_353] : memref<5x128x128xf32, #tpu.memory_space<vmem>> -> memref<1x128x128xf32, #tpu.memory_space<vmem>>
      %dma_start3A_355 = tpu.memref_squeeze %dma_start3A_354 : memref<1x128x128xf32, #tpu.memory_space<vmem>> -> memref<128x128xf32, #tpu.memory_space<vmem>>
      tpu.enqueue_dma source(%dma_start3A_355 : memref<128x128xf32, #tpu.memory_space<vmem>>) target(%dma_start3A_351 : memref<128x128xf32, #tpu.memory_space<hbm>>) target_semaphore(%dma_start3A_349 : memref<!tpu.dma_semaphore, #tpu.memory_space<semaphore_mem>>)
      %mul3A_356 = arith.constant 5 : i32
      %mul3A_357 = arith.muli %scan3A_78, %mul3A_356 : i32
      %add3A_358 = arith.constant 4 : i32
      %add3A_359 = arith.addi %mul3A_357, %add3A_358 : i32
      %sub3A_360 = arith.constant 2 : i32
      %sub3A_361 = arith.subi %add3A_359, %sub3A_360 : i32
      %mul3A_362 = arith.constant 128 : i32
      %mul3A_363 = arith.muli %sub3A_361, %mul3A_362 : i32
      %add3A_364 = arith.addi %mul3A_2, %mul3A_363 : i32
      %dma_wait3A_365 = arith.constant 2 : i32
      %dma_wait3A_366 = arith.constant 2 : i32
      %dma_wait3A_367 = arith.constant 0 : i32
      %dma_wait3A_368 = arith.constant 0 : i32
      %dma_wait3A_369 = tpu.memref_slice %arg7[%dma_wait3A_365, %dma_wait3A_367, %dma_wait3A_368] : memref<5x128x128xf32, #tpu.memory_space<vmem>> -> memref<1x128x128xf32, #tpu.memory_space<vmem>>
      %dma_wait3A_370 = tpu.memref_squeeze %dma_wait3A_369 : memref<1x128x128xf32, #tpu.memory_space<vmem>> -> memref<128x128xf32, #tpu.memory_space<vmem>>
      %dma_wait3A_371 = arith.constant 0 : i32
      %dma_wait3A_372 = tpu.memref_slice %arg5[%add3A_364, %dma_wait3A_371] : memref<204800x128xf32, #tpu.memory_space<hbm>> -> memref<128x128xf32, #tpu.memory_space<hbm>>
      %dma_wait3A_373 = tpu.memref_slice %arg11[%dma_wait3A_366] : memref<5x!tpu.dma_semaphore, #tpu.memory_space<semaphore_mem>> -> memref<1x!tpu.dma_semaphore, #tpu.memory_space<semaphore_mem>>
      %dma_wait3A_374 = tpu.memref_squeeze %dma_wait3A_373 : memref<1x!tpu.dma_semaphore, #tpu.memory_space<semaphore_mem>> -> memref<!tpu.dma_semaphore, #tpu.memory_space<semaphore_mem>>
      %dma_wait3A_375 = arith.constant 0 : i32
      %dma_wait3A_376 = tpu.memref_slice %arg5[%add3A_364, %dma_wait3A_375] : memref<204800x128xf32, #tpu.memory_space<hbm>> -> memref<128x128xf32, #tpu.memory_space<hbm>>
      %dma_wait3A_377 = arith.constant 0 : i32
      %dma_wait3A_378 = arith.constant 0 : i32
      %dma_wait3A_379 = tpu.memref_slice %arg7[%dma_wait3A_365, %dma_wait3A_377, %dma_wait3A_378] : memref<5x128x128xf32, #tpu.memory_space<vmem>> -> memref<1x128x128xf32, #tpu.memory_space<vmem>>
      %dma_wait3A_380 = tpu.memref_squeeze %dma_wait3A_379 : memref<1x128x128xf32, #tpu.memory_space<vmem>> -> memref<128x128xf32, #tpu.memory_space<vmem>>
      tpu.wait_dma2 semaphore(%dma_wait3A_374 : memref<!tpu.dma_semaphore, #tpu.memory_space<semaphore_mem>>) src(%dma_wait3A_380 : memref<128x128xf32, #tpu.memory_space<vmem>>) dst(%dma_wait3A_376 : memref<128x128xf32, #tpu.memory_space<hbm>>)
      %lt3A_381 = arith.constant 9 : i32
      %lt3A_382 = arith.cmpi slt, %scan3A_78, %lt3A_381 : i32
      %convert_element_type3A_383 = arith.extui %lt3A_382 : i1 to i32
      %cond3A_384 = arith.constant 0 : i32
      %cond3A_385 = arith.cmpi ne, %convert_element_type3A_383, %cond3A_384 : i32
      scf.if %cond3A_385 {
        %add3A_426 = arith.constant 2 : i32
        %add3A_427 = arith.addi %add3A_359, %add3A_426 : i32
        %dma_start3A_428 = arith.constant 1 : i32
        %dma_start3A_429 = arith.constant 1 : i32
        %dma_start3A_430 = arith.constant 0 : i32
        %dma_start3A_431 = arith.constant 0 : i32
        %dma_start3A_432 = tpu.memref_slice %arg7[%dma_start3A_428, %dma_start3A_430, %dma_start3A_431] : memref<5x128x128xf32, #tpu.memory_space<vmem>> -> memref<1x128x128xf32, #tpu.memory_space<vmem>>
        %dma_start3A_433 = tpu.memref_squeeze %dma_start3A_432 : memref<1x128x128xf32, #tpu.memory_space<vmem>> -> memref<128x128xf32, #tpu.memory_space<vmem>>
        %dma_start3A_434 = arith.constant 0 : i32
        %dma_start3A_435 = tpu.memref_slice %arg6[%add3A_427, %dma_start3A_434] : memref<50x128xi32, #tpu.memory_space<vmem>> -> memref<1x128xi32, #tpu.memory_space<vmem>>
        %dma_start3A_436 = tpu.memref_squeeze %dma_start3A_435 : memref<1x128xi32, #tpu.memory_space<vmem>> -> memref<128xi32, #tpu.memory_space<vmem>>
        %dma_start3A_437 = arith.constant 0 : i32
        %dma_start3A_438 = arith.constant 0 : i32
        %dma_start3A_439 = tpu.memref_slice %arg9[%dma_start3A_437, %dma_start3A_438] : memref<1000x128xf32, #tpu.memory_space<vmem_shared>> -> memref<1000x128xf32, #tpu.memory_space<vmem_shared>>
        %dma_start3A_440 = tpu.memref_slice %arg10[%dma_start3A_429] : memref<5x!tpu.dma_semaphore, #tpu.memory_space<semaphore_mem>> -> memref<1x!tpu.dma_semaphore, #tpu.memory_space<semaphore_mem>>
        %dma_start3A_441 = tpu.memref_squeeze %dma_start3A_440 : memref<1x!tpu.dma_semaphore, #tpu.memory_space<semaphore_mem>> -> memref<!tpu.dma_semaphore, #tpu.memory_space<semaphore_mem>>
        tpu.enqueue_indirect_dma source(%dma_start3A_439 : memref<1000x128xf32, #tpu.memory_space<vmem_shared>>) target(%dma_start3A_433 : memref<128x128xf32, #tpu.memory_space<vmem>>) offsets(%dma_start3A_436 : memref<128xi32, #tpu.memory_space<vmem>>) semaphore(%dma_start3A_441 : memref<!tpu.dma_semaphore, #tpu.memory_space<semaphore_mem>>)
      } else {
      }
      %dma_wait3A_386 = arith.constant 4 : i32
      %dma_wait3A_387 = arith.constant 4 : i32
      %dma_wait3A_388 = arith.constant 0 : i32
      %dma_wait3A_389 = arith.constant 0 : i32
      %dma_wait3A_390 = tpu.memref_slice %arg7[%dma_wait3A_386, %dma_wait3A_388, %dma_wait3A_389] : memref<5x128x128xf32, #tpu.memory_space<vmem>> -> memref<1x128x128xf32, #tpu.memory_space<vmem>>
      %dma_wait3A_391 = tpu.memref_squeeze %dma_wait3A_390 : memref<1x128x128xf32, #tpu.memory_space<vmem>> -> memref<128x128xf32, #tpu.memory_space<vmem>>
      %dma_wait3A_392 = arith.constant 0 : i32
      %dma_wait3A_393 = tpu.memref_slice %arg6[%add3A_359, %dma_wait3A_392] : memref<50x128xi32, #tpu.memory_space<vmem>> -> memref<1x128xi32, #tpu.memory_space<vmem>>
      %dma_wait3A_394 = tpu.memref_squeeze %dma_wait3A_393 : memref<1x128xi32, #tpu.memory_space<vmem>> -> memref<128xi32, #tpu.memory_space<vmem>>
      %dma_wait3A_395 = arith.constant 0 : i32
      %dma_wait3A_396 = arith.constant 0 : i32
      %dma_wait3A_397 = tpu.memref_slice %arg9[%dma_wait3A_395, %dma_wait3A_396] : memref<1000x128xf32, #tpu.memory_space<vmem_shared>> -> memref<1000x128xf32, #tpu.memory_space<vmem_shared>>
      %dma_wait3A_398 = tpu.memref_slice %arg10[%dma_wait3A_387] : memref<5x!tpu.dma_semaphore, #tpu.memory_space<semaphore_mem>> -> memref<1x!tpu.dma_semaphore, #tpu.memory_space<semaphore_mem>>
      %dma_wait3A_399 = tpu.memref_squeeze %dma_wait3A_398 : memref<1x!tpu.dma_semaphore, #tpu.memory_space<semaphore_mem>> -> memref<!tpu.dma_semaphore, #tpu.memory_space<semaphore_mem>>
      tpu.wait_indirect_dma semaphore(%dma_wait3A_399 : memref<!tpu.dma_semaphore, #tpu.memory_space<semaphore_mem>>) src(%dma_wait3A_397 : memref<1000x128xf32, #tpu.memory_space<vmem_shared>>) dst(%dma_wait3A_391 : memref<128x128xf32, #tpu.memory_space<vmem>>)
      %mul3A_400 = arith.constant 128 : i32
      %mul3A_401 = arith.muli %add3A_359, %mul3A_400 : i32
      %rem3A_402 = arith.constant 200 : i32
      %rem3A_403 = arith.remsi %mul3A_401, %rem3A_402 : i32
      %parallel_loop3A_404 = arith.constant 0 : i32
      %parallel_loop3A_405 = arith.constant 128 : i32
      %parallel_loop3A_406 = arith.constant 1 : i32
      scf.for %parallel_loop3A_426 = %parallel_loop3A_404 to %parallel_loop3A_405 step %parallel_loop3A_406  : i32 {
        %parallel_loop3A_427 = arith.addi %rem3A_403, %parallel_loop3A_426 : i32
        %parallel_loop3A_428 = arith.constant 200 : i32
        %parallel_loop3A_429 = arith.cmpi sge, %parallel_loop3A_427, %parallel_loop3A_428 : i32
        %parallel_loop3A_430 = arith.constant 0 : i32
        %parallel_loop3A_431 = arith.constant 200 : i32
        %parallel_loop3A_432 = arith.select %parallel_loop3A_429, %parallel_loop3A_431, %parallel_loop3A_430 : i32
        %parallel_loop3A_433 = arith.subi %parallel_loop3A_427, %parallel_loop3A_432 : i32
        %parallel_loop3A_434 = arith.index_cast %parallel_loop3A_433 : i32 to index
        %parallel_loop3A_435 = arith.constant 0 : index
        %parallel_loop3A_436 = tpu.vector_load %arg8[%parallel_loop3A_434, %parallel_loop3A_435] {strides = array<i32>} : memref<200x128xf32, #tpu.memory_space<vmem>>, vector<1x16xf32>,
        %parallel_loop3A_437 = vector.shape_cast %parallel_loop3A_436 : vector<1x16xf32> to vector<16xf32>
        %parallel_loop3A_438 = arith.constant 4 : i32
        %parallel_loop3A_439 = arith.index_cast %parallel_loop3A_438 : i32 to index
        %parallel_loop3A_440 = arith.index_cast %parallel_loop3A_426 : i32 to index
        %parallel_loop3A_441 = arith.constant 0 : index
        %parallel_loop3A_442 = tpu.vector_load %arg7[%parallel_loop3A_439, %parallel_loop3A_440, %parallel_loop3A_441] {strides = array<i32>} : memref<5x128x128xf32, #tpu.memory_space<vmem>>, vector<1x1x16xf32>,
        %parallel_loop3A_443 = vector.shape_cast %parallel_loop3A_442 : vector<1x1x16xf32> to vector<16xf32>
        %parallel_loop3A_444 = vector.shape_cast %parallel_loop3A_437 : vector<16xf32> to vector<1x1x16xf32>
        tpu.vector_store %arg7[%parallel_loop3A_439, %parallel_loop3A_440, %parallel_loop3A_441], %parallel_loop3A_444 {add = true, strides = array<i32>} : memref<5x128x128xf32, #tpu.memory_space<vmem>>, vector<1x1x16xf32>,
        %parallel_loop3A_445 = arith.index_cast %parallel_loop3A_433 : i32 to index
        %parallel_loop3A_446 = arith.constant 16 : index
        %parallel_loop3A_447 = tpu.vector_load %arg8[%parallel_loop3A_445, %parallel_loop3A_446] {strides = array<i32>} : memref<200x128xf32, #tpu.memory_space<vmem>>, vector<1x16xf32>,
        %parallel_loop3A_448 = vector.shape_cast %parallel_loop3A_447 : vector<1x16xf32> to vector<16xf32>
        %parallel_loop3A_449 = arith.constant 4 : i32
        %parallel_loop3A_450 = arith.index_cast %parallel_loop3A_449 : i32 to index
        %parallel_loop3A_451 = arith.index_cast %parallel_loop3A_426 : i32 to index
        %parallel_loop3A_452 = arith.constant 16 : index
        %parallel_loop3A_453 = tpu.vector_load %arg7[%parallel_loop3A_450, %parallel_loop3A_451, %parallel_loop3A_452] {strides = array<i32>} : memref<5x128x128xf32, #tpu.memory_space<vmem>>, vector<1x1x16xf32>,
        %parallel_loop3A_454 = vector.shape_cast %parallel_loop3A_453 : vector<1x1x16xf32> to vector<16xf32>
        %parallel_loop3A_455 = vector.shape_cast %parallel_loop3A_448 : vector<16xf32> to vector<1x1x16xf32>
        tpu.vector_store %arg7[%parallel_loop3A_450, %parallel_loop3A_451, %parallel_loop3A_452], %parallel_loop3A_455 {add = true, strides = array<i32>} : memref<5x128x128xf32, #tpu.memory_space<vmem>>, vector<1x1x16xf32>,
        %parallel_loop3A_456 = arith.index_cast %parallel_loop3A_433 : i32 to index
        %parallel_loop3A_457 = arith.constant 32 : index
        %parallel_loop3A_458 = tpu.vector_load %arg8[%parallel_loop3A_456, %parallel_loop3A_457] {strides = array<i32>} : memref<200x128xf32, #tpu.memory_space<vmem>>, vector<1x16xf32>,
        %parallel_loop3A_459 = vector.shape_cast %parallel_loop3A_458 : vector<1x16xf32> to vector<16xf32>
        %parallel_loop3A_460 = arith.constant 4 : i32
        %parallel_loop3A_461 = arith.index_cast %parallel_loop3A_460 : i32 to index
        %parallel_loop3A_462 = arith.index_cast %parallel_loop3A_426 : i32 to index
        %parallel_loop3A_463 = arith.constant 32 : index
        %parallel_loop3A_464 = tpu.vector_load %arg7[%parallel_loop3A_461, %parallel_loop3A_462, %parallel_loop3A_463] {strides = array<i32>} : memref<5x128x128xf32, #tpu.memory_space<vmem>>, vector<1x1x16xf32>,
        %parallel_loop3A_465 = vector.shape_cast %parallel_loop3A_464 : vector<1x1x16xf32> to vector<16xf32>
        %parallel_loop3A_466 = vector.shape_cast %parallel_loop3A_459 : vector<16xf32> to vector<1x1x16xf32>
        tpu.vector_store %arg7[%parallel_loop3A_461, %parallel_loop3A_462, %parallel_loop3A_463], %parallel_loop3A_466 {add = true, strides = array<i32>} : memref<5x128x128xf32, #tpu.memory_space<vmem>>, vector<1x1x16xf32>,
        %parallel_loop3A_467 = arith.index_cast %parallel_loop3A_433 : i32 to index
        %parallel_loop3A_468 = arith.constant 48 : index
        %parallel_loop3A_469 = tpu.vector_load %arg8[%parallel_loop3A_467, %parallel_loop3A_468] {strides = array<i32>} : memref<200x128xf32, #tpu.memory_space<vmem>>, vector<1x16xf32>,
        %parallel_loop3A_470 = vector.shape_cast %parallel_loop3A_469 : vector<1x16xf32> to vector<16xf32>
        %parallel_loop3A_471 = arith.constant 4 : i32
        %parallel_loop3A_472 = arith.index_cast %parallel_loop3A_471 : i32 to index
        %parallel_loop3A_473 = arith.index_cast %parallel_loop3A_426 : i32 to index
        %parallel_loop3A_474 = arith.constant 48 : index
        %parallel_loop3A_475 = tpu.vector_load %arg7[%parallel_loop3A_472, %parallel_loop3A_473, %parallel_loop3A_474] {strides = array<i32>} : memref<5x128x128xf32, #tpu.memory_space<vmem>>, vector<1x1x16xf32>,
        %parallel_loop3A_476 = vector.shape_cast %parallel_loop3A_475 : vector<1x1x16xf32> to vector<16xf32>
        %parallel_loop3A_477 = vector.shape_cast %parallel_loop3A_470 : vector<16xf32> to vector<1x1x16xf32>
        tpu.vector_store %arg7[%parallel_loop3A_472, %parallel_loop3A_473, %parallel_loop3A_474], %parallel_loop3A_477 {add = true, strides = array<i32>} : memref<5x128x128xf32, #tpu.memory_space<vmem>>, vector<1x1x16xf32>,
        %parallel_loop3A_478 = arith.index_cast %parallel_loop3A_433 : i32 to index
        %parallel_loop3A_479 = arith.constant 64 : index
        %parallel_loop3A_480 = tpu.vector_load %arg8[%parallel_loop3A_478, %parallel_loop3A_479] {strides = array<i32>} : memref<200x128xf32, #tpu.memory_space<vmem>>, vector<1x16xf32>,
        %parallel_loop3A_481 = vector.shape_cast %parallel_loop3A_480 : vector<1x16xf32> to vector<16xf32>
        %parallel_loop3A_482 = arith.constant 4 : i32
        %parallel_loop3A_483 = arith.index_cast %parallel_loop3A_482 : i32 to index
        %parallel_loop3A_484 = arith.index_cast %parallel_loop3A_426 : i32 to index
        %parallel_loop3A_485 = arith.constant 64 : index
        %parallel_loop3A_486 = tpu.vector_load %arg7[%parallel_loop3A_483, %parallel_loop3A_484, %parallel_loop3A_485] {strides = array<i32>} : memref<5x128x128xf32, #tpu.memory_space<vmem>>, vector<1x1x16xf32>,
        %parallel_loop3A_487 = vector.shape_cast %parallel_loop3A_486 : vector<1x1x16xf32> to vector<16xf32>
        %parallel_loop3A_488 = vector.shape_cast %parallel_loop3A_481 : vector<16xf32> to vector<1x1x16xf32>
        tpu.vector_store %arg7[%parallel_loop3A_483, %parallel_loop3A_484, %parallel_loop3A_485], %parallel_loop3A_488 {add = true, strides = array<i32>} : memref<5x128x128xf32, #tpu.memory_space<vmem>>, vector<1x1x16xf32>,
        %parallel_loop3A_489 = arith.index_cast %parallel_loop3A_433 : i32 to index
        %parallel_loop3A_490 = arith.constant 80 : index
        %parallel_loop3A_491 = tpu.vector_load %arg8[%parallel_loop3A_489, %parallel_loop3A_490] {strides = array<i32>} : memref<200x128xf32, #tpu.memory_space<vmem>>, vector<1x16xf32>,
        %parallel_loop3A_492 = vector.shape_cast %parallel_loop3A_491 : vector<1x16xf32> to vector<16xf32>
        %parallel_loop3A_493 = arith.constant 4 : i32
        %parallel_loop3A_494 = arith.index_cast %parallel_loop3A_493 : i32 to index
        %parallel_loop3A_495 = arith.index_cast %parallel_loop3A_426 : i32 to index
        %parallel_loop3A_496 = arith.constant 80 : index
        %parallel_loop3A_497 = tpu.vector_load %arg7[%parallel_loop3A_494, %parallel_loop3A_495, %parallel_loop3A_496] {strides = array<i32>} : memref<5x128x128xf32, #tpu.memory_space<vmem>>, vector<1x1x16xf32>,
        %parallel_loop3A_498 = vector.shape_cast %parallel_loop3A_497 : vector<1x1x16xf32> to vector<16xf32>
        %parallel_loop3A_499 = vector.shape_cast %parallel_loop3A_492 : vector<16xf32> to vector<1x1x16xf32>
        tpu.vector_store %arg7[%parallel_loop3A_494, %parallel_loop3A_495, %parallel_loop3A_496], %parallel_loop3A_499 {add = true, strides = array<i32>} : memref<5x128x128xf32, #tpu.memory_space<vmem>>, vector<1x1x16xf32>,
        %parallel_loop3A_500 = arith.index_cast %parallel_loop3A_433 : i32 to index
        %parallel_loop3A_501 = arith.constant 96 : index
        %parallel_loop3A_502 = tpu.vector_load %arg8[%parallel_loop3A_500, %parallel_loop3A_501] {strides = array<i32>} : memref<200x128xf32, #tpu.memory_space<vmem>>, vector<1x16xf32>,
        %parallel_loop3A_503 = vector.shape_cast %parallel_loop3A_502 : vector<1x16xf32> to vector<16xf32>
        %parallel_loop3A_504 = arith.constant 4 : i32
        %parallel_loop3A_505 = arith.index_cast %parallel_loop3A_504 : i32 to index
        %parallel_loop3A_506 = arith.index_cast %parallel_loop3A_426 : i32 to index
        %parallel_loop3A_507 = arith.constant 96 : index
        %parallel_loop3A_508 = tpu.vector_load %arg7[%parallel_loop3A_505, %parallel_loop3A_506, %parallel_loop3A_507] {strides = array<i32>} : memref<5x128x128xf32, #tpu.memory_space<vmem>>, vector<1x1x16xf32>,
        %parallel_loop3A_509 = vector.shape_cast %parallel_loop3A_508 : vector<1x1x16xf32> to vector<16xf32>
        %parallel_loop3A_510 = vector.shape_cast %parallel_loop3A_503 : vector<16xf32> to vector<1x1x16xf32>
        tpu.vector_store %arg7[%parallel_loop3A_505, %parallel_loop3A_506, %parallel_loop3A_507], %parallel_loop3A_510 {add = true, strides = array<i32>} : memref<5x128x128xf32, #tpu.memory_space<vmem>>, vector<1x1x16xf32>,
        %parallel_loop3A_511 = arith.index_cast %parallel_loop3A_433 : i32 to index
        %parallel_loop3A_512 = arith.constant 112 : index
        %parallel_loop3A_513 = tpu.vector_load %arg8[%parallel_loop3A_511, %parallel_loop3A_512] {strides = array<i32>} : memref<200x128xf32, #tpu.memory_space<vmem>>, vector<1x16xf32>,
        %parallel_loop3A_514 = vector.shape_cast %parallel_loop3A_513 : vector<1x16xf32> to vector<16xf32>
        %parallel_loop3A_515 = arith.constant 4 : i32
        %parallel_loop3A_516 = arith.index_cast %parallel_loop3A_515 : i32 to index
        %parallel_loop3A_517 = arith.index_cast %parallel_loop3A_426 : i32 to index
        %parallel_loop3A_518 = arith.constant 112 : index
        %parallel_loop3A_519 = tpu.vector_load %arg7[%parallel_loop3A_516, %parallel_loop3A_517, %parallel_loop3A_518] {strides = array<i32>} : memref<5x128x128xf32, #tpu.memory_space<vmem>>, vector<1x1x16xf32>,
        %parallel_loop3A_520 = vector.shape_cast %parallel_loop3A_519 : vector<1x1x16xf32> to vector<16xf32>
        %parallel_loop3A_521 = vector.shape_cast %parallel_loop3A_514 : vector<16xf32> to vector<1x1x16xf32>
        tpu.vector_store %arg7[%parallel_loop3A_516, %parallel_loop3A_517, %parallel_loop3A_518], %parallel_loop3A_521 {add = true, strides = array<i32>} : memref<5x128x128xf32, #tpu.memory_space<vmem>>, vector<1x1x16xf32>,
      } {sc.loop_unroll_factor = 4 : i64, sc.parallel_access}
      %mul3A_407 = arith.constant 128 : i32
      %mul3A_408 = arith.muli %add3A_359, %mul3A_407 : i32
      %add3A_409 = arith.addi %mul3A_2, %mul3A_408 : i32
      %dma_start3A_410 = arith.constant 4 : i32
      %dma_start3A_411 = arith.constant 4 : i32
      %dma_start3A_412 = arith.constant 0 : i32
      %dma_start3A_413 = arith.constant 0 : i32
      %dma_start3A_414 = tpu.memref_slice %arg7[%dma_start3A_410, %dma_start3A_412, %dma_start3A_413] : memref<5x128x128xf32, #tpu.memory_space<vmem>> -> memref<1x128x128xf32, #tpu.memory_space<vmem>>
      %dma_start3A_415 = tpu.memref_squeeze %dma_start3A_414 : memref<1x128x128xf32, #tpu.memory_space<vmem>> -> memref<128x128xf32, #tpu.memory_space<vmem>>
      %dma_start3A_416 = arith.constant 0 : i32
      %dma_start3A_417 = tpu.memref_slice %arg5[%add3A_409, %dma_start3A_416] : memref<204800x128xf32, #tpu.memory_space<hbm>> -> memref<128x128xf32, #tpu.memory_space<hbm>>
      %dma_start3A_418 = tpu.memref_slice %arg11[%dma_start3A_411] : memref<5x!tpu.dma_semaphore, #tpu.memory_space<semaphore_mem>> -> memref<1x!tpu.dma_semaphore, #tpu.memory_space<semaphore_mem>>
      %dma_start3A_419 = tpu.memref_squeeze %dma_start3A_418 : memref<1x!tpu.dma_semaphore, #tpu.memory_space<semaphore_mem>> -> memref<!tpu.dma_semaphore, #tpu.memory_space<semaphore_mem>>
      %dma_start3A_420 = arith.constant 0 : i32
      %dma_start3A_421 = tpu.memref_slice %arg5[%add3A_409, %dma_start3A_420] : memref<204800x128xf32, #tpu.memory_space<hbm>> -> memref<128x128xf32, #tpu.memory_space<hbm>>
      %dma_start3A_422 = arith.constant 0 : i32
      %dma_start3A_423 = arith.constant 0 : i32
      %dma_start3A_424 = tpu.memref_slice %arg7[%dma_start3A_410, %dma_start3A_422, %dma_start3A_423] : memref<5x128x128xf32, #tpu.memory_space<vmem>> -> memref<1x128x128xf32, #tpu.memory_space<vmem>>
      %dma_start3A_425 = tpu.memref_squeeze %dma_start3A_424 : memref<1x128x128xf32, #tpu.memory_space<vmem>> -> memref<128x128xf32, #tpu.memory_space<vmem>>
      tpu.enqueue_dma source(%dma_start3A_425 : memref<128x128xf32, #tpu.memory_space<vmem>>) target(%dma_start3A_421 : memref<128x128xf32, #tpu.memory_space<hbm>>) target_semaphore(%dma_start3A_419 : memref<!tpu.dma_semaphore, #tpu.memory_space<semaphore_mem>>)
    }
    %scan3A_42 = arith.constant 10 : i32
    %add3A_43 = arith.constant 6144 : i32
    %add3A_44 = arith.addi %mul3A_2, %add3A_43 : i32
    %dma_wait3A = arith.constant 3 : i32
    %dma_wait3A_45 = arith.constant 3 : i32
    %dma_wait3A_46 = arith.constant 0 : i32
    %dma_wait3A_47 = arith.constant 0 : i32
    %dma_wait3A_48 = tpu.memref_slice %arg7[%dma_wait3A, %dma_wait3A_46, %dma_wait3A_47] : memref<5x128x128xf32, #tpu.memory_space<vmem>> -> memref<1x128x128xf32, #tpu.memory_space<vmem>>
    %dma_wait3A_49 = tpu.memref_squeeze %dma_wait3A_48 : memref<1x128x128xf32, #tpu.memory_space<vmem>> -> memref<128x128xf32, #tpu.memory_space<vmem>>
    %dma_wait3A_50 = arith.constant 0 : i32
    %dma_wait3A_51 = tpu.memref_slice %arg5[%add3A_44, %dma_wait3A_50] : memref<204800x128xf32, #tpu.memory_space<hbm>> -> memref<128x128xf32, #tpu.memory_space<hbm>>
    %dma_wait3A_52 = tpu.memref_slice %arg11[%dma_wait3A_45] : memref<5x!tpu.dma_semaphore, #tpu.memory_space<semaphore_mem>> -> memref<1x!tpu.dma_semaphore, #tpu.memory_space<semaphore_mem>>
    %dma_wait3A_53 = tpu.memref_squeeze %dma_wait3A_52 : memref<1x!tpu.dma_semaphore, #tpu.memory_space<semaphore_mem>> -> memref<!tpu.dma_semaphore, #tpu.memory_space<semaphore_mem>>
    %dma_wait3A_54 = arith.constant 0 : i32
    %dma_wait3A_55 = tpu.memref_slice %arg5[%add3A_44, %dma_wait3A_54] : memref<204800x128xf32, #tpu.memory_space<hbm>> -> memref<128x128xf32, #tpu.memory_space<hbm>>
    %dma_wait3A_56 = arith.constant 0 : i32
    %dma_wait3A_57 = arith.constant 0 : i32
    %dma_wait3A_58 = tpu.memref_slice %arg7[%dma_wait3A, %dma_wait3A_56, %dma_wait3A_57] : memref<5x128x128xf32, #tpu.memory_space<vmem>> -> memref<1x128x128xf32, #tpu.memory_space<vmem>>
    %dma_wait3A_59 = tpu.memref_squeeze %dma_wait3A_58 : memref<1x128x128xf32, #tpu.memory_space<vmem>> -> memref<128x128xf32, #tpu.memory_space<vmem>>
    tpu.wait_dma2 semaphore(%dma_wait3A_53 : memref<!tpu.dma_semaphore, #tpu.memory_space<semaphore_mem>>) src(%dma_wait3A_59 : memref<128x128xf32, #tpu.memory_space<vmem>>) dst(%dma_wait3A_55 : memref<128x128xf32, #tpu.memory_space<hbm>>)
    %add3A_60 = arith.constant 6272 : i32
    %add3A_61 = arith.addi %mul3A_2, %add3A_60 : i32
    %dma_wait3A_62 = arith.constant 4 : i32
    %dma_wait3A_63 = arith.constant 4 : i32
    %dma_wait3A_64 = arith.constant 0 : i32
    %dma_wait3A_65 = arith.constant 0 : i32
    %dma_wait3A_66 = tpu.memref_slice %arg7[%dma_wait3A_62, %dma_wait3A_64, %dma_wait3A_65] : memref<5x128x128xf32, #tpu.memory_space<vmem>> -> memref<1x128x128xf32, #tpu.memory_space<vmem>>
    %dma_wait3A_67 = tpu.memref_squeeze %dma_wait3A_66 : memref<1x128x128xf32, #tpu.memory_space<vmem>> -> memref<128x128xf32, #tpu.memory_space<vmem>>
    %dma_wait3A_68 = arith.constant 0 : i32
    %dma_wait3A_69 = tpu.memref_slice %arg5[%add3A_61, %dma_wait3A_68] : memref<204800x128xf32, #tpu.memory_space<hbm>> -> memref<128x128xf32, #tpu.memory_space<hbm>>
    %dma_wait3A_70 = tpu.memref_slice %arg11[%dma_wait3A_63] : memref<5x!tpu.dma_semaphore, #tpu.memory_space<semaphore_mem>> -> memref<1x!tpu.dma_semaphore, #tpu.memory_space<semaphore_mem>>
    %dma_wait3A_71 = tpu.memref_squeeze %dma_wait3A_70 : memref<1x!tpu.dma_semaphore, #tpu.memory_space<semaphore_mem>> -> memref<!tpu.dma_semaphore, #tpu.memory_space<semaphore_mem>>
    %dma_wait3A_72 = arith.constant 0 : i32
    %dma_wait3A_73 = tpu.memref_slice %arg5[%add3A_61, %dma_wait3A_72] : memref<204800x128xf32, #tpu.memory_space<hbm>> -> memref<128x128xf32, #tpu.memory_space<hbm>>
    %dma_wait3A_74 = arith.constant 0 : i32
    %dma_wait3A_75 = arith.constant 0 : i32
    %dma_wait3A_76 = tpu.memref_slice %arg7[%dma_wait3A_62, %dma_wait3A_74, %dma_wait3A_75] : memref<5x128x128xf32, #tpu.memory_space<vmem>> -> memref<1x128x128xf32, #tpu.memory_space<vmem>>
    %dma_wait3A_77 = tpu.memref_squeeze %dma_wait3A_76 : memref<1x128x128xf32, #tpu.memory_space<vmem>> -> memref<128x128xf32, #tpu.memory_space<vmem>>
    tpu.wait_dma2 semaphore(%dma_wait3A_71 : memref<!tpu.dma_semaphore, #tpu.memory_space<semaphore_mem>>) src(%dma_wait3A_77 : memref<128x128xf32, #tpu.memory_space<vmem>>) dst(%dma_wait3A_73 : memref<128x128xf32, #tpu.memory_space<hbm>>)
    return
  }
}

</mosaic_0001>

<sc_bundles>
// kernel: kernel.3.cloned.1.call-start
scs
__scs_entry_jumppad:
0x0: {  	(pc) =	sbr.rel $0x88, $3  }
0x1: {  	(tag) =	ssettag $0x0;
	lr =	simm.s32 $0x1  }
0x2: {  	[smem:$0x3F9E] =	sst lr;
	_ =	strace $0xD0000000  }
0x3: {  	_ = 	snop  }
0x4: {  	_ = 	snop  }
0x5: {  	_ = 	snop  }
0x6: {  	_ = 	snop  }
0x7: {  	_ = 	snop  }
__scs_overlays_trampoline_lowered:
0x8: {  	[smem:$0x3FAD] =	sst s0  }
0x9: {  	[smem:$0x3FAE] =	sst s1  }
0xa: {  	[smem:$0x3FAF] =	sst s2  }
0xb: {  	[smem:$0x3FB0] =	sst s3  }
0xc: {  	[smem:$0x3FB1] =	sst s4  }
0xd: {  	[smem:$0x3FB2] =	sst s5  }
0xe: {  	[smem:$0x3FB3] =	sst s6  }
0xf: {  	[smem:$0x3FB4] =	sst s7  }
0x10: {  	[smem:$0x3FB5] =	sst s8  }
0x11: {  	[smem:$0x3FB6] =	sst s9;
	s0 =	simm.s32 @!p0 $0x0  }
0x12: {  	s1 =	sld [smem:$0x3F9C];
	s0 =	simm.s32 @p0 $0x1  }
0x13: {  	[smem:$0x3FB7] =	sst s0;
	s0 =	simm.s32 @!p1 $0x0  }
0x14: {  	s2 =	sld [smem:$0x3F9B];
	s0 =	simm.s32 @p1 $0x1  }
0x15: {  	[smem:$0x3FB8] =	sst s0;
	s0 =	simm.s32 @!p2 $0x0  }
0x16: {  	s3 =	sld [smem:$0x3FDB];
	s0 =	simm.s32 @p2 $0x1  }
0x17: {  	s4 =	simm.s32 $0x1BF5;
	[smem:$0x3FBA] =	sst s0  }
0x18: {  	s0 =	sld [smem:$0x3F9D];
	_ =	swait.ge [sflag:s4], $0x0  }
0x19: {  	s7 =	sld [smem:$0x3F9E]  }
0x1a: {  	s8 =	sadd.s32 $0xFFFFE003, lr  }
0x1b: {  	s9 =	sadd.s32 $0xFFFFFEF7, lr;
	s5 =	simm.s32 $0xFFFFFFFF;
	p2 =	slt.u32 s8, $0xFFFFF086  }
0x1c: {  	p1 =	slt.u32 s9, $0xF7A;
	s5 =	simm.s32 @!p2 $0x0  }
0x1d: {  	s5 =	simm.s32 @p1 $0x1;
	p0 =	seq.s32 s7, s2  }
0x1e: {  	s7 =	smul.u32 @!p0 $0xF7A, s2;
	p2 =	seq.s32 @!p0 s5, $0x0  }
0x1f: {  	s9 =	smul.u32 $0xF7A, s1;
	s8 =	simm.s32 @!p0 $0x1BF5;
	p2 =	por !p2, p0  }
0x20: {  	[sflag:s8] =	ssyncset.s32 @!p0 $0xFFFFF086;
	s6 =	sadd.s32 @!p0 s3, s7;
	s7 =	simm.s32 @!p0 $0x108  }
0x21: {  	s3 =	sadd.s32 s3, s9;
	s6 =	sadd.s32 @!p0 $0x88, s6;
	s7 =	simm.s32 @p2 $0x1082  }
0x22: {  	[simem:s7], [sflag:s8] =	dma.local @!p0 [hbm:s6], $0xF7A  }
0x23: {  	s9 =	sor.u32 $0xD0000000, s2;
	s6 =	simm.s32 $0x108;
	_ =	swait.ge @!p0 [sflag:s8], $0x0  }
0x24: {  	s3 =	sadd.s32 $0x88, s3;
	s6 =	simm.s32 @!p1 $0x1082;
	[sflag:s4] =	ssyncset.s32 $0xFFFFF086  }
0x25: {  	[simem:s6], [sflag:s4] =	dma.local [hbm:s3], $0xF7A  }
0x26: {  	[smem:$0x3F9E] =	sst s1;
	(tag) =	ssettag s2;
	_ =	strace s9  }
0x27: {  	s1 =	sld [smem:$0x3FAE]  }
0x28: {  	s2 =	sld [smem:$0x3FAF]  }
0x29: {  	s4 =	sld [smem:$0x3FB1]  }
0x2a: {  	p0 =	seq.s32 s5, $0x0;
	s5 =	sld [smem:$0x3FB2]  }
0x2b: {  	s6 =	sld [smem:$0x3FB3]  }
0x2c: {  	s7 =	sld [smem:$0x3FB4]  }
0x2d: {  	s3 =	simm.s32 $0x108;
	s8 =	sld [smem:$0x3FB5]  }
0x2e: {  	s3 =	simm.s32 @!p0 $0x1082;
	s9 =	sld [smem:$0x3FB6]  }
0x2f: {  	lr =	sadd.s32 s0, s3;
	s0 =	sld [smem:$0x3FAD]  }
0x30: {  	s3 =	sld [smem:$0x3FB0]  }
0x31: {  	[smem:$0x3FB9] =	sst s10  }
0x32: {  	s10 =	sld [smem:$0x3FB7];
	_ =	sdelay $0x3  }
0x33: {  	p0 =	seq.s32 s10, $0x1;
	s10 =	sld [smem:$0x3FB9];
	_ =	sdelay $0x3  }
0x34: {  	[smem:$0x3FB9] =	sst s10  }
0x35: {  	s10 =	sld [smem:$0x3FB8];
	_ =	sdelay $0x3  }
0x36: {  	p1 =	seq.s32 s10, $0x1;
	s10 =	sld [smem:$0x3FB9];
	_ =	sdelay $0x3  }
0x37: {  	[smem:$0x3FB9] =	sst s10  }
0x38: {  	s10 =	sld [smem:$0x3FBA]  }
0x39: {  	_ = 	snop;
	(pc) =	sbr.ind lr, $3  }
0x3a: {  	_ = 	snop  }
0x3b: {  	_ = 	snop  }
0x3c: {  	p2 =	seq.s32 s10, $0x1;
	s10 =	sld [smem:$0x3FB9]  }
0x3d: {  	_ =	shalt  }
0x3e: {  	_ =	shalt  }
0x3f: {  	_ =	shalt  }
0x40: {  	_ =	shalt  }
0x41: {  	_ =	shalt  }
0x42: {  	_ =	shalt  }
0x43: {  	_ =	shalt  }
0x44: {  	_ =	shalt  }
0x45: {  	_ =	shalt  }
0x46: {  	_ =	shalt  }
0x47: {  	_ =	shalt  }
0x48: {  	_ =	shalt  }
0x49: {  	_ =	shalt  }
0x4a: {  	_ =	shalt  }
0x4b: {  	_ =	shalt  }
0x4c: {  	_ =	shalt  }
0x4d: {  	_ =	shalt  }
0x4e: {  	_ =	shalt  }
0x4f: {  	_ =	shalt  }
0x50: {  	_ =	shalt  }
0x51: {  	_ =	shalt  }
0x52: {  	_ =	shalt  }
0x53: {  	_ =	shalt  }
0x54: {  	_ =	shalt  }
0x55: {  	_ =	shalt  }
0x56: {  	_ =	shalt  }
0x57: {  	_ =	shalt  }
0x58: {  	_ =	shalt  }
0x59: {  	_ =	shalt  }
0x5a: {  	_ =	shalt  }
0x5b: {  	_ =	shalt  }
0x5c: {  	_ =	shalt  }
0x5d: {  	_ =	shalt  }
0x5e: {  	_ =	shalt  }
0x5f: {  	_ =	shalt  }
0x60: {  	_ =	shalt  }
0x61: {  	_ =	shalt  }
0x62: {  	_ =	shalt  }
0x63: {  	_ =	shalt  }
0x64: {  	_ =	shalt  }
0x65: {  	_ =	shalt  }
0x66: {  	_ =	shalt  }
0x67: {  	_ =	shalt  }
0x68: {  	_ =	shalt  }
0x69: {  	_ =	shalt  }
0x6a: {  	_ =	shalt  }
0x6b: {  	_ =	shalt  }
0x6c: {  	_ =	shalt  }
0x6d: {  	_ =	shalt  }
0x6e: {  	_ =	shalt  }
0x6f: {  	_ =	shalt  }
0x70: {  	_ =	shalt  }
0x71: {  	_ =	shalt  }
0x72: {  	_ =	shalt  }
0x73: {  	_ =	shalt  }
0x74: {  	_ =	shalt  }
0x75: {  	_ =	shalt  }
0x76: {  	_ =	shalt  }
0x77: {  	_ =	shalt  }
0x78: {  	_ =	shalt  }
0x79: {  	_ =	shalt  }
0x7a: {  	_ =	shalt  }
0x7b: {  	_ =	shalt  }
0x7c: {  	_ =	shalt  }
0x7d: {  	_ =	shalt  }
0x7e: {  	_ =	shalt  }
0x7f: {  	_ =	shalt  }
0x80: {  	_ =	shalt  }
0x81: {  	_ =	shalt  }
0x82: {  	_ =	shalt  }
0x83: {  	_ =	shalt  }
0x84: {  	_ =	shalt  }
0x85: {  	_ =	shalt  }
0x86: {  	_ =	shalt  }
0x87: {  	_ =	shalt  }
.Lfunc_end0:
.L_simem_size_0:
called_computation_lowered:
.L_overlay_start_0:
0x88: {  	s2 =	sld [smem:$0x3FD9]  }
0x89: {  	s3 =	sld [smem:$0x3FFE];
	_ =	sdelay $0x1  }
0x8a: {  	s1 =	srdreg.scid  }
0x8b: {  	s0 =	sand.u32 $0x1, s1  }
0x8c: {  	s17 =	sshll.u32 s0, $0xA;
	s2 =	sadd.s32 s3, s2  }
0x8d: {  	s2 =	sadd.s32 s2, s17  }
0x8e: {  	[smem:$0x3FC5] =	sst s2  }
0x8f: {  	_ = 	snop  }
0x90: {  	s2 =	sld [smem:$0x3FC8]  }
0x91: {  	s18 =	sld [smem:$0x3FC7]  }
0x92: {  	s4 =	sld [smem:$0x3FD0];
	(tm) =	ssettm $0x1  }
0x93: {  	s5 =	sld [smem:$0x3FFB];
	_ =	sdelay $0x3  }
0x94: {  	_ =	strace s5  }
0x95: {  	s5 =	sld [smem:$0x3FFC];
	_ =	sdelay $0x3  }
0x96: {  	_ =	strace s5  }
0x97: {  	s5 =	sld [smem:$0x3FFD];
	_ =	sdelay $0x3  }
0x98: {  	_ =	strace s5  }
0x99: {  	_ =	strace $0x8FFFFFFF  }
0x9a: {  	s19 =	sld [smem:$0x3FDB];
	_ =	sdelay $0x1  }
0x9b: {  	s6 =	simm.s32 $_scs_section_size  }
0x9c: {  	s7 =	simm.s32 $_size__tile_overlayer_lowered;
	s8 =	simm.s32 $_tile_overlayer_lowered  }
0x9d: {  	s22 =	simm.s32 $0x1BFF;
	s21 =	sshll.u32 s8, $0x1;
	s5 =	sadd.s32 s6, s19  }
0x9e: {  	s9 =	simm.s32 $0x0;
	s20 =	sshll.u32 s7, $0x1;
	s7 =	sadd.s32 s21, s5  }
0x9f: {  	[timem:s9], [sflag:s22] =	dma.local [hbm:s7], s20  }
0xa0: {  	_ =	swait.ge [sflag:s22], s20  }
0xa1: {  	s6 =	ssub.s32 $0x0, s20;
	[sflag:s22] =	ssyncset.done $0x0  }
0xa2: {  	[sflag:s22] =	ssyncadd.s32 s6;
	_ =	sdelay $0x1  }
0xa3: {  	s23 =	simm.s32 $0x1B8B  }
0xa4: {  	_ =	swait.ge [sflag:s23], $0x1  }
0xa5: {  	[sflag:s23] =	ssyncset.done $0x0  }
0xa6: {  	s25 =	simm.s32 $0x1B8E;
	s24 =	sld [smem:$0x3FFE];
	[sflag:s23] =	ssyncadd.s32 $0xFFFFFFFF  }
0xa7: {  	s26 =	simm.s32 $execute0_lowered;
	[smem:$0x3FD2] =	sst s25  }
0xa8: {  	s7 =	sshll.u32 s26, $0x1;
	_ =	strace $0x80000046;
	[dreg:$0x1] =	wrdreg $0xFFFFFFFF  }
0xa9: {  	s28 =	simm.s32 $_size_execute0_lowered;
	s5 =	sadd.s32 s5, s7;
	[dreg:$0x0] =	wrdreg $0x0  }
0xaa: {  	s7 =	sshll.u32 s28, $0x1;
	[dreg:$0x2] =	wrdreg s5  }
0xab: {  	[dreg:$0x3] =	wrdreg s7  }
0xac: {  	[dreg:$0x4] =	wrdreg $0xC0  }
0xad: {  	_ =	task [dreg:s9], $0x5FFFF  }
0xae: {  	[dreg:$0x1] =	wrdreg $0xFFFFFFFF  }
0xaf: {  	[dreg:$0x0] =	wrdreg $0x60  }
0xb0: {  	[dreg:$0x2] =	wrdreg s24  }
0xb1: {  	[dreg:$0x3] =	wrdreg s2  }
0xb2: {  	[dreg:$0x4] =	wrdreg s18  }
0xb3: {  	[dreg:$0x5] =	wrdreg s4  }
0xb4: {  	[dreg:$0x6] =	wrdreg $0x1C0000  }
0xb5: {  	[dreg:$0x7] =	wrdreg $0x9  }
0xb6: {  	_ =	task.clear_ibuf [dreg:s9], $0x8FFFF;
	_ =	strace $0x90000046  }
0xb7: {  	s29 =	simm.s32 $0x9;
	_ =	strace $0x80000048  }
0xb8: {  	_ =	swait.ge [sflag:s29], $0x1  }
0xb9: {  	[sflag:s29] =	ssyncadd.s32 $0xFFFFFFFF  }
0xba: {  	_ =	strace $0x90000048  }
0xbb: {  	_ =	sfence  }
0xbc: {  	s30 =	sld [smem:$0x0];
	_ =	sdelay $0x2  }
0xbd: {  	s31 =	sshll.u32 s1, $0xD;
	s1 =	sshrl.u32 s1, $0x2  }
0xbe: {  	s3 =	sand.u32 $0x4000, s31;
	s1 =	sadd.s32 s1, s30  }
0xbf: {  	s0 =	sor.u32 s3, s0;
	s1 =	sshll.u32 s1, $0x11  }
0xc0: {  	s0 =	sor.u32 s1, s0  }
0xc1: {  	s0 =	sadd.s32 $0x8F2B, s0  }
0xc2: {  	[sflag:s0] =	ssyncadd.remote.s32 $0x1  }
0xc3: {  	_ =	sfence.sel $0xFFFF  }
0xc4: {  	[dreg:$0x0] =	wrdreg $0xFFFFFFFF;
	(pc) =	sbr.abs _section_cstart, $3  }
0xc5: {  	[dreg:$0x1] =	wrdreg $0xFFFFFFFF  }
0xc6: {  	_ =	task.clear_ibuf [dreg:s9], $0x2FFFF;
	_ =	strace $0x9FFFFFFF  }
0xc7: {  	(tm) =	ssettm $0x7FFFFFFF  }
tec
execute0_lowered:
.L_overlay_start_1:
0x0: {  	(tag) =	ssettag $0x1  }
0x1: {  	s0 =	rddreg [dreg:$0x0]  }
0x2: {  	s1 =	rddreg [dreg:$0x1]  }
0x3: {  	s3 =	rddreg [dreg:$0x3];
	s2 =	srdreg.scid  }
0x4: {  	s9 =	stileid.u32;
	s4 =	rddreg [dreg:$0x4];
	s18 =	simm.s32 $0x80  }
0x5: {  	s29 =	simm.s32 $0xDC00;
	s30 =	simm.s32 $0x5;
	s2 =	sand.u32 $0x1, s2  }
0x6: {  	s5 =	sshll.u32 s9, $0x1;
	s28 =	sshll.u32 s9, $0xA;
	p0 =	seq.s32 s9, $0xF  }
0x7: {  	s6 =	sor.u32 s2, s5;
	s5 =	simm.s32 $0x0;
	s2 =	ssub.s32 $0x2, s2  }
0x8: {  	s7 =	smul.u32 $0x380, s6;
	[smem:$0x7FF] =	sst s5;
	s8 =	sshrl.u32 s2, $0x1  }
0x9: {  	_ =	strace $0x80000047;
	s2 =	ssub.s32 s2, s8;
	s8 =	sadd.s32 s1, s28  }
0xa: {  	s1 =	sadd.s32 $0x3C00, s1;
	s0 =	sadd.s32 s7, s0;
	[dreg:$0x6] =	wrdreg s8  }
0xb: {  	s8 =	sadd.s32 $0x1E000, s4;
	[dreg:$0x7] =	wrdreg s1;
	s0 =	sadd.s32 $0x400, s0  }
0xc: {  	s26 =	sshll.u32 s9, $0xD;
	[dreg:$0x8] =	wrdreg s0;
	s0 =	sshrl.u32 @p0 s8, $0x3  }
0xd: {  	s31 =	smax.u32 s2, $0x1;
	[dreg:$0xa] =	wrdreg s0;
	s0 =	sshll.u32 @!p0 s9, $0x6  }
0xe: {  	s7 =	sadd.s32 s26, s4;
	[dreg:$0x9] =	wrdreg s31;
	s0 =	sor.u32 @!p0 $0x1C0B, s0  }
0xf: {  	s6 =	smul.u32 $0x1900, s6;
	[dreg:$0xb] =	wrdreg s0;
	s0 =	sshrl.u32 @!p0 s7, $0x3  }
0x10: {  	s26 =	simm.s32 $0x9C00;
	s2 =	simm.s32 $0x0;
	[dreg:$0xc] =	wrdreg s0  }
.LBB2_1:
0x11: {  	[dreg:$0xd] =	wrdreg s2  }
0x12: {  	s1 =	rddreg [dreg:$0x7]  }
0x13: {  	s0 =	simm.s32 @p0 $0x1FCB;
	s2 =	rddreg [dreg:$0xa]  }
0x14: {  	[spmem:s2], [sflag:s0] =	dma.local @p0 [hbm:s1], $0x280  }
0x15: {  	s0 =	simm.s32 @p0 $0xB  }
0x16: {  	_ =	swait.ge @p0 [sflag:s0], $0x280  }
0x17: {  	s1 =	rddreg [dreg:$0xb]  }
0x18: {  	[sflag:s0] =	ssyncset.done @p0 $0x0;
	s2 =	rddreg [dreg:$0xc]  }
0x19: {  	[sflag:s0] =	ssyncadd.s32 @p0 $0xFFFFFD80;
	s0 =	rddreg [dreg:$0x6]  }
0x1a: {  	[spmem:s2], [sflag:s1] =	dma.local @!p0 [hbm:s0], $0x400  }
0x1b: {  	s0 =	simm.s32 @!p0 $0xB  }
0x1c: {  	_ =	swait.ge @!p0 [sflag:s0], $0x400  }
0x1d: {  	[sflag:s0] =	ssyncset.done @!p0 $0x0  }
0x1e: {  	[sflag:s0] =	ssyncadd.s32 @!p0 $0xFFFFFC00  }
0x1f: {  	s23 =	simm.s32 $0x15C00;
	s24 =	simm.s32 $0xB;
	s0 =	rddreg [dreg:$0x2]  }
0x20: {  	[tilespmem:s23], [sflag:$0xB] =	stream.linear.gather [hbm4b:s0+s5], $0x6400, $0x38;
	[tilespmem:$0x1DF40] =	vst v63  }
0x21: {  	_ =	swait.ge [sflag:s24], $0x6400  }
0x22: {  	[sflag:s24] =	ssyncset.done $0x0  }
0x23: {  	s25 =	rddreg [dreg:$0x8];
	[sflag:s24] =	ssyncadd.s32 $0xFFFF9C00  }
0x24: {  	[tilespmem:s5], [sflag:$0xB] =	stream.linear.gather [hbm4b:s25+s5], $0x1900, $0x38;
	[tilespmem:$0x1DF40] =	vst v63  }
0x25: {  	_ =	swait.ge [sflag:s24], $0x1900  }
0x26: {  	s28 =	simm.s32 $0x1C00;
	[sflag:s24] =	ssyncset.done $0x0  }
0x27: {  	s31 =	simm.s32 $0x5C00;
	s14 =	simm.s32 $0x180;
	[sflag:s24] =	ssyncadd.s32 $0xFFFFE700  }
0x28: {  	s7 =	simm.s32 $0x200;
	s8 =	simm.s32 $0x80;
	[bflag:$0x0] =	sbarrier.arrive $0xFFFF  }
0x29: {  	[tilespmem:s28], [sflag:$0x1] =	stream.indirect.gather [spmem:s4], $0x80, s5, s18, $0xb8;
	[tilespmem:$0x1DF40] =	vst v63  }
0x2a: {  	s9 =	simm.s32 $0x0;
	s10 =	simm.s32 $0x0;
	s1 =	simm.s32 $0x100  }
0x2b: {  	[tilespmem:s31], [sflag:$0x2] =	stream.indirect.gather [spmem:s4], $0x80, s18, s18, $0xb8;
	[tilespmem:$0x1DF40] =	vst v63  }
.LBB2_2:
0x2c: {  	p1 =	seq.s32 s10, $0x0  }
0x2d: {  	s0 =	smulhi.u32 $0x51EB851F, s9;
	s2 =	simm.s32 @!p1 $0x9  }
0x2e: {  	s31 =	smul.u32 $0x280, s10;
	_ =	swait.ge @!p1 [sflag:s2], $0x4000  }
0x2f: {  	s0 =	sshrl.u32 s0, $0x6;
	[sflag:s2] =	ssyncset.done @!p1 $0x0  }
0x30: {  	s13 =	sadd.s32 $0x100, s31;
	s0 =	smul.u32 $0xC8, s0;
	[sflag:s2] =	ssyncadd.s32 @!p1 $0xFFFFC000  }
0x31: {  	[tilespmem:s26], [sflag:$0x3] =	stream.indirect.gather [spmem:s4], $0x80, s13, s18, $0xb8;
	[tilespmem:$0x1DF40] =	vst v63  }
0x32: {  	s11 =	simm.s32 $0x1;
	s2 =	ssub.s32 s9, s0  }
0x33: {  	_ =	swait.ge [sflag:s11], $0x4000;
	s0 =	sadd.s32 $0xFFFFFFFC, s2  }
0x34: {  	[sflag:s11] =	ssyncset.done $0x0;
	s24 =	sadd.s32 $0x4, s0;
	s12 =	sadd.s32 $0x7, s0  }
0x35: {  	s15 =	sadd.s32 $0x5, s0;
	s16 =	sadd.s32 $0x6, s0;
	[sflag:s11] =	ssyncadd.s32 $0xFFFFC000  }
0x36: {  	p2 =	slt.u32 s12, $0xC8;
	p3 =	slt.u32 s24, $0xC8;
	s11 =	simm.s32 $0x0  }
0x37: {  	s12 =	simm.s32 $0x0;
	p4 =	slt.u32 s15, $0xC8;
	s15 =	simm.s32 $0x0  }
0x38: {  	s11 =	simm.s32 @!p2 $0x7FFF38;
	s12 =	simm.s32 @!p3 $0x7FFF38;
	p2 =	slt.u32 s16, $0xC8  }
0x39: {  	s15 =	simm.s32 @!p4 $0x7FFF38;
	s16 =	simm.s32 $0x0;
	s11 =	sadd.s32 s11, s0  }
0x3a: {  	s16 =	simm.s32 @!p2 $0x7FFF38;
	s12 =	sadd.s32 s12, s0;
	s11 =	sshll.u32 s11, $0x9  }
0x3b: {  	s15 =	sadd.s32 s15, s0;
	s12 =	sshll.u32 s12, $0x9;
	s11 =	sadd.s32 $0xE00, s11  }
0x3c: {  	s15 =	sshll.u32 s15, $0x9;
	s25 =	sadd.s32 $0x800, s12;
	s17 =	sshra.s32 s11, $0x2  }
0x3d: {  	s0 =	sadd.s32 s16, s0;
	s26 =	sadd.s32 $0xA00, s15;
	s12 =	sshra.s32 s25, $0x2;
	v0 =	vld [tilespmem:s17+$0x15C00]  }
0x3e: {  	s0 =	sshll.u32 s0, $0x9;
	s11 =	sshra.s32 s26, $0x2;
	v1 =	vld [tilespmem:s12+$0x15C00]  }
0x3f: {  	s0 =	sadd.s32 $0xC00, s0;
	v2 =	vld [tilespmem:s11+$0x15C00]  }
0x40: {  	s0 =	sshra.s32 s0, $0x2  }
0x41: {  	s16 =	simm.s32 $0x1DF0;
	v3 =	vld [tilespmem:s0+$0x15C00]  }
0x42: {  	[tilespmem:s16+$0xFFFFFF90] =	vst.add.f32.msk $0xffff, v0  }
0x43: {  	[tilespmem:s16+$0xFFFFFE10] =	vst.add.f32.msk $0xffff, v1  }
0x44: {  	[tilespmem:s16+$0xFFFFFE90] =	vst.add.f32.msk $0xffff, v2  }
0x45: {  	v0 =	vld [tilespmem:s17+$0x15C10]  }
0x46: {  	v1 =	vld [tilespmem:s12+$0x15C10]  }
0x47: {  	v2 =	vld [tilespmem:s11+$0x15C10]  }
0x48: {  	[tilespmem:s16+$0xFFFFFF10] =	vst.add.f32.msk $0xffff, v3  }
0x49: {  	v3 =	vld [tilespmem:s0+$0x15C10]  }
0x4a: {  	[tilespmem:s16+$0xFFFFFFA0] =	vst.add.f32.msk $0xffff, v0  }
0x4b: {  	[tilespmem:s16+$0xFFFFFE20] =	vst.add.f32.msk $0xffff, v1  }
0x4c: {  	[tilespmem:s16+$0xFFFFFEA0] =	vst.add.f32.msk $0xffff, v2  }
0x4d: {  	v0 =	vld [tilespmem:s17+$0x15C20]  }
0x4e: {  	v1 =	vld [tilespmem:s12+$0x15C20]  }
0x4f: {  	v2 =	vld [tilespmem:s11+$0x15C20]  }
0x50: {  	[tilespmem:s16+$0xFFFFFF20] =	vst.add.f32.msk $0xffff, v3  }
0x51: {  	v3 =	vld [tilespmem:s0+$0x15C20]  }
0x52: {  	[tilespmem:s16+$0xFFFFFFB0] =	vst.add.f32.msk $0xffff, v0  }
0x53: {  	[tilespmem:s16+$0xFFFFFE30] =	vst.add.f32.msk $0xffff, v1  }
0x54: {  	[tilespmem:s16+$0xFFFFFEB0] =	vst.add.f32.msk $0xffff, v2  }
0x55: {  	v0 =	vld [tilespmem:s17+$0x15C30]  }
0x56: {  	v1 =	vld [tilespmem:s12+$0x15C30]  }
0x57: {  	[tilespmem:s16+$0xFFFFFF30] =	vst.add.f32.msk $0xffff, v3  }
0x58: {  	v2 =	vld [tilespmem:s11+$0x15C30]  }
0x59: {  	v3 =	vld [tilespmem:s0+$0x15C30]  }
0x5a: {  	[tilespmem:s16+$0xFFFFFFC0] =	vst.add.f32.msk $0xffff, v0  }
0x5b: {  	[tilespmem:s16+$0xFFFFFE40] =	vst.add.f32.msk $0xffff, v1  }
0x5c: {  	v0 =	vld [tilespmem:s17+$0x15C40]  }
0x5d: {  	[tilespmem:s16+$0xFFFFFEC0] =	vst.add.f32.msk $0xffff, v2  }
0x5e: {  	v1 =	vld [tilespmem:s12+$0x15C40]  }
0x5f: {  	v2 =	vld [tilespmem:s11+$0x15C40]  }
0x60: {  	[tilespmem:s16+$0xFFFFFF40] =	vst.add.f32.msk $0xffff, v3  }
0x61: {  	[tilespmem:s16+$0xFFFFFFD0] =	vst.add.f32.msk $0xffff, v0  }
0x62: {  	v0 =	vld [tilespmem:s17+$0x15C50]  }
0x63: {  	v3 =	vld [tilespmem:s0+$0x15C40]  }
0x64: {  	[tilespmem:s16+$0xFFFFFE50] =	vst.add.f32.msk $0xffff, v1  }
0x65: {  	[tilespmem:s16+$0xFFFFFED0] =	vst.add.f32.msk $0xffff, v2  }
0x66: {  	v1 =	vld [tilespmem:s11+$0x15C50]  }
0x67: {  	[tilespmem:s16+$0xFFFFFFE0] =	vst.add.f32.msk $0xffff, v0  }
0x68: {  	v0 =	vld [tilespmem:s17+$0x15C60]  }
0x69: {  	[tilespmem:s16+$0xFFFFFF50] =	vst.add.f32.msk $0xffff, v3  }
0x6a: {  	v2 =	vld [tilespmem:s0+$0x15C50]  }
0x6b: {  	[tilespmem:s16+$0xFFFFFEE0] =	vst.add.f32.msk $0xffff, v1  }
0x6c: {  	v1 =	vld [tilespmem:s11+$0x15C60]  }
0x6d: {  	[tilespmem:s16+$0xFFFFFFF0] =	vst.add.f32.msk $0xffff, v0  }
0x6e: {  	s28 =	sadd.s32 $0x0, s2;
	v0 =	vld [tilespmem:s12+$0x15C50]  }
0x6f: {  	s19 =	sadd.s32 $0x7, s28;
	[tilespmem:s16+$0xFFFFFF60] =	vst.add.f32.msk $0xffff, v2  }
0x70: {  	p2 =	slt.u32 s19, $0xC8;
	v3 =	vld [tilespmem:s17+$0x15C70];
	s17 =	simm.s32 $0x0  }
0x71: {  	s20 =	sadd.s32 $0x5, s28;
	v2 =	vld [tilespmem:s0+$0x15C60];
	s17 =	simm.s32 @!p2 $0x7FFF38  }
0x72: {  	p4 =	slt.u32 s20, $0xC8;
	[tilespmem:s16+$0xFFFFFEF0] =	vst.add.f32.msk $0xffff, v1;
	s23 =	sadd.s32 s17, s28;
	s17 =	simm.s32 $0x0  }
0x73: {  	s17 =	simm.s32 @!p4 $0x7FFF38;
	[tilespmem:s16+$0xFFFFFE60] =	vst.add.f32.msk $0xffff, v0  }
0x74: {  	s24 =	sadd.s32 s17, s28;
	v0 =	vld [tilespmem:s12+$0x15C60]  }
0x75: {  	v1 =	vld [tilespmem:s11+$0x15C70];
	s11 =	sshll.u32 s24, $0x9  }
0x76: {  	s21 =	sadd.s32 $0x6, s28;
	[tilespmem:s16+$0xFFFFFF70] =	vst.add.f32.msk $0xffff, v2;
	s11 =	sadd.s32 $0xA00, s11  }
0x77: {  	s20 =	simm.s32 $0x0;
	p2 =	slt.u32 s21, $0xC8;
	[tilespmem:s16+$0x0] =	vst.add.f32.msk $0xffff, v3;
	s21 =	sshra.s32 s11, $0x2  }
0x78: {  	s22 =	sadd.s32 $0x4, s28;
	s20 =	simm.s32 @!p2 $0x7FFF38;
	v4 =	vld [tilespmem:s21+$0x15C00]  }
0x79: {  	p3 =	slt.u32 s22, $0xC8;
	s19 =	simm.s32 $0x0;
	s26 =	sadd.s32 s20, s28;
	[tilespmem:s16+$0xFFFFFE70] =	vst.add.f32.msk $0xffff, v0  }
0x7a: {  	s19 =	simm.s32 @!p3 $0x7FFF38;
	v0 =	vld [tilespmem:s0+$0x15C70];
	s0 =	sshll.u32 s26, $0x9  }
0x7b: {  	s19 =	sadd.s32 s19, s28;
	[tilespmem:s16+$0xFFFFFF00] =	vst.add.f32.msk $0xffff, v1;
	s0 =	sadd.s32 $0xC00, s0  }
0x7c: {  	s25 =	sshll.u32 s19, $0x9;
	v3 =	vld [tilespmem:s12+$0x15C70];
	s12 =	sshll.u32 s23, $0x9;
	s19 =	sshra.s32 s0, $0x2  }
0x7d: {  	s17 =	simm.s32 $0x1FF0;
	s12 =	sadd.s32 $0xE00, s12;
	v5 =	vld [tilespmem:s19+$0x15C00]  }
0x7e: {  	s12 =	sshra.s32 s12, $0x2;
	[tilespmem:s17+$0xFFFFFE90] =	vst.add.f32.msk $0xffff, v4  }
0x7f: {  	v2 =	vld [tilespmem:s12+$0x15C00]  }
0x80: {  	s28 =	sadd.s32 $0x800, s25;
	v4 =	vld [tilespmem:s21+$0x15C10]  }
0x81: {  	s24 =	sshra.s32 s28, $0x2;
	[tilespmem:s16+$0xFFFFFE80] =	vst.add.f32.msk $0xffff, v3  }
0x82: {  	v3 =	vld [tilespmem:s24+$0x15C00]  }
0x83: {  	[tilespmem:s17+$0xFFFFFF10] =	vst.add.f32.msk $0xffff, v5  }
0x84: {  	[tilespmem:s17+$0xFFFFFF90] =	vst.add.f32.msk $0xffff, v2  }
0x85: {  	v5 =	vld [tilespmem:s19+$0x15C10]  }
0x86: {  	[tilespmem:s17+$0xFFFFFEA0] =	vst.add.f32.msk $0xffff, v4  }
0x87: {  	v2 =	vld [tilespmem:s12+$0x15C10]  }
0x88: {  	v4 =	vld [tilespmem:s21+$0x15C20]  }
0x89: {  	[tilespmem:s17+$0xFFFFFE10] =	vst.add.f32.msk $0xffff, v3  }
0x8a: {  	v3 =	vld [tilespmem:s24+$0x15C10]  }
0x8b: {  	[tilespmem:s17+$0xFFFFFF20] =	vst.add.f32.msk $0xffff, v5  }
0x8c: {  	[tilespmem:s17+$0xFFFFFFA0] =	vst.add.f32.msk $0xffff, v2  }
0x8d: {  	v2 =	vld [tilespmem:s12+$0x15C20]  }
0x8e: {  	v5 =	vld [tilespmem:s19+$0x15C20]  }
0x8f: {  	[tilespmem:s17+$0xFFFFFEB0] =	vst.add.f32.msk $0xffff, v4  }
0x90: {  	v4 =	vld [tilespmem:s21+$0x15C30]  }
0x91: {  	[tilespmem:s17+$0xFFFFFE20] =	vst.add.f32.msk $0xffff, v3  }
0x92: {  	[tilespmem:s17+$0xFFFFFFB0] =	vst.add.f32.msk $0xffff, v2  }
0x93: {  	v2 =	vld [tilespmem:s12+$0x15C30]  }
0x94: {  	v3 =	vld [tilespmem:s24+$0x15C20]  }
0x95: {  	[tilespmem:s17+$0xFFFFFF30] =	vst.add.f32.msk $0xffff, v5  }
0x96: {  	v5 =	vld [tilespmem:s19+$0x15C30]  }
0x97: {  	[tilespmem:s17+$0xFFFFFEC0] =	vst.add.f32.msk $0xffff, v4  }
0x98: {  	[tilespmem:s17+$0xFFFFFFC0] =	vst.add.f32.msk $0xffff, v2  }
0x99: {  	v2 =	vld [tilespmem:s12+$0x15C40]  }
0x9a: {  	v4 =	vld [tilespmem:s21+$0x15C40]  }
0x9b: {  	[tilespmem:s17+$0xFFFFFE30] =	vst.add.f32.msk $0xffff, v3  }
0x9c: {  	v3 =	vld [tilespmem:s24+$0x15C30]  }
0x9d: {  	[tilespmem:s17+$0xFFFFFF40] =	vst.add.f32.msk $0xffff, v5  }
0x9e: {  	[tilespmem:s17+$0xFFFFFFD0] =	vst.add.f32.msk $0xffff, v2  }
0x9f: {  	v2 =	vld [tilespmem:s12+$0x15C50]  }
0xa0: {  	v5 =	vld [tilespmem:s19+$0x15C40]  }
0xa1: {  	[tilespmem:s17+$0xFFFFFED0] =	vst.add.f32.msk $0xffff, v4  }
0xa2: {  	[tilespmem:s17+$0xFFFFFE40] =	vst.add.f32.msk $0xffff, v3  }
0xa3: {  	v3 =	vld [tilespmem:s24+$0x15C40]  }
0xa4: {  	[tilespmem:s17+$0xFFFFFFE0] =	vst.add.f32.msk $0xffff, v2  }
0xa5: {  	v2 =	vld [tilespmem:s12+$0x15C60]  }
0xa6: {  	v4 =	vld [tilespmem:s21+$0x15C50]  }
0xa7: {  	[tilespmem:s17+$0xFFFFFF50] =	vst.add.f32.msk $0xffff, v5  }
0xa8: {  	[tilespmem:s17+$0xFFFFFE50] =	vst.add.f32.msk $0xffff, v3  }
0xa9: {  	s20 =	smulhi.u32 $0x51EB851F, s14;
	v3 =	vld [tilespmem:s24+$0x15C50]  }
0xaa: {  	s22 =	smulhi.u32 $0x51EB851F, s1;
	[tilespmem:s17+$0xFFFFFFF0] =	vst.add.f32.msk $0xffff, v2  }
0xab: {  	s15 =	smulhi.u32 $0x51EB851F, s7;
	s11 =	sshrl.u32 s20, $0x6;
	v2 =	vld [tilespmem:s12+$0x15C70]  }
0xac: {  	s25 =	smul.u32 $0xC8, s11;
	v5 =	vld [tilespmem:s19+$0x15C50]  }
0xad: {  	s26 =	sshrl.u32 s22, $0x6;
	s23 =	smulhi.u32 $0x51EB851F, s8;
	[tilespmem:s17+$0xFFFFFEE0] =	vst.add.f32.msk $0xffff, v4  }
0xae: {  	s22 =	smul.u32 $0xC8, s26;
	s0 =	sshrl.u32 s15, $0x6;
	v1 =	vld [tilespmem:s21+$0x15C60]  }
0xaf: {  	s0 =	smul.u32 $0xC8, s0;
	s28 =	sshrl.u32 s23, $0x6;
	[tilespmem:s17+$0xFFFFFE60] =	vst.add.f32.msk $0xffff, v3  }
0xb0: {  	s23 =	smul.u32 $0xC8, s28;
	[tilespmem:s17+$0x0] =	vst.add.f32.msk $0xffff, v2  }
0xb1: {  	s20 =	simm.s32 $0x4;
	s15 =	ssub.s32 s9, s22;
	v2 =	vld [tilespmem:s24+$0x15C60]  }
0xb2: {  	s11 =	ssub.s32 s9, s0;
	s0 =	ssub.s32 s9, s23;
	[tilespmem:s17+$0xFFFFFF60] =	vst.add.f32.msk $0xffff, v5;
	s12 =	ssub.s32 s9, s25  }
.LBB2_3:
0xb3: {  	s22 =	sadd.s32 s20, s2  }
0xb4: {  	s20 =	sadd.s32 $0x4, s20;
	s23 =	sadd.s32 $0x4, s22  }
0xb5: {  	v3 =	vld [tilespmem:s19+$0x15C60];
	s25 =	sadd.s32 $0x7, s22;
	p2 =	slt.u32 s20, $0x7C;
	s26 =	sadd.s32 $0x5, s22  }
0xb6: {  	[tilespmem:s17+$0xFFFFFE70] =	vst.add.f32.msk $0xffff, v2;
	s28 =	sadd.s32 $0x6, s22;
	p3 =	slt.u32 s25, $0xC8;
	p4 =	slt.u32 s23, $0xC8  }
0xb7: {  	v2 =	vld [tilespmem:s24+$0x15C70];
	p5 =	slt.u32 s26, $0xC8;
	s23 =	simm.s32 $0x0;
	s24 =	simm.s32 $0x0  }
0xb8: {  	s25 =	simm.s32 $0x0;
	s23 =	simm.s32 @!p3 $0x7FFF38;
	[tilespmem:s16+$0xFFFFFF80] =	vst.add.f32.msk $0xffff, v0;
	s16 =	simm.s32 $0x0  }
0xb9: {  	p3 =	slt.u32 s28, $0xC8;
	s16 =	simm.s32 @!p4 $0x7FFF38;
	s23 =	sadd.s32 s23, s22;
	[tilespmem:s17+$0xFFFFFEF0] =	vst.add.f32.msk $0xffff, v1  }
0xba: {  	s24 =	simm.s32 @!p5 $0x7FFF38;
	s25 =	simm.s32 @!p3 $0x7FFF38;
	s23 =	sshll.u32 s23, $0x9;
	[tilespmem:s17+$0xFFFFFF70] =	vst.add.f32.msk $0xffff, v3  }
0xbb: {  	s24 =	sadd.s32 s24, s22;
	s16 =	sadd.s32 s16, s22;
	s23 =	sadd.s32 $0xE00, s23;
	v1 =	vld [tilespmem:s21+$0x15C70]  }
0xbc: {  	s16 =	sshll.u32 s16, $0x9;
	s21 =	sadd.s32 s25, s22;
	s22 =	sshra.s32 s23, $0x2;
	v0 =	vld [tilespmem:s19+$0x15C70]  }
0xbd: {  	s16 =	sadd.s32 $0x800, s16;
	s19 =	sshll.u32 s24, $0x9;
	s21 =	sshll.u32 s21, $0x9;
	v3 =	vld [tilespmem:s22+$0x15C00]  }
0xbe: {  	s24 =	sshra.s32 s16, $0x2;
	s16 =	sadd.s32 $0xA00, s19;
	s19 =	sadd.s32 $0xC00, s21;
	[tilespmem:s17+$0xFFFFFE80] =	vst.add.f32.msk $0xffff, v2  }
0xbf: {  	s21 =	sshra.s32 s16, $0x2;
	s19 =	sshra.s32 s19, $0x2;
	s16 =	smov.u32 s17;
	v2 =	vld [tilespmem:s24+$0x15C00]  }
0xc0: {  	v4 =	vld [tilespmem:s21+$0x15C00]  }
0xc1: {  	s17 =	sadd.s32 $0x200, s17;
	v5 =	vld [tilespmem:s19+$0x15C00]  }
0xc2: {  	[tilespmem:s17+$0xFFFFFF90] =	vst.add.f32.msk $0xffff, v3  }
0xc3: {  	v3 =	vld [tilespmem:s22+$0x15C10]  }
0xc4: {  	[tilespmem:s17+$0xFFFFFE10] =	vst.add.f32.msk $0xffff, v2  }
0xc5: {  	[tilespmem:s17+$0xFFFFFE90] =	vst.add.f32.msk $0xffff, v4  }
0xc6: {  	[tilespmem:s17+$0xFFFFFF10] =	vst.add.f32.msk $0xffff, v5  }
0xc7: {  	v2 =	vld [tilespmem:s24+$0x15C10]  }
0xc8: {  	[tilespmem:s17+$0xFFFFFFA0] =	vst.add.f32.msk $0xffff, v3  }
0xc9: {  	v3 =	vld [tilespmem:s22+$0x15C20]  }
0xca: {  	v4 =	vld [tilespmem:s21+$0x15C10]  }
0xcb: {  	v5 =	vld [tilespmem:s19+$0x15C10]  }
0xcc: {  	[tilespmem:s17+$0xFFFFFE20] =	vst.add.f32.msk $0xffff, v2  }
0xcd: {  	v2 =	vld [tilespmem:s24+$0x15C20]  }
0xce: {  	[tilespmem:s17+$0xFFFFFFB0] =	vst.add.f32.msk $0xffff, v3  }
0xcf: {  	v3 =	vld [tilespmem:s22+$0x15C30]  }
0xd0: {  	[tilespmem:s17+$0xFFFFFEA0] =	vst.add.f32.msk $0xffff, v4  }
0xd1: {  	[tilespmem:s17+$0xFFFFFF20] =	vst.add.f32.msk $0xffff, v5  }
0xd2: {  	v4 =	vld [tilespmem:s21+$0x15C20]  }
0xd3: {  	v5 =	vld [tilespmem:s19+$0x15C20]  }
0xd4: {  	[tilespmem:s17+$0xFFFFFFC0] =	vst.add.f32.msk $0xffff, v3  }
0xd5: {  	v3 =	vld [tilespmem:s22+$0x15C40]  }
0xd6: {  	[tilespmem:s17+$0xFFFFFE30] =	vst.add.f32.msk $0xffff, v2  }
0xd7: {  	[tilespmem:s17+$0xFFFFFEB0] =	vst.add.f32.msk $0xffff, v4  }
0xd8: {  	[tilespmem:s17+$0xFFFFFF30] =	vst.add.f32.msk $0xffff, v5  }
0xd9: {  	v2 =	vld [tilespmem:s24+$0x15C30]  }
0xda: {  	[tilespmem:s17+$0xFFFFFFD0] =	vst.add.f32.msk $0xffff, v3  }
0xdb: {  	v3 =	vld [tilespmem:s22+$0x15C50]  }
0xdc: {  	v4 =	vld [tilespmem:s21+$0x15C30]  }
0xdd: {  	v5 =	vld [tilespmem:s19+$0x15C30]  }
0xde: {  	[tilespmem:s17+$0xFFFFFE40] =	vst.add.f32.msk $0xffff, v2  }
0xdf: {  	v2 =	vld [tilespmem:s24+$0x15C40]  }
0xe0: {  	[tilespmem:s17+$0xFFFFFFE0] =	vst.add.f32.msk $0xffff, v3  }
0xe1: {  	v3 =	vld [tilespmem:s22+$0x15C60]  }
0xe2: {  	[tilespmem:s17+$0xFFFFFEC0] =	vst.add.f32.msk $0xffff, v4  }
0xe3: {  	[tilespmem:s17+$0xFFFFFF40] =	vst.add.f32.msk $0xffff, v5  }
0xe4: {  	v4 =	vld [tilespmem:s21+$0x15C40]  }
0xe5: {  	v5 =	vld [tilespmem:s19+$0x15C40]  }
0xe6: {  	[tilespmem:s17+$0xFFFFFFF0] =	vst.add.f32.msk $0xffff, v3  }
0xe7: {  	v3 =	vld [tilespmem:s22+$0x15C70]  }
0xe8: {  	[tilespmem:s17+$0xFFFFFE50] =	vst.add.f32.msk $0xffff, v2  }
0xe9: {  	[tilespmem:s17+$0xFFFFFED0] =	vst.add.f32.msk $0xffff, v4  }
0xea: {  	[tilespmem:s17+$0xFFFFFF50] =	vst.add.f32.msk $0xffff, v5  }
0xeb: {  	v2 =	vld [tilespmem:s24+$0x15C50]  }
0xec: {  	[tilespmem:s17+$0x0] =	vst.add.f32.msk $0xffff, v3  }
0xed: {  	v3 =	vld [tilespmem:s21+$0x15C50]  }
0xee: {  	v4 =	vld [tilespmem:s19+$0x15C50]  }
0xef: {  	[tilespmem:s16+$0xFFFFFF00] =	vst.add.f32.msk $0xffff, v1  }
.Ltmp0:
0xf0: {  	[tilespmem:s17+$0xFFFFFE60] =	vst.add.f32.msk $0xffff, v2;
	(pc) =	sbr.rel @p2 .LBB2_3-.Ltmp0, $4  }
0xf1: {  	v2 =	vld [tilespmem:s24+$0x15C60]  }
0xf2: {  	[tilespmem:s17+$0xFFFFFEE0] =	vst.add.f32.msk $0xffff, v3  }
0xf3: {  	[tilespmem:s17+$0xFFFFFF60] =	vst.add.f32.msk $0xffff, v4  }
0xf4: {  	v1 =	vld [tilespmem:s21+$0x15C60]  }
0xf5: {  	v3 =	vld [tilespmem:s19+$0x15C60];
	_ =	sdelay $0x1  }
0xf6: {  	[tilespmem:s17+$0xFFFFFE70] =	vst.add.f32.msk $0xffff, v2  }
0xf7: {  	v2 =	vld [tilespmem:s24+$0x15C70]  }
0xf8: {  	[tilespmem:s17+$0xFFFFFEF0] =	vst.add.f32.msk $0xffff, v1  }
0xf9: {  	[tilespmem:s17+$0xFFFFFF70] =	vst.add.f32.msk $0xffff, v3  }
0xfa: {  	v1 =	vld [tilespmem:s21+$0x15C70]  }
0xfb: {  	v3 =	vld [tilespmem:s19+$0x15C70]  }
0xfc: {  	s2 =	sadd.s32 s6, s31  }
0xfd: {  	[tilespmem:s16+$0xFFFFFF80] =	vst.add.f32.msk $0xffff, v0;
	s23 =	simm.s32 $0x1C00;
	s25 =	sadd.s32 $0xFFFFFFFC, s0;
	s2 =	sshll.u32 s2, $0x4  }
0xfe: {  	s26 =	sadd.s32 $0x84, s25;
	s28 =	sadd.s32 $0x87, s25;
	s20 =	sadd.s32 $0x85, s25;
	[tilespmem:s17+$0xFFFFFE80] =	vst.add.f32.msk $0xffff, v2  }
0xff: {  	s2 =	sadd.s32 s3, s2;
	p3 =	slt.u32 s20, $0xC8;
	s20 =	simm.s32 $0x0;
	[tilespmem:s17+$0xFFFFFF00] =	vst.add.f32.msk $0xffff, v1  }
0x100: {  	s24 =	simm.s32 $0x2;
	p2 =	slt.u32 s26, $0xC8;
	s20 =	simm.s32 @!p3 $0x7FFF38;
	[tilespmem:s17+$0xFFFFFF80] =	vst.add.f32.msk $0xffff, v3  }
0x101: {  	[hbm4b:s2+s5] =	stream.linear.scatter [tilespmem:s23], [sflag:$0x6], $0x4000, $0x38;
	[tilespmem:$0x1DF40] =	vst v63  }
0x102: {  	s20 =	sadd.s32 s20, s25;
	s19 =	simm.s32 $0x0;
	s2 =	simm.s32 @!p1 $0xA  }
0x103: {  	s21 =	simm.s32 $0x0;
	s19 =	simm.s32 @!p2 $0x7FFF38;
	_ =	swait.ge @!p1 [sflag:s2], $0x4000  }
0x104: {  	s19 =	sadd.s32 s19, s25;
	s17 =	simm.s32 $0x0;
	[sflag:s2] =	ssyncset.done @!p1 $0x0  }
0x105: {  	[sflag:s2] =	ssyncadd.s32 @!p1 $0xFFFFC000;
	s2 =	sadd.s32 $0x180, s31;
	p1 =	slt.u32 s28, $0xC8  }
0x106: {  	[tilespmem:s29], [sflag:$0x4] =	stream.indirect.gather [spmem:s4], $0x80, s2, s18, $0xb8;
	[tilespmem:$0x1DF40] =	vst v63  }
0x107: {  	s19 =	sshll.u32 s19, $0x9;
	s23 =	sshll.u32 s20, $0x9;
	s17 =	simm.s32 @!p1 $0x7FFF38  }
0x108: {  	s29 =	sadd.s32 $0x86, s25;
	_ =	swait.ge [sflag:s24], $0x4000;
	s17 =	sadd.s32 s17, s25  }
0x109: {  	p1 =	slt.u32 s29, $0xC8;
	[sflag:s24] =	ssyncset.done $0x0;
	s17 =	sshll.u32 s17, $0x9  }
0x10a: {  	s21 =	simm.s32 @!p1 $0x7FFF38;
	[sflag:s24] =	ssyncadd.s32 $0xFFFFC000;
	s17 =	sadd.s32 $0x10E00, s17  }
0x10b: {  	s16 =	sadd.s32 s21, s25;
	s21 =	sadd.s32 $0x10800, s19;
	s22 =	sshra.s32 s17, $0x2  }
0x10c: {  	s25 =	sadd.s32 $0x10A00, s23;
	s24 =	sshra.s32 s21, $0x2;
	v0 =	vld [tilespmem:s22+$0x15C00]  }
0x10d: {  	s16 =	sshll.u32 s16, $0x9;
	s19 =	sshra.s32 s25, $0x2;
	v1 =	vld [tilespmem:s24+$0x15C00]  }
0x10e: {  	s16 =	sadd.s32 $0x10C00, s16;
	v2 =	vld [tilespmem:s19+$0x15C00]  }
0x10f: {  	s17 =	sshra.s32 s16, $0x2  }
0x110: {  	s16 =	simm.s32 $0x5DF0;
	v3 =	vld [tilespmem:s17+$0x15C00]  }
0x111: {  	[tilespmem:s16+$0xFFFFFF90] =	vst.add.f32.msk $0xffff, v0  }
0x112: {  	[tilespmem:s16+$0xFFFFFE10] =	vst.add.f32.msk $0xffff, v1  }
0x113: {  	[tilespmem:s16+$0xFFFFFE90] =	vst.add.f32.msk $0xffff, v2  }
0x114: {  	v0 =	vld [tilespmem:s22+$0x15C10]  }
0x115: {  	v1 =	vld [tilespmem:s24+$0x15C10]  }
0x116: {  	v2 =	vld [tilespmem:s19+$0x15C10]  }
0x117: {  	[tilespmem:s16+$0xFFFFFF10] =	vst.add.f32.msk $0xffff, v3  }
0x118: {  	v3 =	vld [tilespmem:s17+$0x15C10]  }
0x119: {  	[tilespmem:s16+$0xFFFFFFA0] =	vst.add.f32.msk $0xffff, v0  }
0x11a: {  	[tilespmem:s16+$0xFFFFFE20] =	vst.add.f32.msk $0xffff, v1  }
0x11b: {  	[tilespmem:s16+$0xFFFFFEA0] =	vst.add.f32.msk $0xffff, v2  }
0x11c: {  	v0 =	vld [tilespmem:s22+$0x15C20]  }
0x11d: {  	v1 =	vld [tilespmem:s24+$0x15C20]  }
0x11e: {  	v2 =	vld [tilespmem:s19+$0x15C20]  }
0x11f: {  	[tilespmem:s16+$0xFFFFFF20] =	vst.add.f32.msk $0xffff, v3  }
0x120: {  	v3 =	vld [tilespmem:s17+$0x15C20]  }
0x121: {  	[tilespmem:s16+$0xFFFFFFB0] =	vst.add.f32.msk $0xffff, v0  }
0x122: {  	[tilespmem:s16+$0xFFFFFE30] =	vst.add.f32.msk $0xffff, v1  }
0x123: {  	[tilespmem:s16+$0xFFFFFEB0] =	vst.add.f32.msk $0xffff, v2  }
0x124: {  	v0 =	vld [tilespmem:s22+$0x15C30]  }
0x125: {  	v1 =	vld [tilespmem:s24+$0x15C30]  }
0x126: {  	v2 =	vld [tilespmem:s19+$0x15C30]  }
0x127: {  	[tilespmem:s16+$0xFFFFFF30] =	vst.add.f32.msk $0xffff, v3  }
0x128: {  	v3 =	vld [tilespmem:s17+$0x15C30]  }
0x129: {  	[tilespmem:s16+$0xFFFFFFC0] =	vst.add.f32.msk $0xffff, v0  }
0x12a: {  	[tilespmem:s16+$0xFFFFFE40] =	vst.add.f32.msk $0xffff, v1  }
0x12b: {  	v0 =	vld [tilespmem:s22+$0x15C40]  }
0x12c: {  	[tilespmem:s16+$0xFFFFFEC0] =	vst.add.f32.msk $0xffff, v2  }
0x12d: {  	v1 =	vld [tilespmem:s24+$0x15C40]  }
0x12e: {  	v2 =	vld [tilespmem:s19+$0x15C40]  }
0x12f: {  	[tilespmem:s16+$0xFFFFFF40] =	vst.add.f32.msk $0xffff, v3  }
0x130: {  	[tilespmem:s16+$0xFFFFFFD0] =	vst.add.f32.msk $0xffff, v0  }
0x131: {  	v0 =	vld [tilespmem:s22+$0x15C50]  }
0x132: {  	v3 =	vld [tilespmem:s17+$0x15C40]  }
0x133: {  	[tilespmem:s16+$0xFFFFFE50] =	vst.add.f32.msk $0xffff, v1  }
0x134: {  	[tilespmem:s16+$0xFFFFFED0] =	vst.add.f32.msk $0xffff, v2  }
0x135: {  	v1 =	vld [tilespmem:s19+$0x15C50]  }
0x136: {  	[tilespmem:s16+$0xFFFFFFE0] =	vst.add.f32.msk $0xffff, v0  }
0x137: {  	v0 =	vld [tilespmem:s22+$0x15C60];
	_ =	sdelay $0x1  }
0x138: {  	[tilespmem:s16+$0xFFFFFF50] =	vst.add.f32.msk $0xffff, v3  }
0x139: {  	v2 =	vld [tilespmem:s17+$0x15C50]  }
0x13a: {  	[tilespmem:s16+$0xFFFFFEE0] =	vst.add.f32.msk $0xffff, v1  }
0x13b: {  	[tilespmem:s16+$0xFFFFFFF0] =	vst.add.f32.msk $0xffff, v0  }
0x13c: {  	v0 =	vld [tilespmem:s24+$0x15C50]  }
0x13d: {  	v1 =	vld [tilespmem:s19+$0x15C60]  }
0x13e: {  	[tilespmem:s16+$0xFFFFFF60] =	vst.add.f32.msk $0xffff, v2  }
0x13f: {  	v2 =	vld [tilespmem:s17+$0x15C60]  }
0x140: {  	v3 =	vld [tilespmem:s22+$0x15C70]  }
0x141: {  	[tilespmem:s16+$0xFFFFFE60] =	vst.add.f32.msk $0xffff, v0  }
0x142: {  	s21 =	sadd.s32 $0x0, s0;
	v0 =	vld [tilespmem:s24+$0x15C60]  }
0x143: {  	s26 =	sadd.s32 $0x84, s21;
	s23 =	sadd.s32 $0x87, s21;
	s28 =	sadd.s32 $0x85, s21;
	[tilespmem:s16+$0xFFFFFEF0] =	vst.add.f32.msk $0xffff, v1  }
0x144: {  	s25 =	sadd.s32 $0x86, s21;
	p1 =	slt.u32 s23, $0xC8;
	s22 =	simm.s32 $0x0;
	v1 =	vld [tilespmem:s19+$0x15C70]  }
0x145: {  	p2 =	slt.u32 s26, $0xC8;
	s23 =	simm.s32 $0x0;
	s22 =	simm.s32 @!p1 $0x7FFF38;
	[tilespmem:s16+$0xFFFFFF70] =	vst.add.f32.msk $0xffff, v2  }
0x146: {  	p3 =	slt.u32 s28, $0xC8;
	s29 =	sadd.s32 s22, s21;
	s22 =	simm.s32 $0x0;
	[tilespmem:s16+$0x0] =	vst.add.f32.msk $0xffff, v3  }
0x147: {  	s23 =	simm.s32 @!p2 $0x7FFF38;
	s22 =	simm.s32 @!p3 $0x7FFF38;
	s20 =	sshll.u32 s29, $0x9;
	[tilespmem:s16+$0xFFFFFE70] =	vst.add.f32.msk $0xffff, v0  }
0x148: {  	p1 =	slt.u32 s25, $0xC8;
	s20 =	sadd.s32 $0x10E00, s20;
	s25 =	sadd.s32 s22, s21;
	v3 =	vld [tilespmem:s24+$0x15C70]  }
0x149: {  	s20 =	sshra.s32 s20, $0x2;
	s19 =	sshll.u32 s25, $0x9;
	[tilespmem:s16+$0xFFFFFF00] =	vst.add.f32.msk $0xffff, v1;
	s24 =	simm.s32 $0x0  }
0x14a: {  	s23 =	sadd.s32 s23, s21;
	v2 =	vld [tilespmem:s20+$0x15C00];
	s19 =	sadd.s32 $0x10A00, s19;
	s24 =	simm.s32 @!p1 $0x7FFF38  }
0x14b: {  	s26 =	sshll.u32 s23, $0x9;
	v0 =	vld [tilespmem:s17+$0x15C70];
	s28 =	sadd.s32 s24, s21;
	s21 =	sshra.s32 s19, $0x2  }
0x14c: {  	s29 =	sadd.s32 $0x10800, s26;
	s17 =	sshll.u32 s28, $0x9;
	v4 =	vld [tilespmem:s21+$0x15C00]  }
0x14d: {  	s24 =	sshra.s32 s29, $0x2;
	s17 =	sadd.s32 $0x10C00, s17;
	[tilespmem:s16+$0xFFFFFE80] =	vst.add.f32.msk $0xffff, v3  }
0x14e: {  	v3 =	vld [tilespmem:s24+$0x15C00];
	s19 =	sshra.s32 s17, $0x2  }
0x14f: {  	s17 =	simm.s32 $0x5FF0;
	v5 =	vld [tilespmem:s19+$0x15C00]  }
0x150: {  	[tilespmem:s17+$0xFFFFFF90] =	vst.add.f32.msk $0xffff, v2  }
0x151: {  	v2 =	vld [tilespmem:s20+$0x15C10]  }
0x152: {  	[tilespmem:s17+$0xFFFFFE90] =	vst.add.f32.msk $0xffff, v4  }
0x153: {  	v4 =	vld [tilespmem:s21+$0x15C10]  }
0x154: {  	[tilespmem:s17+$0xFFFFFE10] =	vst.add.f32.msk $0xffff, v3  }
0x155: {  	[tilespmem:s17+$0xFFFFFF10] =	vst.add.f32.msk $0xffff, v5  }
0x156: {  	v3 =	vld [tilespmem:s24+$0x15C10]  }
0x157: {  	[tilespmem:s17+$0xFFFFFFA0] =	vst.add.f32.msk $0xffff, v2  }
0x158: {  	v5 =	vld [tilespmem:s19+$0x15C10]  }
0x159: {  	v2 =	vld [tilespmem:s20+$0x15C20]  }
0x15a: {  	[tilespmem:s17+$0xFFFFFEA0] =	vst.add.f32.msk $0xffff, v4  }
0x15b: {  	v4 =	vld [tilespmem:s21+$0x15C20]  }
0x15c: {  	[tilespmem:s17+$0xFFFFFE20] =	vst.add.f32.msk $0xffff, v3  }
0x15d: {  	v3 =	vld [tilespmem:s24+$0x15C20]  }
0x15e: {  	[tilespmem:s17+$0xFFFFFF20] =	vst.add.f32.msk $0xffff, v5  }
0x15f: {  	[tilespmem:s17+$0xFFFFFFB0] =	vst.add.f32.msk $0xffff, v2  }
0x160: {  	v5 =	vld [tilespmem:s19+$0x15C20]  }
0x161: {  	v2 =	vld [tilespmem:s20+$0x15C30]  }
0x162: {  	[tilespmem:s17+$0xFFFFFEB0] =	vst.add.f32.msk $0xffff, v4  }
0x163: {  	v4 =	vld [tilespmem:s21+$0x15C30]  }
0x164: {  	[tilespmem:s17+$0xFFFFFE30] =	vst.add.f32.msk $0xffff, v3  }
0x165: {  	[tilespmem:s17+$0xFFFFFF30] =	vst.add.f32.msk $0xffff, v5  }
0x166: {  	v3 =	vld [tilespmem:s24+$0x15C30]  }
0x167: {  	[tilespmem:s17+$0xFFFFFFC0] =	vst.add.f32.msk $0xffff, v2  }
0x168: {  	v2 =	vld [tilespmem:s20+$0x15C40]  }
0x169: {  	v5 =	vld [tilespmem:s19+$0x15C30]  }
0x16a: {  	[tilespmem:s17+$0xFFFFFEC0] =	vst.add.f32.msk $0xffff, v4  }
0x16b: {  	v4 =	vld [tilespmem:s21+$0x15C40]  }
0x16c: {  	[tilespmem:s17+$0xFFFFFE40] =	vst.add.f32.msk $0xffff, v3  }
0x16d: {  	[tilespmem:s17+$0xFFFFFFD0] =	vst.add.f32.msk $0xffff, v2  }
0x16e: {  	v2 =	vld [tilespmem:s20+$0x15C50]  }
0x16f: {  	v3 =	vld [tilespmem:s24+$0x15C40]  }
0x170: {  	[tilespmem:s17+$0xFFFFFF40] =	vst.add.f32.msk $0xffff, v5  }
0x171: {  	v5 =	vld [tilespmem:s19+$0x15C40]  }
0x172: {  	[tilespmem:s17+$0xFFFFFED0] =	vst.add.f32.msk $0xffff, v4  }
0x173: {  	[tilespmem:s17+$0xFFFFFFE0] =	vst.add.f32.msk $0xffff, v2  }
0x174: {  	v2 =	vld [tilespmem:s20+$0x15C60]  }
0x175: {  	v4 =	vld [tilespmem:s21+$0x15C50]  }
0x176: {  	[tilespmem:s17+$0xFFFFFE50] =	vst.add.f32.msk $0xffff, v3  }
0x177: {  	[tilespmem:s17+$0xFFFFFF50] =	vst.add.f32.msk $0xffff, v5  }
0x178: {  	v3 =	vld [tilespmem:s24+$0x15C50]  }
0x179: {  	[tilespmem:s17+$0xFFFFFFF0] =	vst.add.f32.msk $0xffff, v2  }
0x17a: {  	v2 =	vld [tilespmem:s20+$0x15C70]  }
0x17b: {  	v5 =	vld [tilespmem:s19+$0x15C50]  }
0x17c: {  	[tilespmem:s17+$0xFFFFFEE0] =	vst.add.f32.msk $0xffff, v4  }
0x17d: {  	v1 =	vld [tilespmem:s21+$0x15C60]  }
0x17e: {  	[tilespmem:s17+$0xFFFFFE60] =	vst.add.f32.msk $0xffff, v3  }
0x17f: {  	[tilespmem:s17+$0x0] =	vst.add.f32.msk $0xffff, v2  }
0x180: {  	v2 =	vld [tilespmem:s24+$0x15C60]  }
0x181: {  	s22 =	simm.s32 $0x4;
	[tilespmem:s17+$0xFFFFFF60] =	vst.add.f32.msk $0xffff, v5;
	s20 =	sadd.s32 $0x80, s31  }
.LBB2_5:
0x182: {  	s23 =	sadd.s32 s22, s0  }
0x183: {  	s22 =	sadd.s32 $0x4, s22;
	s25 =	sadd.s32 $0x84, s23  }
0x184: {  	v3 =	vld [tilespmem:s19+$0x15C60];
	s26 =	sadd.s32 $0x87, s23;
	p1 =	slt.u32 s22, $0x7C;
	s28 =	sadd.s32 $0x85, s23  }
0x185: {  	[tilespmem:s17+$0xFFFFFE70] =	vst.add.f32.msk $0xffff, v2;
	s29 =	sadd.s32 $0x86, s23;
	p2 =	slt.u32 s26, $0xC8;
	p3 =	slt.u32 s25, $0xC8  }
0x186: {  	v2 =	vld [tilespmem:s24+$0x15C70];
	p4 =	slt.u32 s28, $0xC8;
	s24 =	simm.s32 $0x0;
	s25 =	simm.s32 $0x0  }
0x187: {  	s26 =	simm.s32 $0x0;
	s24 =	simm.s32 @!p2 $0x7FFF38;
	[tilespmem:s16+$0xFFFFFF80] =	vst.add.f32.msk $0xffff, v0;
	s16 =	simm.s32 $0x0  }
0x188: {  	p2 =	slt.u32 s29, $0xC8;
	s16 =	simm.s32 @!p3 $0x7FFF38;
	s24 =	sadd.s32 s24, s23;
	[tilespmem:s17+$0xFFFFFEF0] =	vst.add.f32.msk $0xffff, v1  }
0x189: {  	s25 =	simm.s32 @!p4 $0x7FFF38;
	s26 =	simm.s32 @!p2 $0x7FFF38;
	s24 =	sshll.u32 s24, $0x9;
	[tilespmem:s17+$0xFFFFFF70] =	vst.add.f32.msk $0xffff, v3  }
0x18a: {  	s25 =	sadd.s32 s25, s23;
	s16 =	sadd.s32 s16, s23;
	s24 =	sadd.s32 $0x10E00, s24;
	v1 =	vld [tilespmem:s21+$0x15C70]  }
0x18b: {  	s16 =	sshll.u32 s16, $0x9;
	s21 =	sadd.s32 s26, s23;
	s23 =	sshra.s32 s24, $0x2;
	v0 =	vld [tilespmem:s19+$0x15C70]  }
0x18c: {  	s16 =	sadd.s32 $0x10800, s16;
	s19 =	sshll.u32 s25, $0x9;
	s21 =	sshll.u32 s21, $0x9;
	v3 =	vld [tilespmem:s23+$0x15C00]  }
0x18d: {  	s24 =	sshra.s32 s16, $0x2;
	s16 =	sadd.s32 $0x10A00, s19;
	s19 =	sadd.s32 $0x10C00, s21;
	[tilespmem:s17+$0xFFFFFE80] =	vst.add.f32.msk $0xffff, v2  }
0x18e: {  	s21 =	sshra.s32 s16, $0x2;
	s19 =	sshra.s32 s19, $0x2;
	s16 =	smov.u32 s17;
	v2 =	vld [tilespmem:s24+$0x15C00]  }
0x18f: {  	v4 =	vld [tilespmem:s21+$0x15C00]  }
0x190: {  	s17 =	sadd.s32 $0x200, s17;
	v5 =	vld [tilespmem:s19+$0x15C00]  }
0x191: {  	[tilespmem:s17+$0xFFFFFF90] =	vst.add.f32.msk $0xffff, v3  }
0x192: {  	v3 =	vld [tilespmem:s23+$0x15C10]  }
0x193: {  	[tilespmem:s17+$0xFFFFFE10] =	vst.add.f32.msk $0xffff, v2  }
0x194: {  	[tilespmem:s17+$0xFFFFFE90] =	vst.add.f32.msk $0xffff, v4  }
0x195: {  	[tilespmem:s17+$0xFFFFFF10] =	vst.add.f32.msk $0xffff, v5  }
0x196: {  	v2 =	vld [tilespmem:s24+$0x15C10]  }
0x197: {  	[tilespmem:s17+$0xFFFFFFA0] =	vst.add.f32.msk $0xffff, v3  }
0x198: {  	v3 =	vld [tilespmem:s23+$0x15C20]  }
0x199: {  	v4 =	vld [tilespmem:s21+$0x15C10]  }
0x19a: {  	v5 =	vld [tilespmem:s19+$0x15C10]  }
0x19b: {  	[tilespmem:s17+$0xFFFFFE20] =	vst.add.f32.msk $0xffff, v2  }
0x19c: {  	v2 =	vld [tilespmem:s24+$0x15C20]  }
0x19d: {  	[tilespmem:s17+$0xFFFFFFB0] =	vst.add.f32.msk $0xffff, v3  }
0x19e: {  	v3 =	vld [tilespmem:s23+$0x15C30]  }
0x19f: {  	[tilespmem:s17+$0xFFFFFEA0] =	vst.add.f32.msk $0xffff, v4  }
0x1a0: {  	[tilespmem:s17+$0xFFFFFF20] =	vst.add.f32.msk $0xffff, v5  }
0x1a1: {  	v4 =	vld [tilespmem:s21+$0x15C20]  }
0x1a2: {  	v5 =	vld [tilespmem:s19+$0x15C20]  }
0x1a3: {  	[tilespmem:s17+$0xFFFFFFC0] =	vst.add.f32.msk $0xffff, v3  }
0x1a4: {  	v3 =	vld [tilespmem:s23+$0x15C40]  }
0x1a5: {  	[tilespmem:s17+$0xFFFFFE30] =	vst.add.f32.msk $0xffff, v2  }
0x1a6: {  	[tilespmem:s17+$0xFFFFFEB0] =	vst.add.f32.msk $0xffff, v4  }
0x1a7: {  	[tilespmem:s17+$0xFFFFFF30] =	vst.add.f32.msk $0xffff, v5  }
0x1a8: {  	v2 =	vld [tilespmem:s24+$0x15C30]  }
0x1a9: {  	[tilespmem:s17+$0xFFFFFFD0] =	vst.add.f32.msk $0xffff, v3  }
0x1aa: {  	v3 =	vld [tilespmem:s23+$0x15C50]  }
0x1ab: {  	v4 =	vld [tilespmem:s21+$0x15C30]  }
0x1ac: {  	v5 =	vld [tilespmem:s19+$0x15C30]  }
0x1ad: {  	[tilespmem:s17+$0xFFFFFE40] =	vst.add.f32.msk $0xffff, v2  }
0x1ae: {  	v2 =	vld [tilespmem:s24+$0x15C40]  }
0x1af: {  	[tilespmem:s17+$0xFFFFFFE0] =	vst.add.f32.msk $0xffff, v3  }
0x1b0: {  	v3 =	vld [tilespmem:s23+$0x15C60]  }
0x1b1: {  	[tilespmem:s17+$0xFFFFFEC0] =	vst.add.f32.msk $0xffff, v4  }
0x1b2: {  	[tilespmem:s17+$0xFFFFFF40] =	vst.add.f32.msk $0xffff, v5  }
0x1b3: {  	v4 =	vld [tilespmem:s21+$0x15C40]  }
0x1b4: {  	v5 =	vld [tilespmem:s19+$0x15C40]  }
0x1b5: {  	[tilespmem:s17+$0xFFFFFFF0] =	vst.add.f32.msk $0xffff, v3  }
0x1b6: {  	v3 =	vld [tilespmem:s23+$0x15C70]  }
0x1b7: {  	[tilespmem:s17+$0xFFFFFE50] =	vst.add.f32.msk $0xffff, v2  }
0x1b8: {  	[tilespmem:s17+$0xFFFFFED0] =	vst.add.f32.msk $0xffff, v4  }
0x1b9: {  	[tilespmem:s17+$0xFFFFFF50] =	vst.add.f32.msk $0xffff, v5  }
0x1ba: {  	v2 =	vld [tilespmem:s24+$0x15C50]  }
0x1bb: {  	[tilespmem:s17+$0x0] =	vst.add.f32.msk $0xffff, v3  }
0x1bc: {  	v3 =	vld [tilespmem:s21+$0x15C50]  }
0x1bd: {  	v4 =	vld [tilespmem:s19+$0x15C50]  }
0x1be: {  	[tilespmem:s16+$0xFFFFFF00] =	vst.add.f32.msk $0xffff, v1  }
.Ltmp1:
0x1bf: {  	[tilespmem:s17+$0xFFFFFE60] =	vst.add.f32.msk $0xffff, v2;
	(pc) =	sbr.rel @p1 .LBB2_5-.Ltmp1, $4  }
0x1c0: {  	v2 =	vld [tilespmem:s24+$0x15C60]  }
0x1c1: {  	[tilespmem:s17+$0xFFFFFEE0] =	vst.add.f32.msk $0xffff, v3  }
0x1c2: {  	[tilespmem:s17+$0xFFFFFF60] =	vst.add.f32.msk $0xffff, v4  }
0x1c3: {  	v1 =	vld [tilespmem:s21+$0x15C60]  }
0x1c4: {  	v3 =	vld [tilespmem:s19+$0x15C60]  }
0x1c5: {  	[tilespmem:s16+$0xFFFFFF80] =	vst.add.f32.msk $0xffff, v0  }
0x1c6: {  	[tilespmem:s17+$0xFFFFFE70] =	vst.add.f32.msk $0xffff, v2  }
0x1c7: {  	v2 =	vld [tilespmem:s24+$0x15C70]  }
0x1c8: {  	[tilespmem:s17+$0xFFFFFEF0] =	vst.add.f32.msk $0xffff, v1  }
0x1c9: {  	s0 =	sadd.s32 s6, s20;
	[tilespmem:s17+$0xFFFFFF70] =	vst.add.f32.msk $0xffff, v3  }
0x1ca: {  	s25 =	simm.s32 $0x6;
	s31 =	sadd.s32 $0x200, s31;
	s28 =	simm.s32 $0x11C00;
	v1 =	vld [tilespmem:s21+$0x15C70]  }
0x1cb: {  	s26 =	simm.s32 $0x3;
	s29 =	sadd.s32 $0xFFFFFFFC, s15;
	s16 =	simm.s32 $0x0;
	v3 =	vld [tilespmem:s19+$0x15C70]  }
0x1cc: {  	s0 =	sshll.u32 s0, $0x4;
	s20 =	sadd.s32 $0x107, s29;
	s22 =	sadd.s32 $0x106, s29  }
0x1cd: {  	s0 =	sadd.s32 s3, s0;
	s24 =	simm.s32 $0x5C00;
	p1 =	slt.u32 s20, $0xC8  }
0x1ce: {  	s20 =	simm.s32 $0x0;
	s16 =	simm.s32 @!p1 $0x7FFF38;
	p1 =	slt.u32 s22, $0xC8;
	[tilespmem:s17+$0xFFFFFE80] =	vst.add.f32.msk $0xffff, v2  }
0x1cf: {  	s16 =	sadd.s32 s16, s29;
	s20 =	simm.s32 @!p1 $0x7FFF38;
	s21 =	sadd.s32 $0x105, s29;
	[tilespmem:s17+$0xFFFFFF00] =	vst.add.f32.msk $0xffff, v1  }
0x1d0: {  	s16 =	sshll.u32 s16, $0x9;
	s19 =	sadd.s32 $0x104, s29;
	p3 =	slt.u32 s21, $0xC8;
	[tilespmem:s17+$0xFFFFFF80] =	vst.add.f32.msk $0xffff, v3  }
0x1d1: {  	[hbm4b:s0+s5] =	stream.linear.scatter [tilespmem:s24], [sflag:$0x7], $0x4000, $0x38;
	[tilespmem:$0x1DF40] =	vst v63  }
0x1d2: {  	s16 =	sadd.s32 $0x20E00, s16;
	p2 =	slt.u32 s19, $0xC8;
	_ =	swait.ge [sflag:s25], $0x4000  }
0x1d3: {  	s19 =	simm.s32 $0x0;
	s17 =	simm.s32 $0x0;
	[sflag:s25] =	ssyncset.done $0x0  }
0x1d4: {  	s23 =	sshra.s32 s16, $0x2;
	s17 =	simm.s32 @!p2 $0x7FFF38;
	[sflag:s25] =	ssyncadd.s32 $0xFFFFC000  }
0x1d5: {  	[tilespmem:s28], [sflag:$0x5] =	stream.indirect.gather [spmem:s4], $0x80, s31, s18, $0xb8;
	[tilespmem:$0x1DF40] =	vst v63  }
0x1d6: {  	s19 =	simm.s32 @!p3 $0x7FFF38;
	s17 =	sadd.s32 s17, s29;
	_ =	swait.ge [sflag:s26], $0x4000  }
0x1d7: {  	s0 =	sadd.s32 s20, s29;
	s17 =	sshll.u32 s17, $0x9;
	[sflag:s26] =	ssyncset.done $0x0  }
0x1d8: {  	s0 =	sshll.u32 s0, $0x9;
	s25 =	sadd.s32 $0x20800, s17;
	[sflag:s26] =	ssyncadd.s32 $0xFFFFC000  }
0x1d9: {  	s19 =	sadd.s32 s19, s29;
	s0 =	sadd.s32 $0x20C00, s0;
	s29 =	sshra.s32 s25, $0x2;
	v0 =	vld [tilespmem:s23+$0x15C00]  }
0x1da: {  	s16 =	sshra.s32 s0, $0x2;
	s26 =	sshll.u32 s19, $0x9;
	v1 =	vld [tilespmem:s29+$0x15C00]  }
0x1db: {  	s24 =	sadd.s32 $0x20A00, s26;
	v3 =	vld [tilespmem:s16+$0x15C00]  }
0x1dc: {  	s17 =	sshra.s32 s24, $0x2  }
0x1dd: {  	s0 =	simm.s32 $0x9DF0;
	v2 =	vld [tilespmem:s17+$0x15C00]  }
0x1de: {  	[tilespmem:s0+$0xFFFFFF90] =	vst.add.f32.msk $0xffff, v0  }
0x1df: {  	[tilespmem:s0+$0xFFFFFE10] =	vst.add.f32.msk $0xffff, v1  }
0x1e0: {  	[tilespmem:s0+$0xFFFFFF10] =	vst.add.f32.msk $0xffff, v3  }
0x1e1: {  	v0 =	vld [tilespmem:s23+$0x15C10]  }
0x1e2: {  	v1 =	vld [tilespmem:s29+$0x15C10]  }
0x1e3: {  	v3 =	vld [tilespmem:s16+$0x15C10]  }
0x1e4: {  	[tilespmem:s0+$0xFFFFFE90] =	vst.add.f32.msk $0xffff, v2  }
0x1e5: {  	v2 =	vld [tilespmem:s17+$0x15C10]  }
0x1e6: {  	[tilespmem:s0+$0xFFFFFFA0] =	vst.add.f32.msk $0xffff, v0  }
0x1e7: {  	[tilespmem:s0+$0xFFFFFE20] =	vst.add.f32.msk $0xffff, v1  }
0x1e8: {  	[tilespmem:s0+$0xFFFFFF20] =	vst.add.f32.msk $0xffff, v3  }
0x1e9: {  	v0 =	vld [tilespmem:s23+$0x15C20]  }
0x1ea: {  	v1 =	vld [tilespmem:s29+$0x15C20]  }
0x1eb: {  	v3 =	vld [tilespmem:s16+$0x15C20]  }
0x1ec: {  	[tilespmem:s0+$0xFFFFFEA0] =	vst.add.f32.msk $0xffff, v2  }
0x1ed: {  	v2 =	vld [tilespmem:s17+$0x15C20]  }
0x1ee: {  	[tilespmem:s0+$0xFFFFFFB0] =	vst.add.f32.msk $0xffff, v0  }
0x1ef: {  	v0 =	vld [tilespmem:s23+$0x15C30]  }
0x1f0: {  	[tilespmem:s0+$0xFFFFFE30] =	vst.add.f32.msk $0xffff, v1  }
0x1f1: {  	[tilespmem:s0+$0xFFFFFF30] =	vst.add.f32.msk $0xffff, v3  }
0x1f2: {  	v1 =	vld [tilespmem:s29+$0x15C30]  }
0x1f3: {  	v3 =	vld [tilespmem:s16+$0x15C30]  }
0x1f4: {  	[tilespmem:s0+$0xFFFFFFC0] =	vst.add.f32.msk $0xffff, v0  }
0x1f5: {  	v0 =	vld [tilespmem:s23+$0x15C40]  }
0x1f6: {  	[tilespmem:s0+$0xFFFFFEB0] =	vst.add.f32.msk $0xffff, v2  }
0x1f7: {  	v2 =	vld [tilespmem:s17+$0x15C30]  }
0x1f8: {  	[tilespmem:s0+$0xFFFFFE40] =	vst.add.f32.msk $0xffff, v1  }
0x1f9: {  	[tilespmem:s0+$0xFFFFFF40] =	vst.add.f32.msk $0xffff, v3  }
0x1fa: {  	[tilespmem:s0+$0xFFFFFFD0] =	vst.add.f32.msk $0xffff, v0  }
0x1fb: {  	v0 =	vld [tilespmem:s23+$0x15C50]  }
0x1fc: {  	v3 =	vld [tilespmem:s16+$0x15C40]  }
0x1fd: {  	[tilespmem:s0+$0xFFFFFEC0] =	vst.add.f32.msk $0xffff, v2  }
0x1fe: {  	v2 =	vld [tilespmem:s17+$0x15C40]  }
0x1ff: {  	v1 =	vld [tilespmem:s29+$0x15C40]  }
0x200: {  	[tilespmem:s0+$0xFFFFFFE0] =	vst.add.f32.msk $0xffff, v0  }
0x201: {  	v0 =	vld [tilespmem:s23+$0x15C60]  }
0x202: {  	[tilespmem:s0+$0xFFFFFF50] =	vst.add.f32.msk $0xffff, v3  }
0x203: {  	[tilespmem:s0+$0xFFFFFED0] =	vst.add.f32.msk $0xffff, v2  }
0x204: {  	v2 =	vld [tilespmem:s16+$0x15C50]  }
0x205: {  	[tilespmem:s0+$0xFFFFFE50] =	vst.add.f32.msk $0xffff, v1  }
0x206: {  	[tilespmem:s0+$0xFFFFFFF0] =	vst.add.f32.msk $0xffff, v0  }
0x207: {  	v0 =	vld [tilespmem:s29+$0x15C50]  }
0x208: {  	v1 =	vld [tilespmem:s17+$0x15C50]  }
0x209: {  	[tilespmem:s0+$0xFFFFFF60] =	vst.add.f32.msk $0xffff, v2  }
0x20a: {  	v2 =	vld [tilespmem:s16+$0x15C60]  }
0x20b: {  	v3 =	vld [tilespmem:s23+$0x15C70]  }
0x20c: {  	[tilespmem:s0+$0xFFFFFE60] =	vst.add.f32.msk $0xffff, v0  }
0x20d: {  	v0 =	vld [tilespmem:s29+$0x15C60]  }
0x20e: {  	s20 =	sadd.s32 $0x0, s15;
	[tilespmem:s0+$0xFFFFFEE0] =	vst.add.f32.msk $0xffff, v1  }
0x20f: {  	s22 =	sadd.s32 $0x107, s20;
	s25 =	sadd.s32 $0x104, s20;
	v1 =	vld [tilespmem:s17+$0x15C60]  }
0x210: {  	p1 =	slt.u32 s22, $0xC8;
	s22 =	simm.s32 $0x0;
	p2 =	slt.u32 s25, $0xC8;
	[tilespmem:s0+$0xFFFFFF70] =	vst.add.f32.msk $0xffff, v2  }
0x211: {  	s21 =	simm.s32 $0x0;
	s22 =	simm.s32 @!p2 $0x7FFF38;
	s26 =	sadd.s32 $0x106, s20;
	[tilespmem:s0+$0x0] =	vst.add.f32.msk $0xffff, v3  }
0x212: {  	s21 =	simm.s32 @!p1 $0x7FFF38;
	s22 =	sadd.s32 s22, s20;
	p1 =	slt.u32 s26, $0xC8;
	[tilespmem:s0+$0xFFFFFE70] =	vst.add.f32.msk $0xffff, v0  }
0x213: {  	s24 =	sshll.u32 s22, $0x9;
	s23 =	sadd.s32 $0x105, s20;
	v3 =	vld [tilespmem:s29+$0x15C70];
	s29 =	sadd.s32 s21, s20  }
0x214: {  	p3 =	slt.u32 s23, $0xC8;
	[tilespmem:s0+$0xFFFFFEF0] =	vst.add.f32.msk $0xffff, v1;
	s21 =	simm.s32 $0x0;
	s19 =	sshll.u32 s29, $0x9  }
0x215: {  	s23 =	simm.s32 $0x0;
	v1 =	vld [tilespmem:s17+$0x15C70];
	s21 =	simm.s32 @!p3 $0x7FFF38;
	s19 =	sadd.s32 $0x20E00, s19  }
0x216: {  	s23 =	simm.s32 @!p1 $0x7FFF38;
	v0 =	vld [tilespmem:s16+$0x15C70];
	s17 =	sadd.s32 s21, s20;
	s25 =	sshra.s32 s19, $0x2  }
0x217: {  	s26 =	sadd.s32 s23, s20;
	s29 =	sadd.s32 $0x20800, s24;
	s17 =	sshll.u32 s17, $0x9;
	v2 =	vld [tilespmem:s25+$0x15C00]  }
0x218: {  	s16 =	sshll.u32 s26, $0x9;
	s21 =	sshra.s32 s29, $0x2;
	s17 =	sadd.s32 $0x20A00, s17;
	[tilespmem:s0+$0xFFFFFE80] =	vst.add.f32.msk $0xffff, v3  }
0x219: {  	s16 =	sadd.s32 $0x20C00, s16;
	v3 =	vld [tilespmem:s21+$0x15C00];
	s19 =	sshra.s32 s17, $0x2  }
0x21a: {  	s17 =	sshra.s32 s16, $0x2;
	v4 =	vld [tilespmem:s19+$0x15C00]  }
0x21b: {  	s16 =	simm.s32 $0x9FF0;
	v5 =	vld [tilespmem:s17+$0x15C00]  }
0x21c: {  	[tilespmem:s16+$0xFFFFFF90] =	vst.add.f32.msk $0xffff, v2  }
0x21d: {  	v2 =	vld [tilespmem:s25+$0x15C10]  }
0x21e: {  	[tilespmem:s16+$0xFFFFFE10] =	vst.add.f32.msk $0xffff, v3  }
0x21f: {  	[tilespmem:s16+$0xFFFFFE90] =	vst.add.f32.msk $0xffff, v4  }
0x220: {  	[tilespmem:s16+$0xFFFFFF10] =	vst.add.f32.msk $0xffff, v5  }
0x221: {  	v3 =	vld [tilespmem:s21+$0x15C10]  }
0x222: {  	v4 =	vld [tilespmem:s19+$0x15C10]  }
0x223: {  	v5 =	vld [tilespmem:s17+$0x15C10]  }
0x224: {  	[tilespmem:s16+$0xFFFFFFA0] =	vst.add.f32.msk $0xffff, v2  }
0x225: {  	v2 =	vld [tilespmem:s25+$0x15C20]  }
0x226: {  	[tilespmem:s16+$0xFFFFFE20] =	vst.add.f32.msk $0xffff, v3  }
0x227: {  	v3 =	vld [tilespmem:s21+$0x15C20]  }
0x228: {  	[tilespmem:s16+$0xFFFFFEA0] =	vst.add.f32.msk $0xffff, v4  }
0x229: {  	[tilespmem:s16+$0xFFFFFF20] =	vst.add.f32.msk $0xffff, v5  }
0x22a: {  	v4 =	vld [tilespmem:s19+$0x15C20]  }
0x22b: {  	v5 =	vld [tilespmem:s17+$0x15C20]  }
0x22c: {  	[tilespmem:s16+$0xFFFFFFB0] =	vst.add.f32.msk $0xffff, v2  }
0x22d: {  	v2 =	vld [tilespmem:s25+$0x15C30]  }
0x22e: {  	[tilespmem:s16+$0xFFFFFE30] =	vst.add.f32.msk $0xffff, v3  }
0x22f: {  	[tilespmem:s16+$0xFFFFFEB0] =	vst.add.f32.msk $0xffff, v4  }
0x230: {  	[tilespmem:s16+$0xFFFFFF30] =	vst.add.f32.msk $0xffff, v5  }
0x231: {  	v3 =	vld [tilespmem:s21+$0x15C30]  }
0x232: {  	v4 =	vld [tilespmem:s19+$0x15C30]  }
0x233: {  	v5 =	vld [tilespmem:s17+$0x15C30]  }
0x234: {  	[tilespmem:s16+$0xFFFFFFC0] =	vst.add.f32.msk $0xffff, v2  }
0x235: {  	v2 =	vld [tilespmem:s25+$0x15C40]  }
0x236: {  	[tilespmem:s16+$0xFFFFFE40] =	vst.add.f32.msk $0xffff, v3  }
0x237: {  	v3 =	vld [tilespmem:s21+$0x15C40]  }
0x238: {  	[tilespmem:s16+$0xFFFFFEC0] =	vst.add.f32.msk $0xffff, v4  }
0x239: {  	v4 =	vld [tilespmem:s19+$0x15C40]  }
0x23a: {  	[tilespmem:s16+$0xFFFFFFD0] =	vst.add.f32.msk $0xffff, v2  }
0x23b: {  	v2 =	vld [tilespmem:s25+$0x15C50]  }
0x23c: {  	[tilespmem:s16+$0xFFFFFF40] =	vst.add.f32.msk $0xffff, v5  }
0x23d: {  	v5 =	vld [tilespmem:s17+$0x15C40]  }
0x23e: {  	[tilespmem:s16+$0xFFFFFE50] =	vst.add.f32.msk $0xffff, v3  }
0x23f: {  	[tilespmem:s16+$0xFFFFFED0] =	vst.add.f32.msk $0xffff, v4  }
0x240: {  	[tilespmem:s16+$0xFFFFFFE0] =	vst.add.f32.msk $0xffff, v2  }
0x241: {  	v2 =	vld [tilespmem:s25+$0x15C60]  }
0x242: {  	[tilespmem:s16+$0xFFFFFF50] =	vst.add.f32.msk $0xffff, v5  }
0x243: {  	v3 =	vld [tilespmem:s21+$0x15C50]  }
0x244: {  	v4 =	vld [tilespmem:s19+$0x15C50]  }
0x245: {  	v5 =	vld [tilespmem:s17+$0x15C50]  }
0x246: {  	[tilespmem:s16+$0xFFFFFFF0] =	vst.add.f32.msk $0xffff, v2  }
0x247: {  	v2 =	vld [tilespmem:s25+$0x15C70]  }
0x248: {  	[tilespmem:s0+$0xFFFFFF00] =	vst.add.f32.msk $0xffff, v1  }
0x249: {  	[tilespmem:s16+$0xFFFFFE60] =	vst.add.f32.msk $0xffff, v3  }
0x24a: {  	[tilespmem:s16+$0xFFFFFEE0] =	vst.add.f32.msk $0xffff, v4  }
0x24b: {  	[tilespmem:s16+$0xFFFFFF60] =	vst.add.f32.msk $0xffff, v5  }
0x24c: {  	[tilespmem:s16+$0x0] =	vst.add.f32.msk $0xffff, v2  }
0x24d: {  	v2 =	vld [tilespmem:s21+$0x15C60]  }
0x24e: {  	s20 =	simm.s32 $0x4;
	v1 =	vld [tilespmem:s19+$0x15C60]  }
.LBB2_7:
0x24f: {  	s22 =	sadd.s32 s20, s15  }
0x250: {  	s20 =	sadd.s32 $0x4, s20;
	s23 =	sadd.s32 $0x104, s22  }
0x251: {  	v3 =	vld [tilespmem:s17+$0x15C60];
	s24 =	sadd.s32 $0x107, s22;
	p1 =	slt.u32 s20, $0x7C;
	s25 =	sadd.s32 $0x105, s22  }
0x252: {  	[tilespmem:s16+$0xFFFFFE70] =	vst.add.f32.msk $0xffff, v2;
	s26 =	sadd.s32 $0x106, s22;
	p2 =	slt.u32 s24, $0xC8;
	p3 =	slt.u32 s23, $0xC8  }
0x253: {  	v2 =	vld [tilespmem:s21+$0x15C70];
	p4 =	slt.u32 s25, $0xC8;
	s21 =	simm.s32 $0x0;
	s23 =	simm.s32 $0x0  }
0x254: {  	s24 =	simm.s32 $0x0;
	s21 =	simm.s32 @!p2 $0x7FFF38;
	[tilespmem:s0+$0xFFFFFF80] =	vst.add.f32.msk $0xffff, v0;
	s0 =	simm.s32 $0x0  }
0x255: {  	p2 =	slt.u32 s26, $0xC8;
	s0 =	simm.s32 @!p3 $0x7FFF38;
	s21 =	sadd.s32 s21, s22;
	[tilespmem:s16+$0xFFFFFEF0] =	vst.add.f32.msk $0xffff, v1  }
0x256: {  	s23 =	simm.s32 @!p4 $0x7FFF38;
	s24 =	simm.s32 @!p2 $0x7FFF38;
	s21 =	sshll.u32 s21, $0x9;
	[tilespmem:s16+$0xFFFFFF70] =	vst.add.f32.msk $0xffff, v3  }
0x257: {  	s23 =	sadd.s32 s23, s22;
	s0 =	sadd.s32 s0, s22;
	s21 =	sadd.s32 $0x20E00, s21;
	v1 =	vld [tilespmem:s19+$0x15C70]  }
0x258: {  	s0 =	sshll.u32 s0, $0x9;
	s19 =	sadd.s32 s24, s22;
	s22 =	sshra.s32 s21, $0x2;
	v0 =	vld [tilespmem:s17+$0x15C70]  }
0x259: {  	s0 =	sadd.s32 $0x20800, s0;
	s17 =	sshll.u32 s23, $0x9;
	s19 =	sshll.u32 s19, $0x9;
	v3 =	vld [tilespmem:s22+$0x15C00]  }
0x25a: {  	s21 =	sshra.s32 s0, $0x2;
	s0 =	sadd.s32 $0x20A00, s17;
	s17 =	sadd.s32 $0x20C00, s19;
	[tilespmem:s16+$0xFFFFFE80] =	vst.add.f32.msk $0xffff, v2  }
0x25b: {  	s19 =	sshra.s32 s0, $0x2;
	s17 =	sshra.s32 s17, $0x2;
	s0 =	smov.u32 s16;
	v2 =	vld [tilespmem:s21+$0x15C00]  }
0x25c: {  	v4 =	vld [tilespmem:s19+$0x15C00]  }
0x25d: {  	s16 =	sadd.s32 $0x200, s16;
	v5 =	vld [tilespmem:s17+$0x15C00]  }
0x25e: {  	[tilespmem:s16+$0xFFFFFF90] =	vst.add.f32.msk $0xffff, v3  }
0x25f: {  	v3 =	vld [tilespmem:s22+$0x15C10]  }
0x260: {  	[tilespmem:s16+$0xFFFFFE10] =	vst.add.f32.msk $0xffff, v2  }
0x261: {  	[tilespmem:s16+$0xFFFFFE90] =	vst.add.f32.msk $0xffff, v4  }
0x262: {  	[tilespmem:s16+$0xFFFFFF10] =	vst.add.f32.msk $0xffff, v5  }
0x263: {  	v2 =	vld [tilespmem:s21+$0x15C10]  }
0x264: {  	[tilespmem:s16+$0xFFFFFFA0] =	vst.add.f32.msk $0xffff, v3  }
0x265: {  	v3 =	vld [tilespmem:s22+$0x15C20]  }
0x266: {  	v4 =	vld [tilespmem:s19+$0x15C10]  }
0x267: {  	v5 =	vld [tilespmem:s17+$0x15C10]  }
0x268: {  	[tilespmem:s16+$0xFFFFFE20] =	vst.add.f32.msk $0xffff, v2  }
0x269: {  	v2 =	vld [tilespmem:s21+$0x15C20]  }
0x26a: {  	[tilespmem:s16+$0xFFFFFFB0] =	vst.add.f32.msk $0xffff, v3  }
0x26b: {  	v3 =	vld [tilespmem:s22+$0x15C30]  }
0x26c: {  	[tilespmem:s16+$0xFFFFFEA0] =	vst.add.f32.msk $0xffff, v4  }
0x26d: {  	[tilespmem:s16+$0xFFFFFF20] =	vst.add.f32.msk $0xffff, v5  }
0x26e: {  	v4 =	vld [tilespmem:s19+$0x15C20]  }
0x26f: {  	v5 =	vld [tilespmem:s17+$0x15C20]  }
0x270: {  	[tilespmem:s16+$0xFFFFFFC0] =	vst.add.f32.msk $0xffff, v3  }
0x271: {  	v3 =	vld [tilespmem:s22+$0x15C40]  }
0x272: {  	[tilespmem:s16+$0xFFFFFE30] =	vst.add.f32.msk $0xffff, v2  }
0x273: {  	[tilespmem:s16+$0xFFFFFEB0] =	vst.add.f32.msk $0xffff, v4  }
0x274: {  	[tilespmem:s16+$0xFFFFFF30] =	vst.add.f32.msk $0xffff, v5  }
0x275: {  	v2 =	vld [tilespmem:s21+$0x15C30]  }
0x276: {  	[tilespmem:s16+$0xFFFFFFD0] =	vst.add.f32.msk $0xffff, v3  }
0x277: {  	v3 =	vld [tilespmem:s22+$0x15C50]  }
0x278: {  	v4 =	vld [tilespmem:s19+$0x15C30]  }
0x279: {  	v5 =	vld [tilespmem:s17+$0x15C30]  }
0x27a: {  	[tilespmem:s16+$0xFFFFFE40] =	vst.add.f32.msk $0xffff, v2  }
0x27b: {  	v2 =	vld [tilespmem:s21+$0x15C40]  }
0x27c: {  	[tilespmem:s16+$0xFFFFFFE0] =	vst.add.f32.msk $0xffff, v3  }
0x27d: {  	v3 =	vld [tilespmem:s22+$0x15C60]  }
0x27e: {  	[tilespmem:s16+$0xFFFFFEC0] =	vst.add.f32.msk $0xffff, v4  }
0x27f: {  	[tilespmem:s16+$0xFFFFFF40] =	vst.add.f32.msk $0xffff, v5  }
0x280: {  	v4 =	vld [tilespmem:s19+$0x15C40]  }
0x281: {  	v5 =	vld [tilespmem:s17+$0x15C40]  }
0x282: {  	[tilespmem:s16+$0xFFFFFFF0] =	vst.add.f32.msk $0xffff, v3  }
0x283: {  	v3 =	vld [tilespmem:s22+$0x15C70]  }
0x284: {  	[tilespmem:s16+$0xFFFFFE50] =	vst.add.f32.msk $0xffff, v2  }
0x285: {  	[tilespmem:s16+$0xFFFFFED0] =	vst.add.f32.msk $0xffff, v4  }
0x286: {  	[tilespmem:s16+$0xFFFFFF50] =	vst.add.f32.msk $0xffff, v5  }
0x287: {  	v2 =	vld [tilespmem:s21+$0x15C50]  }
0x288: {  	[tilespmem:s16+$0x0] =	vst.add.f32.msk $0xffff, v3  }
0x289: {  	v3 =	vld [tilespmem:s19+$0x15C50]  }
0x28a: {  	v4 =	vld [tilespmem:s17+$0x15C50]  }
0x28b: {  	[tilespmem:s0+$0xFFFFFF00] =	vst.add.f32.msk $0xffff, v1  }
.Ltmp2:
0x28c: {  	[tilespmem:s16+$0xFFFFFE60] =	vst.add.f32.msk $0xffff, v2;
	(pc) =	sbr.rel @p1 .LBB2_7-.Ltmp2, $4  }
0x28d: {  	v2 =	vld [tilespmem:s21+$0x15C60]  }
0x28e: {  	[tilespmem:s16+$0xFFFFFEE0] =	vst.add.f32.msk $0xffff, v3  }
0x28f: {  	[tilespmem:s16+$0xFFFFFF60] =	vst.add.f32.msk $0xffff, v4  }
0x290: {  	v1 =	vld [tilespmem:s19+$0x15C60]  }
0x291: {  	v3 =	vld [tilespmem:s17+$0x15C60];
	_ =	sdelay $0x1  }
0x292: {  	[tilespmem:s16+$0xFFFFFE70] =	vst.add.f32.msk $0xffff, v2  }
0x293: {  	v2 =	vld [tilespmem:s21+$0x15C70]  }
0x294: {  	[tilespmem:s16+$0xFFFFFEF0] =	vst.add.f32.msk $0xffff, v1  }
0x295: {  	[tilespmem:s16+$0xFFFFFF70] =	vst.add.f32.msk $0xffff, v3  }
0x296: {  	v1 =	vld [tilespmem:s19+$0x15C70]  }
0x297: {  	v3 =	vld [tilespmem:s17+$0x15C70]  }
0x298: {  	s22 =	sadd.s32 s6, s13;
	s26 =	simm.s32 $0x9C00;
	p1 =	seq.s32 s10, $0x9  }
0x299: {  	[tilespmem:s0+$0xFFFFFF80] =	vst.add.f32.msk $0xffff, v0;
	s23 =	simm.s32 $0x7;
	s24 =	simm.s32 $0x4;
	s25 =	sadd.s32 $0xFFFFFFFC, s12  }
0x29a: {  	s0 =	sshll.u32 s22, $0x4;
	s15 =	simm.s32 @!p1 $0x80;
	s20 =	sadd.s32 $0x185, s25;
	[tilespmem:s16+$0xFFFFFE80] =	vst.add.f32.msk $0xffff, v2  }
0x29b: {  	s0 =	sadd.s32 s3, s0;
	s21 =	sadd.s32 $0x186, s25;
	s19 =	sadd.s32 $0x187, s25;
	[tilespmem:s16+$0xFFFFFF00] =	vst.add.f32.msk $0xffff, v1  }
0x29c: {  	p4 =	slt.u32 s20, $0xC8;
	s17 =	sadd.s32 $0x184, s25;
	p2 =	slt.u32 s19, $0xC8;
	[tilespmem:s16+$0xFFFFFF80] =	vst.add.f32.msk $0xffff, v3  }
0x29d: {  	[hbm4b:s0+s5] =	stream.linear.scatter [tilespmem:s26], [sflag:$0x8], $0x4000, $0x38;
	[tilespmem:$0x1DF40] =	vst v63  }
0x29e: {  	p3 =	slt.u32 s17, $0xC8;
	s17 =	simm.s32 $0x0;
	s0 =	smul.u32 @!p1 $0xA00, s10  }
0x29f: {  	s19 =	simm.s32 $0x0;
	s17 =	simm.s32 @!p4 $0x7FFF38;
	_ =	swait.ge [sflag:s23], $0x4000  }
0x2a0: {  	s17 =	sadd.s32 s17, s25;
	[sflag:s23] =	ssyncset.done $0x0;
	s0 =	sshra.s32 @!p1 s0, $0x2  }
0x2a1: {  	s16 =	simm.s32 @!p1 $0x1C00;
	[sflag:s23] =	ssyncadd.s32 $0xFFFFC000;
	s13 =	sadd.s32 @!p1 $0x280, s0  }
0x2a2: {  	[tilespmem:s16], [sflag:$0x1] =	stream.indirect.gather @!p1 [spmem:s4], $0x80, s13, s15, $0xb8;
	[tilespmem:$0x1DF40] =	vst v63  }
0x2a3: {  	s23 =	sshll.u32 s17, $0x9;
	s15 =	simm.s32 $0x0;
	s16 =	simm.s32 $0x0  }
0x2a4: {  	_ =	swait.ge [sflag:s24], $0x4000;
	s15 =	simm.s32 @!p2 $0x7FFF38;
	s16 =	simm.s32 @!p3 $0x7FFF38  }
0x2a5: {  	p2 =	slt.u32 s21, $0xC8;
	[sflag:s24] =	ssyncset.done $0x0;
	s15 =	sadd.s32 s15, s25  }
0x2a6: {  	s19 =	simm.s32 @!p2 $0x7FFF38;
	s16 =	sadd.s32 s16, s25;
	[sflag:s24] =	ssyncadd.s32 $0xFFFFC000  }
0x2a7: {  	s15 =	sshll.u32 s15, $0x9;
	s16 =	sshll.u32 s16, $0x9;
	s24 =	sadd.s32 $0x30A00, s23  }
0x2a8: {  	s15 =	sadd.s32 $0x30E00, s15;
	s22 =	sadd.s32 $0x30800, s16;
	s16 =	sshra.s32 s24, $0x2  }
0x2a9: {  	s13 =	sadd.s32 s19, s25;
	s20 =	sshra.s32 s15, $0x2;
	v2 =	vld [tilespmem:s16+$0x15C00]  }
0x2aa: {  	s13 =	sshll.u32 s13, $0x9;
	s17 =	sshra.s32 s22, $0x2;
	v0 =	vld [tilespmem:s20+$0x15C00]  }
0x2ab: {  	s13 =	sadd.s32 $0x30C00, s13;
	v1 =	vld [tilespmem:s17+$0x15C00]  }
0x2ac: {  	s15 =	sshra.s32 s13, $0x2  }
0x2ad: {  	s13 =	simm.s32 $0xDDF0;
	v3 =	vld [tilespmem:s15+$0x15C00]  }
0x2ae: {  	[tilespmem:s13+$0xFFFFFE90] =	vst.add.f32.msk $0xffff, v2  }
0x2af: {  	[tilespmem:s13+$0xFFFFFF90] =	vst.add.f32.msk $0xffff, v0  }
0x2b0: {  	[tilespmem:s13+$0xFFFFFE10] =	vst.add.f32.msk $0xffff, v1  }
0x2b1: {  	v2 =	vld [tilespmem:s16+$0x15C10]  }
0x2b2: {  	v0 =	vld [tilespmem:s20+$0x15C10]  }
0x2b3: {  	v1 =	vld [tilespmem:s17+$0x15C10]  }
0x2b4: {  	[tilespmem:s13+$0xFFFFFF10] =	vst.add.f32.msk $0xffff, v3  }
0x2b5: {  	v3 =	vld [tilespmem:s15+$0x15C10]  }
0x2b6: {  	[tilespmem:s13+$0xFFFFFEA0] =	vst.add.f32.msk $0xffff, v2  }
0x2b7: {  	[tilespmem:s13+$0xFFFFFFA0] =	vst.add.f32.msk $0xffff, v0  }
0x2b8: {  	[tilespmem:s13+$0xFFFFFE20] =	vst.add.f32.msk $0xffff, v1  }
0x2b9: {  	v2 =	vld [tilespmem:s16+$0x15C20]  }
0x2ba: {  	v0 =	vld [tilespmem:s20+$0x15C20]  }
0x2bb: {  	v1 =	vld [tilespmem:s17+$0x15C20]  }
0x2bc: {  	[tilespmem:s13+$0xFFFFFF20] =	vst.add.f32.msk $0xffff, v3  }
0x2bd: {  	v3 =	vld [tilespmem:s15+$0x15C20]  }
0x2be: {  	[tilespmem:s13+$0xFFFFFEB0] =	vst.add.f32.msk $0xffff, v2  }
0x2bf: {  	[tilespmem:s13+$0xFFFFFFB0] =	vst.add.f32.msk $0xffff, v0  }
0x2c0: {  	v0 =	vld [tilespmem:s20+$0x15C30]  }
0x2c1: {  	[tilespmem:s13+$0xFFFFFE30] =	vst.add.f32.msk $0xffff, v1  }
0x2c2: {  	v2 =	vld [tilespmem:s16+$0x15C30]  }
0x2c3: {  	[tilespmem:s13+$0xFFFFFF30] =	vst.add.f32.msk $0xffff, v3  }
0x2c4: {  	v1 =	vld [tilespmem:s17+$0x15C30]  }
0x2c5: {  	[tilespmem:s13+$0xFFFFFFC0] =	vst.add.f32.msk $0xffff, v0  }
0x2c6: {  	v0 =	vld [tilespmem:s20+$0x15C40]  }
0x2c7: {  	v3 =	vld [tilespmem:s15+$0x15C30]  }
0x2c8: {  	[tilespmem:s13+$0xFFFFFEC0] =	vst.add.f32.msk $0xffff, v2  }
0x2c9: {  	[tilespmem:s13+$0xFFFFFE40] =	vst.add.f32.msk $0xffff, v1  }
0x2ca: {  	v2 =	vld [tilespmem:s16+$0x15C40]  }
0x2cb: {  	[tilespmem:s13+$0xFFFFFFD0] =	vst.add.f32.msk $0xffff, v0  }
0x2cc: {  	v0 =	vld [tilespmem:s20+$0x15C50]  }
0x2cd: {  	v1 =	vld [tilespmem:s17+$0x15C40]  }
0x2ce: {  	[tilespmem:s13+$0xFFFFFF40] =	vst.add.f32.msk $0xffff, v3  }
0x2cf: {  	v3 =	vld [tilespmem:s15+$0x15C40]  }
0x2d0: {  	[tilespmem:s13+$0xFFFFFED0] =	vst.add.f32.msk $0xffff, v2  }
0x2d1: {  	[tilespmem:s13+$0xFFFFFFE0] =	vst.add.f32.msk $0xffff, v0  }
0x2d2: {  	v0 =	vld [tilespmem:s20+$0x15C60]  }
0x2d3: {  	[tilespmem:s13+$0xFFFFFE50] =	vst.add.f32.msk $0xffff, v1  }
0x2d4: {  	v1 =	vld [tilespmem:s16+$0x15C50]  }
0x2d5: {  	[tilespmem:s13+$0xFFFFFF50] =	vst.add.f32.msk $0xffff, v3  }
0x2d6: {  	v2 =	vld [tilespmem:s15+$0x15C50]  }
0x2d7: {  	[tilespmem:s13+$0xFFFFFFF0] =	vst.add.f32.msk $0xffff, v0  }
0x2d8: {  	v0 =	vld [tilespmem:s17+$0x15C50]  }
0x2d9: {  	[tilespmem:s13+$0xFFFFFEE0] =	vst.add.f32.msk $0xffff, v1  }
0x2da: {  	v1 =	vld [tilespmem:s16+$0x15C60]  }
0x2db: {  	[tilespmem:s13+$0xFFFFFF60] =	vst.add.f32.msk $0xffff, v2  }
0x2dc: {  	v3 =	vld [tilespmem:s20+$0x15C70]  }
0x2dd: {  	[tilespmem:s13+$0xFFFFFE60] =	vst.add.f32.msk $0xffff, v0  }
0x2de: {  	s21 =	simm.s32 $0x0;
	s19 =	sadd.s32 $0x0, s12;
	v0 =	vld [tilespmem:s17+$0x15C60]  }
0x2df: {  	s25 =	sadd.s32 $0x184, s19;
	s24 =	sadd.s32 $0x187, s19;
	s23 =	sadd.s32 $0x186, s19;
	v2 =	vld [tilespmem:s15+$0x15C60]  }
0x2e0: {  	s22 =	sadd.s32 $0x185, s19;
	p2 =	slt.u32 s24, $0xC8;
	[tilespmem:s13+$0xFFFFFEF0] =	vst.add.f32.msk $0xffff, v1;
	s20 =	simm.s32 $0x0  }
0x2e1: {  	p3 =	slt.u32 s25, $0xC8;
	p4 =	slt.u32 s22, $0xC8;
	v1 =	vld [tilespmem:s16+$0x15C70];
	s20 =	simm.s32 @!p2 $0x7FFF38  }
0x2e2: {  	s21 =	simm.s32 @!p3 $0x7FFF38;
	s25 =	sadd.s32 s20, s19;
	s20 =	simm.s32 $0x0;
	[tilespmem:s13+$0x0] =	vst.add.f32.msk $0xffff, v3  }
0x2e3: {  	s22 =	simm.s32 $0x0;
	p2 =	slt.u32 s23, $0xC8;
	s20 =	simm.s32 @!p4 $0x7FFF38;
	[tilespmem:s13+$0xFFFFFE70] =	vst.add.f32.msk $0xffff, v0  }
0x2e4: {  	s22 =	simm.s32 @!p2 $0x7FFF38;
	s16 =	sadd.s32 s20, s19;
	v3 =	vld [tilespmem:s17+$0x15C70];
	s17 =	sshll.u32 s25, $0x9  }
0x2e5: {  	[tilespmem:s13+$0xFFFFFF70] =	vst.add.f32.msk $0xffff, v2;
	s24 =	sadd.s32 s22, s19;
	s16 =	sshll.u32 s16, $0x9;
	s17 =	sadd.s32 $0x30E00, s17  }
0x2e6: {  	s16 =	sadd.s32 $0x30A00, s16;
	v0 =	vld [tilespmem:s15+$0x15C70];
	s15 =	sshll.u32 s24, $0x9;
	s23 =	sshra.s32 s17, $0x2  }
0x2e7: {  	s21 =	sadd.s32 s21, s19;
	s15 =	sadd.s32 $0x30C00, s15;
	s17 =	sshra.s32 s16, $0x2;
	v2 =	vld [tilespmem:s23+$0x15C00]  }
0x2e8: {  	s21 =	sshll.u32 s21, $0x9;
	s16 =	sshra.s32 s15, $0x2;
	v4 =	vld [tilespmem:s17+$0x15C00]  }
0x2e9: {  	s25 =	sadd.s32 $0x30800, s21;
	v5 =	vld [tilespmem:s16+$0x15C00]  }
0x2ea: {  	s19 =	sshra.s32 s25, $0x2;
	[tilespmem:s13+$0xFFFFFE80] =	vst.add.f32.msk $0xffff, v3  }
0x2eb: {  	s15 =	simm.s32 $0xDFF0;
	v3 =	vld [tilespmem:s19+$0x15C00]  }
0x2ec: {  	[tilespmem:s15+$0xFFFFFF90] =	vst.add.f32.msk $0xffff, v2  }
0x2ed: {  	[tilespmem:s15+$0xFFFFFE90] =	vst.add.f32.msk $0xffff, v4  }
0x2ee: {  	[tilespmem:s15+$0xFFFFFF10] =	vst.add.f32.msk $0xffff, v5  }
0x2ef: {  	v2 =	vld [tilespmem:s23+$0x15C10]  }
0x2f0: {  	v4 =	vld [tilespmem:s17+$0x15C10]  }
0x2f1: {  	v5 =	vld [tilespmem:s16+$0x15C10]  }
0x2f2: {  	[tilespmem:s15+$0xFFFFFE10] =	vst.add.f32.msk $0xffff, v3  }
0x2f3: {  	v3 =	vld [tilespmem:s19+$0x15C10]  }
0x2f4: {  	[tilespmem:s15+$0xFFFFFFA0] =	vst.add.f32.msk $0xffff, v2  }
0x2f5: {  	[tilespmem:s15+$0xFFFFFEA0] =	vst.add.f32.msk $0xffff, v4  }
0x2f6: {  	[tilespmem:s15+$0xFFFFFF20] =	vst.add.f32.msk $0xffff, v5  }
0x2f7: {  	v2 =	vld [tilespmem:s23+$0x15C20]  }
0x2f8: {  	v4 =	vld [tilespmem:s17+$0x15C20]  }
0x2f9: {  	v5 =	vld [tilespmem:s16+$0x15C20]  }
0x2fa: {  	[tilespmem:s15+$0xFFFFFE20] =	vst.add.f32.msk $0xffff, v3  }
0x2fb: {  	v3 =	vld [tilespmem:s19+$0x15C20]  }
0x2fc: {  	[tilespmem:s15+$0xFFFFFFB0] =	vst.add.f32.msk $0xffff, v2  }
0x2fd: {  	[tilespmem:s15+$0xFFFFFEB0] =	vst.add.f32.msk $0xffff, v4  }
0x2fe: {  	[tilespmem:s15+$0xFFFFFF30] =	vst.add.f32.msk $0xffff, v5  }
0x2ff: {  	v2 =	vld [tilespmem:s23+$0x15C30]  }
0x300: {  	v4 =	vld [tilespmem:s17+$0x15C30]  }
0x301: {  	v5 =	vld [tilespmem:s16+$0x15C30]  }
0x302: {  	[tilespmem:s15+$0xFFFFFE30] =	vst.add.f32.msk $0xffff, v3  }
0x303: {  	v3 =	vld [tilespmem:s19+$0x15C30]  }
0x304: {  	[tilespmem:s15+$0xFFFFFFC0] =	vst.add.f32.msk $0xffff, v2  }
0x305: {  	v2 =	vld [tilespmem:s23+$0x15C40]  }
0x306: {  	[tilespmem:s15+$0xFFFFFEC0] =	vst.add.f32.msk $0xffff, v4  }
0x307: {  	[tilespmem:s15+$0xFFFFFF40] =	vst.add.f32.msk $0xffff, v5  }
0x308: {  	v4 =	vld [tilespmem:s17+$0x15C40]  }
0x309: {  	v5 =	vld [tilespmem:s16+$0x15C40]  }
0x30a: {  	[tilespmem:s15+$0xFFFFFFD0] =	vst.add.f32.msk $0xffff, v2  }
0x30b: {  	v2 =	vld [tilespmem:s23+$0x15C50]  }
0x30c: {  	[tilespmem:s15+$0xFFFFFE40] =	vst.add.f32.msk $0xffff, v3  }
0x30d: {  	v3 =	vld [tilespmem:s19+$0x15C40]  }
0x30e: {  	[tilespmem:s15+$0xFFFFFED0] =	vst.add.f32.msk $0xffff, v4  }
0x30f: {  	[tilespmem:s15+$0xFFFFFF50] =	vst.add.f32.msk $0xffff, v5  }
0x310: {  	[tilespmem:s15+$0xFFFFFFE0] =	vst.add.f32.msk $0xffff, v2  }
0x311: {  	v2 =	vld [tilespmem:s23+$0x15C60]  }
0x312: {  	v4 =	vld [tilespmem:s17+$0x15C50]  }
0x313: {  	v5 =	vld [tilespmem:s16+$0x15C50]  }
0x314: {  	[tilespmem:s15+$0xFFFFFE50] =	vst.add.f32.msk $0xffff, v3  }
0x315: {  	v3 =	vld [tilespmem:s19+$0x15C50]  }
0x316: {  	[tilespmem:s15+$0xFFFFFFF0] =	vst.add.f32.msk $0xffff, v2  }
0x317: {  	v2 =	vld [tilespmem:s23+$0x15C70]  }
0x318: {  	[tilespmem:s13+$0xFFFFFF00] =	vst.add.f32.msk $0xffff, v1  }
0x319: {  	[tilespmem:s15+$0xFFFFFEE0] =	vst.add.f32.msk $0xffff, v4  }
0x31a: {  	[tilespmem:s15+$0xFFFFFF60] =	vst.add.f32.msk $0xffff, v5  }
0x31b: {  	[tilespmem:s15+$0xFFFFFE60] =	vst.add.f32.msk $0xffff, v3  }
0x31c: {  	[tilespmem:s15+$0x0] =	vst.add.f32.msk $0xffff, v2  }
0x31d: {  	v2 =	vld [tilespmem:s19+$0x15C60]  }
0x31e: {  	s29 =	simm.s32 $0xDC00;
	s20 =	simm.s32 $0x4;
	v1 =	vld [tilespmem:s17+$0x15C60]  }
.LBB2_9:
0x31f: {  	s21 =	sadd.s32 s20, s12  }
0x320: {  	s20 =	sadd.s32 $0x4, s20;
	s22 =	sadd.s32 $0x184, s21  }
0x321: {  	v3 =	vld [tilespmem:s16+$0x15C60];
	s23 =	sadd.s32 $0x187, s21;
	p2 =	slt.u32 s20, $0x7C;
	s24 =	sadd.s32 $0x185, s21  }
0x322: {  	[tilespmem:s15+$0xFFFFFE70] =	vst.add.f32.msk $0xffff, v2;
	s25 =	sadd.s32 $0x186, s21;
	p3 =	slt.u32 s23, $0xC8;
	p4 =	slt.u32 s22, $0xC8  }
0x323: {  	v2 =	vld [tilespmem:s19+$0x15C70];
	p5 =	slt.u32 s24, $0xC8;
	s19 =	simm.s32 $0x0;
	s22 =	simm.s32 $0x0  }
0x324: {  	s23 =	simm.s32 $0x0;
	s19 =	simm.s32 @!p3 $0x7FFF38;
	[tilespmem:s13+$0xFFFFFF80] =	vst.add.f32.msk $0xffff, v0;
	s13 =	simm.s32 $0x0  }
0x325: {  	p3 =	slt.u32 s25, $0xC8;
	s13 =	simm.s32 @!p4 $0x7FFF38;
	s19 =	sadd.s32 s19, s21;
	[tilespmem:s15+$0xFFFFFEF0] =	vst.add.f32.msk $0xffff, v1  }
0x326: {  	s22 =	simm.s32 @!p5 $0x7FFF38;
	s23 =	simm.s32 @!p3 $0x7FFF38;
	s19 =	sshll.u32 s19, $0x9;
	[tilespmem:s15+$0xFFFFFF70] =	vst.add.f32.msk $0xffff, v3  }
0x327: {  	s22 =	sadd.s32 s22, s21;
	s13 =	sadd.s32 s13, s21;
	s19 =	sadd.s32 $0x30E00, s19;
	v1 =	vld [tilespmem:s17+$0x15C70]  }
0x328: {  	s13 =	sshll.u32 s13, $0x9;
	s17 =	sadd.s32 s23, s21;
	s21 =	sshra.s32 s19, $0x2;
	v0 =	vld [tilespmem:s16+$0x15C70]  }
0x329: {  	s13 =	sadd.s32 $0x30800, s13;
	s16 =	sshll.u32 s22, $0x9;
	s17 =	sshll.u32 s17, $0x9;
	v3 =	vld [tilespmem:s21+$0x15C00]  }
0x32a: {  	s19 =	sshra.s32 s13, $0x2;
	s13 =	sadd.s32 $0x30A00, s16;
	s16 =	sadd.s32 $0x30C00, s17;
	[tilespmem:s15+$0xFFFFFE80] =	vst.add.f32.msk $0xffff, v2  }
0x32b: {  	s17 =	sshra.s32 s13, $0x2;
	s16 =	sshra.s32 s16, $0x2;
	s13 =	smov.u32 s15;
	v2 =	vld [tilespmem:s19+$0x15C00]  }
0x32c: {  	v4 =	vld [tilespmem:s17+$0x15C00]  }
0x32d: {  	s15 =	sadd.s32 $0x200, s15;
	v5 =	vld [tilespmem:s16+$0x15C00]  }
0x32e: {  	[tilespmem:s15+$0xFFFFFF90] =	vst.add.f32.msk $0xffff, v3  }
0x32f: {  	v3 =	vld [tilespmem:s21+$0x15C10]  }
0x330: {  	[tilespmem:s15+$0xFFFFFE10] =	vst.add.f32.msk $0xffff, v2  }
0x331: {  	[tilespmem:s15+$0xFFFFFE90] =	vst.add.f32.msk $0xffff, v4  }
0x332: {  	[tilespmem:s15+$0xFFFFFF10] =	vst.add.f32.msk $0xffff, v5  }
0x333: {  	v2 =	vld [tilespmem:s19+$0x15C10]  }
0x334: {  	[tilespmem:s15+$0xFFFFFFA0] =	vst.add.f32.msk $0xffff, v3  }
0x335: {  	v3 =	vld [tilespmem:s21+$0x15C20]  }
0x336: {  	v4 =	vld [tilespmem:s17+$0x15C10]  }
0x337: {  	v5 =	vld [tilespmem:s16+$0x15C10]  }
0x338: {  	[tilespmem:s15+$0xFFFFFE20] =	vst.add.f32.msk $0xffff, v2  }
0x339: {  	v2 =	vld [tilespmem:s19+$0x15C20]  }
0x33a: {  	[tilespmem:s15+$0xFFFFFFB0] =	vst.add.f32.msk $0xffff, v3  }
0x33b: {  	v3 =	vld [tilespmem:s21+$0x15C30]  }
0x33c: {  	[tilespmem:s15+$0xFFFFFEA0] =	vst.add.f32.msk $0xffff, v4  }
0x33d: {  	[tilespmem:s15+$0xFFFFFF20] =	vst.add.f32.msk $0xffff, v5  }
0x33e: {  	v4 =	vld [tilespmem:s17+$0x15C20]  }
0x33f: {  	v5 =	vld [tilespmem:s16+$0x15C20]  }
0x340: {  	[tilespmem:s15+$0xFFFFFFC0] =	vst.add.f32.msk $0xffff, v3  }
0x341: {  	v3 =	vld [tilespmem:s21+$0x15C40]  }
0x342: {  	[tilespmem:s15+$0xFFFFFE30] =	vst.add.f32.msk $0xffff, v2  }
0x343: {  	[tilespmem:s15+$0xFFFFFEB0] =	vst.add.f32.msk $0xffff, v4  }
0x344: {  	[tilespmem:s15+$0xFFFFFF30] =	vst.add.f32.msk $0xffff, v5  }
0x345: {  	v2 =	vld [tilespmem:s19+$0x15C30]  }
0x346: {  	[tilespmem:s15+$0xFFFFFFD0] =	vst.add.f32.msk $0xffff, v3  }
0x347: {  	v3 =	vld [tilespmem:s21+$0x15C50]  }
0x348: {  	v4 =	vld [tilespmem:s17+$0x15C30]  }
0x349: {  	v5 =	vld [tilespmem:s16+$0x15C30]  }
0x34a: {  	[tilespmem:s15+$0xFFFFFE40] =	vst.add.f32.msk $0xffff, v2  }
0x34b: {  	v2 =	vld [tilespmem:s19+$0x15C40]  }
0x34c: {  	[tilespmem:s15+$0xFFFFFFE0] =	vst.add.f32.msk $0xffff, v3  }
0x34d: {  	v3 =	vld [tilespmem:s21+$0x15C60]  }
0x34e: {  	[tilespmem:s15+$0xFFFFFEC0] =	vst.add.f32.msk $0xffff, v4  }
0x34f: {  	[tilespmem:s15+$0xFFFFFF40] =	vst.add.f32.msk $0xffff, v5  }
0x350: {  	v4 =	vld [tilespmem:s17+$0x15C40]  }
0x351: {  	v5 =	vld [tilespmem:s16+$0x15C40]  }
0x352: {  	[tilespmem:s15+$0xFFFFFFF0] =	vst.add.f32.msk $0xffff, v3  }
0x353: {  	v3 =	vld [tilespmem:s21+$0x15C70]  }
0x354: {  	[tilespmem:s15+$0xFFFFFE50] =	vst.add.f32.msk $0xffff, v2  }
0x355: {  	[tilespmem:s15+$0xFFFFFED0] =	vst.add.f32.msk $0xffff, v4  }
0x356: {  	[tilespmem:s15+$0xFFFFFF50] =	vst.add.f32.msk $0xffff, v5  }
0x357: {  	v2 =	vld [tilespmem:s19+$0x15C50]  }
0x358: {  	[tilespmem:s15+$0x0] =	vst.add.f32.msk $0xffff, v3  }
0x359: {  	v3 =	vld [tilespmem:s17+$0x15C50]  }
0x35a: {  	v4 =	vld [tilespmem:s16+$0x15C50]  }
0x35b: {  	[tilespmem:s13+$0xFFFFFF00] =	vst.add.f32.msk $0xffff, v1  }
.Ltmp3:
0x35c: {  	[tilespmem:s15+$0xFFFFFE60] =	vst.add.f32.msk $0xffff, v2;
	(pc) =	sbr.rel @p2 .LBB2_9-.Ltmp3, $4  }
0x35d: {  	v2 =	vld [tilespmem:s19+$0x15C60]  }
0x35e: {  	[tilespmem:s15+$0xFFFFFEE0] =	vst.add.f32.msk $0xffff, v3  }
0x35f: {  	[tilespmem:s15+$0xFFFFFF60] =	vst.add.f32.msk $0xffff, v4  }
0x360: {  	v1 =	vld [tilespmem:s17+$0x15C60]  }
0x361: {  	v3 =	vld [tilespmem:s16+$0x15C60];
	_ =	sdelay $0x1  }
0x362: {  	[tilespmem:s15+$0xFFFFFE70] =	vst.add.f32.msk $0xffff, v2  }
0x363: {  	v2 =	vld [tilespmem:s19+$0x15C70]  }
0x364: {  	[tilespmem:s15+$0xFFFFFEF0] =	vst.add.f32.msk $0xffff, v1  }
0x365: {  	[tilespmem:s15+$0xFFFFFF70] =	vst.add.f32.msk $0xffff, v3  }
0x366: {  	v1 =	vld [tilespmem:s17+$0x15C70]  }
0x367: {  	v3 =	vld [tilespmem:s16+$0x15C70];
	_ =	sdelay $0x1  }
0x368: {  	[tilespmem:s13+$0xFFFFFF80] =	vst.add.f32.msk $0xffff, v0  }
0x369: {  	s2 =	sadd.s32 s6, s2;
	s23 =	simm.s32 $0x8;
	s0 =	sadd.s32 @!p1 $0x300, s0;
	[tilespmem:s15+$0xFFFFFE80] =	vst.add.f32.msk $0xffff, v2  }
0x36a: {  	s12 =	simm.s32 @!p1 $0x5C00;
	s24 =	sadd.s32 $0xFFFFFFFC, s11;
	s2 =	sshll.u32 s2, $0x4;
	[tilespmem:s15+$0xFFFFFF00] =	vst.add.f32.msk $0xffff, v1  }
0x36b: {  	s25 =	sadd.s32 $0x204, s24;
	s13 =	sadd.s32 $0x207, s24;
	s2 =	sadd.s32 s3, s2;
	[tilespmem:s15+$0xFFFFFF80] =	vst.add.f32.msk $0xffff, v3  }
0x36c: {  	[hbm4b:s2+s5] =	stream.linear.scatter [tilespmem:s29], [sflag:$0x9], $0x4000, $0x38;
	[tilespmem:$0x1DF40] =	vst v63  }
0x36d: {  	p2 =	slt.u32 s25, $0xC8;
	s16 =	sadd.s32 $0x206, s24;
	_ =	swait.ge [sflag:s23], $0x4000  }
0x36e: {  	s15 =	sadd.s32 $0x205, s24;
	s2 =	simm.s32 @!p1 $0x80;
	[sflag:s23] =	ssyncset.done $0x0  }
0x36f: {  	p3 =	slt.u32 s15, $0xC8;
	s15 =	simm.s32 $0x0;
	[sflag:s23] =	ssyncadd.s32 $0xFFFFC000  }
0x370: {  	[tilespmem:s12], [sflag:$0x2] =	stream.indirect.gather @!p1 [spmem:s4], $0x80, s0, s2, $0xb8;
	[tilespmem:$0x1DF40] =	vst v63  }
0x371: {  	p1 =	slt.u32 s13, $0xC8;
	s2 =	simm.s32 $0x0;
	s12 =	simm.s32 $0x0  }
0x372: {  	s13 =	simm.s32 $0x0;
	_ =	swait.ge [sflag:s30], $0x4000;
	s2 =	simm.s32 @!p1 $0x7FFF38  }
0x373: {  	s12 =	simm.s32 @!p2 $0x7FFF38;
	p1 =	slt.u32 s16, $0xC8;
	s13 =	simm.s32 @!p3 $0x7FFF38  }
0x374: {  	[sflag:s30] =	ssyncset.done $0x0;
	s2 =	sadd.s32 s2, s24;
	s15 =	simm.s32 @!p1 $0x7FFF38  }
0x375: {  	s12 =	sadd.s32 s12, s24;
	s13 =	sadd.s32 s13, s24;
	s2 =	sshll.u32 s2, $0x9  }
0x376: {  	[sflag:s30] =	ssyncadd.s32 $0xFFFFC000;
	s12 =	sshll.u32 s12, $0x9;
	s2 =	sadd.s32 $0x40E00, s2  }
0x377: {  	s20 =	sshll.u32 s13, $0x9;
	s19 =	sadd.s32 $0x40800, s12;
	s17 =	sshra.s32 s2, $0x2  }
0x378: {  	s0 =	sadd.s32 s15, s24;
	s22 =	sadd.s32 $0x40A00, s20;
	s21 =	sshra.s32 s19, $0x2;
	v0 =	vld [tilespmem:s17+$0x15C00]  }
0x379: {  	s0 =	sshll.u32 s0, $0x9;
	s12 =	sshra.s32 s22, $0x2;
	v1 =	vld [tilespmem:s21+$0x15C00]  }
0x37a: {  	s0 =	sadd.s32 $0x40C00, s0;
	v2 =	vld [tilespmem:s12+$0x15C00]  }
0x37b: {  	s2 =	sshra.s32 s0, $0x2  }
0x37c: {  	s0 =	simm.s32 $0x11DF0;
	v3 =	vld [tilespmem:s2+$0x15C00]  }
0x37d: {  	[tilespmem:s0+$0xFFFFFF90] =	vst.add.f32.msk $0xffff, v0  }
0x37e: {  	[tilespmem:s0+$0xFFFFFE10] =	vst.add.f32.msk $0xffff, v1  }
0x37f: {  	[tilespmem:s0+$0xFFFFFE90] =	vst.add.f32.msk $0xffff, v2  }
0x380: {  	v0 =	vld [tilespmem:s17+$0x15C10]  }
0x381: {  	v1 =	vld [tilespmem:s21+$0x15C10]  }
0x382: {  	v2 =	vld [tilespmem:s12+$0x15C10]  }
0x383: {  	[tilespmem:s0+$0xFFFFFF10] =	vst.add.f32.msk $0xffff, v3  }
0x384: {  	v3 =	vld [tilespmem:s2+$0x15C10]  }
0x385: {  	[tilespmem:s0+$0xFFFFFFA0] =	vst.add.f32.msk $0xffff, v0  }
0x386: {  	[tilespmem:s0+$0xFFFFFE20] =	vst.add.f32.msk $0xffff, v1  }
0x387: {  	[tilespmem:s0+$0xFFFFFEA0] =	vst.add.f32.msk $0xffff, v2  }
0x388: {  	v0 =	vld [tilespmem:s17+$0x15C20]  }
0x389: {  	v1 =	vld [tilespmem:s21+$0x15C20]  }
0x38a: {  	v2 =	vld [tilespmem:s12+$0x15C20]  }
0x38b: {  	[tilespmem:s0+$0xFFFFFF20] =	vst.add.f32.msk $0xffff, v3  }
0x38c: {  	v3 =	vld [tilespmem:s2+$0x15C20]  }
0x38d: {  	[tilespmem:s0+$0xFFFFFFB0] =	vst.add.f32.msk $0xffff, v0  }
0x38e: {  	[tilespmem:s0+$0xFFFFFE30] =	vst.add.f32.msk $0xffff, v1  }
0x38f: {  	[tilespmem:s0+$0xFFFFFEB0] =	vst.add.f32.msk $0xffff, v2  }
0x390: {  	v0 =	vld [tilespmem:s17+$0x15C30]  }
0x391: {  	v1 =	vld [tilespmem:s21+$0x15C30]  }
0x392: {  	[tilespmem:s0+$0xFFFFFF30] =	vst.add.f32.msk $0xffff, v3  }
0x393: {  	v2 =	vld [tilespmem:s12+$0x15C30]  }
0x394: {  	v3 =	vld [tilespmem:s2+$0x15C30]  }
0x395: {  	[tilespmem:s0+$0xFFFFFFC0] =	vst.add.f32.msk $0xffff, v0  }
0x396: {  	[tilespmem:s0+$0xFFFFFE40] =	vst.add.f32.msk $0xffff, v1  }
0x397: {  	v0 =	vld [tilespmem:s17+$0x15C40]  }
0x398: {  	[tilespmem:s0+$0xFFFFFEC0] =	vst.add.f32.msk $0xffff, v2  }
0x399: {  	v1 =	vld [tilespmem:s21+$0x15C40]  }
0x39a: {  	v2 =	vld [tilespmem:s12+$0x15C40]  }
0x39b: {  	[tilespmem:s0+$0xFFFFFF40] =	vst.add.f32.msk $0xffff, v3  }
0x39c: {  	[tilespmem:s0+$0xFFFFFFD0] =	vst.add.f32.msk $0xffff, v0  }
0x39d: {  	v0 =	vld [tilespmem:s17+$0x15C50]  }
0x39e: {  	v3 =	vld [tilespmem:s2+$0x15C40]  }
0x39f: {  	[tilespmem:s0+$0xFFFFFE50] =	vst.add.f32.msk $0xffff, v1  }
0x3a0: {  	[tilespmem:s0+$0xFFFFFED0] =	vst.add.f32.msk $0xffff, v2  }
0x3a1: {  	v1 =	vld [tilespmem:s12+$0x15C50]  }
0x3a2: {  	[tilespmem:s0+$0xFFFFFFE0] =	vst.add.f32.msk $0xffff, v0  }
0x3a3: {  	v0 =	vld [tilespmem:s17+$0x15C60]  }
0x3a4: {  	[tilespmem:s0+$0xFFFFFF50] =	vst.add.f32.msk $0xffff, v3  }
0x3a5: {  	v2 =	vld [tilespmem:s2+$0x15C50];
	_ =	sdelay $0x1  }
0x3a6: {  	[tilespmem:s0+$0xFFFFFEE0] =	vst.add.f32.msk $0xffff, v1  }
0x3a7: {  	[tilespmem:s0+$0xFFFFFFF0] =	vst.add.f32.msk $0xffff, v0  }
0x3a8: {  	v0 =	vld [tilespmem:s21+$0x15C50]  }
0x3a9: {  	[tilespmem:s0+$0xFFFFFF60] =	vst.add.f32.msk $0xffff, v2  }
0x3aa: {  	v1 =	vld [tilespmem:s12+$0x15C60]  }
0x3ab: {  	v2 =	vld [tilespmem:s2+$0x15C60]  }
0x3ac: {  	v3 =	vld [tilespmem:s17+$0x15C70]  }
0x3ad: {  	s15 =	sadd.s32 $0x0, s11;
	[tilespmem:s0+$0xFFFFFE60] =	vst.add.f32.msk $0xffff, v0  }
0x3ae: {  	s24 =	sadd.s32 $0x207, s15;
	v0 =	vld [tilespmem:s21+$0x15C60]  }
0x3af: {  	s16 =	simm.s32 $0x0;
	s23 =	sadd.s32 $0x204, s15;
	p1 =	slt.u32 s24, $0xC8;
	[tilespmem:s0+$0xFFFFFEF0] =	vst.add.f32.msk $0xffff, v1  }
0x3b0: {  	s25 =	sadd.s32 $0x205, s15;
	s20 =	sadd.s32 $0x206, s15;
	s16 =	simm.s32 @!p1 $0x7FFF38;
	[tilespmem:s0+$0xFFFFFF70] =	vst.add.f32.msk $0xffff, v2  }
0x3b1: {  	p2 =	slt.u32 s23, $0xC8;
	p1 =	slt.u32 s20, $0xC8;
	s20 =	sadd.s32 s16, s15;
	v1 =	vld [tilespmem:s12+$0x15C70]  }
0x3b2: {  	p3 =	slt.u32 s25, $0xC8;
	s16 =	simm.s32 $0x0;
	s13 =	sshll.u32 s20, $0x9;
	[tilespmem:s0+$0x0] =	vst.add.f32.msk $0xffff, v3  }
0x3b3: {  	s19 =	simm.s32 $0x0;
	s16 =	simm.s32 @!p3 $0x7FFF38;
	s13 =	sadd.s32 $0x40E00, s13;
	[tilespmem:s0+$0xFFFFFE70] =	vst.add.f32.msk $0xffff, v0  }
0x3b4: {  	s19 =	simm.s32 @!p1 $0x7FFF38;
	s23 =	sshra.s32 s13, $0x2;
	v3 =	vld [tilespmem:s21+$0x15C70];
	s21 =	sadd.s32 s16, s15  }
0x3b5: {  	s24 =	sadd.s32 s19, s15;
	v2 =	vld [tilespmem:s23+$0x15C00];
	s12 =	sshll.u32 s21, $0x9  }
0x3b6: {  	v0 =	vld [tilespmem:s2+$0x15C70];
	s2 =	sshll.u32 s24, $0x9;
	s12 =	sadd.s32 $0x40A00, s12  }
0x3b7: {  	s17 =	simm.s32 $0x0;
	s2 =	sadd.s32 $0x40C00, s2;
	s13 =	sshra.s32 s12, $0x2  }
0x3b8: {  	s17 =	simm.s32 @!p2 $0x7FFF38;
	s12 =	sshra.s32 s2, $0x2;
	v4 =	vld [tilespmem:s13+$0x15C00]  }
0x3b9: {  	s17 =	sadd.s32 s17, s15;
	s2 =	simm.s32 $0x11FF0;
	v5 =	vld [tilespmem:s12+$0x15C00]  }
0x3ba: {  	s22 =	sshll.u32 s17, $0x9;
	[tilespmem:s2+$0xFFFFFF90] =	vst.add.f32.msk $0xffff, v2  }
0x3bb: {  	s25 =	sadd.s32 $0x40800, s22;
	v2 =	vld [tilespmem:s23+$0x15C10]  }
0x3bc: {  	s15 =	sshra.s32 s25, $0x2;
	[tilespmem:s0+$0xFFFFFE80] =	vst.add.f32.msk $0xffff, v3  }
0x3bd: {  	v3 =	vld [tilespmem:s15+$0x15C00]  }
0x3be: {  	[tilespmem:s2+$0xFFFFFE90] =	vst.add.f32.msk $0xffff, v4  }
0x3bf: {  	[tilespmem:s2+$0xFFFFFF10] =	vst.add.f32.msk $0xffff, v5  }
0x3c0: {  	[tilespmem:s2+$0xFFFFFFA0] =	vst.add.f32.msk $0xffff, v2  }
0x3c1: {  	v4 =	vld [tilespmem:s13+$0x15C10]  }
0x3c2: {  	v5 =	vld [tilespmem:s12+$0x15C10]  }
0x3c3: {  	v2 =	vld [tilespmem:s23+$0x15C20]  }
0x3c4: {  	[tilespmem:s2+$0xFFFFFE10] =	vst.add.f32.msk $0xffff, v3  }
0x3c5: {  	v3 =	vld [tilespmem:s15+$0x15C10]  }
0x3c6: {  	[tilespmem:s2+$0xFFFFFEA0] =	vst.add.f32.msk $0xffff, v4  }
0x3c7: {  	[tilespmem:s2+$0xFFFFFF20] =	vst.add.f32.msk $0xffff, v5  }
0x3c8: {  	[tilespmem:s2+$0xFFFFFFB0] =	vst.add.f32.msk $0xffff, v2  }
0x3c9: {  	v4 =	vld [tilespmem:s13+$0x15C20]  }
0x3ca: {  	v5 =	vld [tilespmem:s12+$0x15C20]  }
0x3cb: {  	v2 =	vld [tilespmem:s23+$0x15C30]  }
0x3cc: {  	[tilespmem:s2+$0xFFFFFE20] =	vst.add.f32.msk $0xffff, v3  }
0x3cd: {  	v3 =	vld [tilespmem:s15+$0x15C20]  }
0x3ce: {  	[tilespmem:s2+$0xFFFFFEB0] =	vst.add.f32.msk $0xffff, v4  }
0x3cf: {  	[tilespmem:s2+$0xFFFFFF30] =	vst.add.f32.msk $0xffff, v5  }
0x3d0: {  	[tilespmem:s2+$0xFFFFFFC0] =	vst.add.f32.msk $0xffff, v2  }
0x3d1: {  	v4 =	vld [tilespmem:s13+$0x15C30]  }
0x3d2: {  	v5 =	vld [tilespmem:s12+$0x15C30]  }
0x3d3: {  	v2 =	vld [tilespmem:s23+$0x15C40]  }
0x3d4: {  	[tilespmem:s2+$0xFFFFFE30] =	vst.add.f32.msk $0xffff, v3  }
0x3d5: {  	v3 =	vld [tilespmem:s15+$0x15C30]  }
0x3d6: {  	[tilespmem:s2+$0xFFFFFEC0] =	vst.add.f32.msk $0xffff, v4  }
0x3d7: {  	[tilespmem:s2+$0xFFFFFF40] =	vst.add.f32.msk $0xffff, v5  }
0x3d8: {  	[tilespmem:s2+$0xFFFFFFD0] =	vst.add.f32.msk $0xffff, v2  }
0x3d9: {  	v4 =	vld [tilespmem:s13+$0x15C40]  }
0x3da: {  	v5 =	vld [tilespmem:s12+$0x15C40]  }
0x3db: {  	v2 =	vld [tilespmem:s23+$0x15C50]  }
0x3dc: {  	[tilespmem:s2+$0xFFFFFE40] =	vst.add.f32.msk $0xffff, v3  }
0x3dd: {  	v3 =	vld [tilespmem:s15+$0x15C40]  }
0x3de: {  	[tilespmem:s2+$0xFFFFFED0] =	vst.add.f32.msk $0xffff, v4  }
0x3df: {  	[tilespmem:s2+$0xFFFFFF50] =	vst.add.f32.msk $0xffff, v5  }
0x3e0: {  	[tilespmem:s2+$0xFFFFFFE0] =	vst.add.f32.msk $0xffff, v2  }
0x3e1: {  	v2 =	vld [tilespmem:s23+$0x15C60]  }
0x3e2: {  	[tilespmem:s2+$0xFFFFFE50] =	vst.add.f32.msk $0xffff, v3  }
0x3e3: {  	v4 =	vld [tilespmem:s13+$0x15C50]  }
0x3e4: {  	v5 =	vld [tilespmem:s12+$0x15C50]  }
0x3e5: {  	v3 =	vld [tilespmem:s15+$0x15C50]  }
0x3e6: {  	[tilespmem:s2+$0xFFFFFFF0] =	vst.add.f32.msk $0xffff, v2  }
0x3e7: {  	v2 =	vld [tilespmem:s23+$0x15C70]  }
0x3e8: {  	[tilespmem:s0+$0xFFFFFF00] =	vst.add.f32.msk $0xffff, v1  }
0x3e9: {  	[tilespmem:s2+$0xFFFFFEE0] =	vst.add.f32.msk $0xffff, v4  }
0x3ea: {  	[tilespmem:s2+$0xFFFFFF60] =	vst.add.f32.msk $0xffff, v5  }
0x3eb: {  	[tilespmem:s2+$0xFFFFFE60] =	vst.add.f32.msk $0xffff, v3  }
0x3ec: {  	[tilespmem:s2+$0x0] =	vst.add.f32.msk $0xffff, v2  }
0x3ed: {  	v2 =	vld [tilespmem:s15+$0x15C60]  }
0x3ee: {  	s16 =	simm.s32 $0x4;
	v1 =	vld [tilespmem:s13+$0x15C60]  }
.LBB2_11:
0x3ef: {  	s17 =	sadd.s32 s16, s11  }
0x3f0: {  	s16 =	sadd.s32 $0x4, s16;
	s19 =	sadd.s32 $0x204, s17  }
0x3f1: {  	v3 =	vld [tilespmem:s12+$0x15C60];
	s20 =	sadd.s32 $0x207, s17;
	p1 =	slt.u32 s16, $0x7C;
	s21 =	sadd.s32 $0x205, s17  }
0x3f2: {  	[tilespmem:s2+$0xFFFFFE70] =	vst.add.f32.msk $0xffff, v2;
	s22 =	sadd.s32 $0x206, s17;
	p2 =	slt.u32 s20, $0xC8;
	p3 =	slt.u32 s19, $0xC8  }
0x3f3: {  	v2 =	vld [tilespmem:s15+$0x15C70];
	p4 =	slt.u32 s21, $0xC8;
	s15 =	simm.s32 $0x0;
	s19 =	simm.s32 $0x0  }
0x3f4: {  	s20 =	simm.s32 $0x0;
	s15 =	simm.s32 @!p2 $0x7FFF38;
	[tilespmem:s0+$0xFFFFFF80] =	vst.add.f32.msk $0xffff, v0;
	s0 =	simm.s32 $0x0  }
0x3f5: {  	p2 =	slt.u32 s22, $0xC8;
	s0 =	simm.s32 @!p3 $0x7FFF38;
	s15 =	sadd.s32 s15, s17;
	[tilespmem:s2+$0xFFFFFEF0] =	vst.add.f32.msk $0xffff, v1  }
0x3f6: {  	s19 =	simm.s32 @!p4 $0x7FFF38;
	s20 =	simm.s32 @!p2 $0x7FFF38;
	s15 =	sshll.u32 s15, $0x9;
	[tilespmem:s2+$0xFFFFFF70] =	vst.add.f32.msk $0xffff, v3  }
0x3f7: {  	s19 =	sadd.s32 s19, s17;
	s0 =	sadd.s32 s0, s17;
	s15 =	sadd.s32 $0x40E00, s15;
	v1 =	vld [tilespmem:s13+$0x15C70]  }
0x3f8: {  	s0 =	sshll.u32 s0, $0x9;
	s13 =	sadd.s32 s20, s17;
	s17 =	sshra.s32 s15, $0x2;
	v0 =	vld [tilespmem:s12+$0x15C70]  }
0x3f9: {  	s0 =	sadd.s32 $0x40800, s0;
	s12 =	sshll.u32 s19, $0x9;
	s13 =	sshll.u32 s13, $0x9;
	v3 =	vld [tilespmem:s17+$0x15C00]  }
0x3fa: {  	s15 =	sshra.s32 s0, $0x2;
	s0 =	sadd.s32 $0x40A00, s12;
	s12 =	sadd.s32 $0x40C00, s13;
	[tilespmem:s2+$0xFFFFFE80] =	vst.add.f32.msk $0xffff, v2  }
0x3fb: {  	s13 =	sshra.s32 s0, $0x2;
	s12 =	sshra.s32 s12, $0x2;
	s0 =	smov.u32 s2;
	v2 =	vld [tilespmem:s15+$0x15C00]  }
0x3fc: {  	v4 =	vld [tilespmem:s13+$0x15C00]  }
0x3fd: {  	s2 =	sadd.s32 $0x200, s2;
	v5 =	vld [tilespmem:s12+$0x15C00]  }
0x3fe: {  	[tilespmem:s2+$0xFFFFFF90] =	vst.add.f32.msk $0xffff, v3  }
0x3ff: {  	v3 =	vld [tilespmem:s17+$0x15C10]  }
0x400: {  	[tilespmem:s2+$0xFFFFFE10] =	vst.add.f32.msk $0xffff, v2  }
0x401: {  	[tilespmem:s2+$0xFFFFFE90] =	vst.add.f32.msk $0xffff, v4  }
0x402: {  	[tilespmem:s2+$0xFFFFFF10] =	vst.add.f32.msk $0xffff, v5  }
0x403: {  	v2 =	vld [tilespmem:s15+$0x15C10]  }
0x404: {  	[tilespmem:s2+$0xFFFFFFA0] =	vst.add.f32.msk $0xffff, v3  }
0x405: {  	v3 =	vld [tilespmem:s17+$0x15C20]  }
0x406: {  	v4 =	vld [tilespmem:s13+$0x15C10]  }
0x407: {  	v5 =	vld [tilespmem:s12+$0x15C10]  }
0x408: {  	[tilespmem:s2+$0xFFFFFE20] =	vst.add.f32.msk $0xffff, v2  }
0x409: {  	v2 =	vld [tilespmem:s15+$0x15C20]  }
0x40a: {  	[tilespmem:s2+$0xFFFFFFB0] =	vst.add.f32.msk $0xffff, v3  }
0x40b: {  	v3 =	vld [tilespmem:s17+$0x15C30]  }
0x40c: {  	[tilespmem:s2+$0xFFFFFEA0] =	vst.add.f32.msk $0xffff, v4  }
0x40d: {  	[tilespmem:s2+$0xFFFFFF20] =	vst.add.f32.msk $0xffff, v5  }
0x40e: {  	v4 =	vld [tilespmem:s13+$0x15C20]  }
0x40f: {  	v5 =	vld [tilespmem:s12+$0x15C20]  }
0x410: {  	[tilespmem:s2+$0xFFFFFFC0] =	vst.add.f32.msk $0xffff, v3  }
0x411: {  	v3 =	vld [tilespmem:s17+$0x15C40]  }
0x412: {  	[tilespmem:s2+$0xFFFFFE30] =	vst.add.f32.msk $0xffff, v2  }
0x413: {  	[tilespmem:s2+$0xFFFFFEB0] =	vst.add.f32.msk $0xffff, v4  }
0x414: {  	[tilespmem:s2+$0xFFFFFF30] =	vst.add.f32.msk $0xffff, v5  }
0x415: {  	v2 =	vld [tilespmem:s15+$0x15C30]  }
0x416: {  	[tilespmem:s2+$0xFFFFFFD0] =	vst.add.f32.msk $0xffff, v3  }
0x417: {  	v3 =	vld [tilespmem:s17+$0x15C50]  }
0x418: {  	v4 =	vld [tilespmem:s13+$0x15C30]  }
0x419: {  	v5 =	vld [tilespmem:s12+$0x15C30]  }
0x41a: {  	[tilespmem:s2+$0xFFFFFE40] =	vst.add.f32.msk $0xffff, v2  }
0x41b: {  	v2 =	vld [tilespmem:s15+$0x15C40]  }
0x41c: {  	[tilespmem:s2+$0xFFFFFFE0] =	vst.add.f32.msk $0xffff, v3  }
0x41d: {  	v3 =	vld [tilespmem:s17+$0x15C60]  }
0x41e: {  	[tilespmem:s2+$0xFFFFFEC0] =	vst.add.f32.msk $0xffff, v4  }
0x41f: {  	[tilespmem:s2+$0xFFFFFF40] =	vst.add.f32.msk $0xffff, v5  }
0x420: {  	v4 =	vld [tilespmem:s13+$0x15C40]  }
0x421: {  	v5 =	vld [tilespmem:s12+$0x15C40]  }
0x422: {  	[tilespmem:s2+$0xFFFFFFF0] =	vst.add.f32.msk $0xffff, v3  }
0x423: {  	v3 =	vld [tilespmem:s17+$0x15C70]  }
0x424: {  	[tilespmem:s2+$0xFFFFFE50] =	vst.add.f32.msk $0xffff, v2  }
0x425: {  	[tilespmem:s2+$0xFFFFFED0] =	vst.add.f32.msk $0xffff, v4  }
0x426: {  	[tilespmem:s2+$0xFFFFFF50] =	vst.add.f32.msk $0xffff, v5  }
0x427: {  	v2 =	vld [tilespmem:s15+$0x15C50]  }
0x428: {  	[tilespmem:s2+$0x0] =	vst.add.f32.msk $0xffff, v3  }
0x429: {  	v3 =	vld [tilespmem:s13+$0x15C50]  }
0x42a: {  	v4 =	vld [tilespmem:s12+$0x15C50]  }
0x42b: {  	[tilespmem:s0+$0xFFFFFF00] =	vst.add.f32.msk $0xffff, v1  }
.Ltmp4:
0x42c: {  	[tilespmem:s2+$0xFFFFFE60] =	vst.add.f32.msk $0xffff, v2;
	(pc) =	sbr.rel @p1 .LBB2_11-.Ltmp4, $4  }
0x42d: {  	v2 =	vld [tilespmem:s15+$0x15C60]  }
0x42e: {  	[tilespmem:s2+$0xFFFFFEE0] =	vst.add.f32.msk $0xffff, v3  }
0x42f: {  	[tilespmem:s2+$0xFFFFFF60] =	vst.add.f32.msk $0xffff, v4  }
0x430: {  	v1 =	vld [tilespmem:s13+$0x15C60]  }
0x431: {  	v3 =	vld [tilespmem:s12+$0x15C60];
	_ =	sdelay $0x1  }
0x432: {  	[tilespmem:s2+$0xFFFFFE70] =	vst.add.f32.msk $0xffff, v2  }
0x433: {  	v2 =	vld [tilespmem:s15+$0x15C70]  }
0x434: {  	[tilespmem:s2+$0xFFFFFEF0] =	vst.add.f32.msk $0xffff, v1  }
0x435: {  	[tilespmem:s2+$0xFFFFFF70] =	vst.add.f32.msk $0xffff, v3  }
0x436: {  	v1 =	vld [tilespmem:s13+$0x15C70]  }
0x437: {  	s10 =	sadd.s32 $0x1, s10;
	v3 =	vld [tilespmem:s12+$0x15C70]  }
0x438: {  	p1 =	sne.s32 s10, $0xA  }
.Ltmp5:
0x439: {  	[tilespmem:s0+$0xFFFFFF80] =	vst.add.f32.msk $0xffff, v0;
	(pc) =	sbr.rel @p1 .LBB2_2-.Ltmp5, $4  }
0x43a: {  	s31 =	sadd.s32 s6, s31;
	s9 =	sadd.s32 $0x280, s9;
	[tilespmem:s2+$0xFFFFFE80] =	vst.add.f32.msk $0xffff, v2  }
0x43b: {  	s8 =	sadd.s32 $0x280, s8;
	s1 =	sadd.s32 $0x280, s1;
	s0 =	sshll.u32 s31, $0x4;
	[tilespmem:s2+$0xFFFFFF00] =	vst.add.f32.msk $0xffff, v1  }
0x43c: {  	s14 =	sadd.s32 $0x280, s14;
	s7 =	sadd.s32 $0x280, s7;
	s0 =	sadd.s32 s3, s0;
	[tilespmem:s2+$0xFFFFFF80] =	vst.add.f32.msk $0xffff, v3  }
0x43d: {  	[hbm4b:s0+s5] =	stream.linear.scatter [tilespmem:s28], [sflag:$0xA], $0x4000, $0x38;
	[tilespmem:$0x1DF40] =	vst v63  }
0x43e: {  	s0 =	simm.s32 $0x9  }
0x43f: {  	_ =	swait.ge [sflag:s0], $0x4000  }
0x440: {  	[sflag:s0] =	ssyncset.done $0x0  }
0x441: {  	s1 =	simm.s32 $0xA;
	[sflag:s0] =	ssyncadd.s32 $0xFFFFC000  }
0x442: {  	_ =	swait.ge [sflag:s1], $0x4000  }
0x443: {  	s2 =	rddreg [dreg:$0xd]  }
0x444: {  	s31 =	rddreg [dreg:$0x9];
	s2 =	sadd.s32 $0x1, s2  }
0x445: {  	p1 =	sne.s32 s2, s31  }
.Ltmp6:
0x446: {  	_ = 	snop;
	(pc) =	sbr.rel @p1 .LBB2_1-.Ltmp6, $3  }
0x447: {  	_ =	sdelay $0x1  }
0x448: {  	[sflag:s1] =	ssyncset.done $0x0  }
0x449: {  	[sflag:s1] =	ssyncadd.s32 $0xFFFFC000  }
0x44a: {  	_ =	sfence.sel $0x180000  }
0x44b: {  	[bflag:$0x0] =	sbarrier.arrive $0xFFFF  }
0x44c: {  	_ =	strace $0x90000047  }
0x44d: {  	s0 =	stileid.u32;
	[bflag:$0x2] =	sbarrier.arrive $0xFFFF  }
0x44e: {  	p0 =	sne.s32 s0, $0x0;
	s0 =	rddreg [dreg:$0x5]  }
0x44f: {  	s0 =	sadd.s32 @!p0 $0x100000, s0  }
0x450: {  	[sflag:s0] =	ssyncadd.tile.s32 @!p0 $0x1;
	_ =	shalt  }
.Lfunc_end2:
_tile_overlayer_lowered:
.L_overlay_start_2:
0x451: {  	(tag) =	ssettag $0x2  }
0x452: {  	s0 =	rddreg [dreg:$0x0];
	s2 =	stileid.u32  }
0x453: {  	s1 =	rddreg [dreg:$0x1];
	p0 =	sne.s32 s2, $0x0  }
0x454: {  	s3 =	rddreg [dreg:$0x2];
	[bflag:$0x3] =	sbarrier.arrive $0xFFFF;
	s2 =	simm.s32 @!p0 $0x1C0B  }
0x455: {  	[timem:s3], [sflag:s2] =	dma.local @!p0 [hbm:s0], s1  }
0x456: {  	s0 =	simm.s32 @!p0 $0xB  }
0x457: {  	_ =	swait.ge @!p0 [sflag:s0], s1  }
0x458: {  	s1 =	ssub.s32 @!p0 $0x0, s1;
	[sflag:s0] =	ssyncset.done @!p0 $0x0  }
0x459: {  	[sflag:s0] =	ssyncadd.s32 @!p0 s1  }
0x45a: {  	[bflag:$0x3] =	sbarrier.arrive $0xFFFF  }
0x45b: {  	_ =	shalt  }

</sc_bundles>
